<compile_context>
chip_gen: v7x
topology: tpu7x:2x2x1
jax: 0.10.2.dev20260603
libtpu: 0.0.44.dev20260713+nightly
codegen_flags: <defaults>
</compile_context>

<pallas_src>
import functools

import jax
import jax.numpy as jnp
from jax import lax
from jax.experimental import pallas as pl
from jax.experimental.pallas import tpu as pltpu
from jax.experimental.pallas import tpu_sc as plsc

NS = 16
NC = 2
NQ = 2
K = 128
DQ = 128
RPT = 640
B_TC = 1024
NBUF = 2
NIDX = 2 * NBUF


@functools.lru_cache(maxsize=None)
def _sc_agg(n_rows, n_acc, n_chunks, do_deg):
    assert n_chunks % NIDX == 0
    n_g = n_chunks // NIDX
    half = n_chunks // 2
    out_ty = [jax.ShapeDtypeStruct((NQ, n_acc, DQ), jnp.float32)]
    if do_deg:
        out_ty.append(jax.ShapeDtypeStruct((NC, n_acc), jnp.float32))
    mesh = plsc.VectorSubcoreMesh(core_axis_name="c", subcore_axis_name="s")

    @functools.partial(
        pl.kernel,
        out_type=out_ty,
        mesh=mesh,
        scratch_types=[
            pltpu.VMEM((NIDX, 2, K), jnp.int32),
            pltpu.VMEM((NBUF, K, DQ), jnp.float32),
            pltpu.VMEM((K,), jnp.float32),
            pltpu.VMEM_SHARED((n_acc, DQ), jnp.float32),
            pltpu.VMEM_SHARED((n_acc,), jnp.float32),
            pltpu.SemaphoreType.DMA((NIDX,)),
            pltpu.SemaphoreType.DMA((NBUF,)),
            pltpu.SemaphoreType.DMA((NBUF,)),
            pltpu.SemaphoreType.DMA((NBUF,)),
        ],
    )
    def kfn(tblq, esc, zrows, zdeg, onesrow, *refs):
        if do_deg:
            (outagg, outdeg, idx_v, rows_v, ones_v, agg_sh,
             deg_sh, si, sg, ss, sd) = refs
        else:
            (outagg, idx_v, rows_v, ones_v, agg_sh,
             deg_sh, si, sg, ss, sd) = refs
        c = lax.axis_index("c")
        s = lax.axis_index("s")
        rbase = s * RPT
        cbase = s * n_chunks

        def fire_idx(j, slot):
            pltpu.async_copy(esc.at[cbase + j], idx_v.at[slot],
                             si.at[slot])

        def wait_idx(slot):
            pltpu.make_async_copy(esc.at[cbase], idx_v.at[slot],
                                  si.at[slot]).wait()

        def is_deg(j):
            return lax.select(c == 0, j < half, j >= half)

        if do_deg:
            pltpu.sync_copy(onesrow, ones_v)

        for p in range(NQ // NC):
            q = NC * p + c
            tbl = tblq.at[q]
            pltpu.sync_copy(zrows, agg_sh.at[pl.ds(rbase, RPT)])
            if do_deg and p == 0:
                pltpu.sync_copy(zdeg, deg_sh.at[pl.ds(rbase, RPT)])
            for b in range(NIDX):
                fire_idx(b, b)
            plsc.subcore_barrier()

            deg_pass = do_deg and p == 0

            def body(g, _):
                for h in (0, 1):
                    for b in range(NBUF):
                        islot = NBUF * h + b
                        pslot = NBUF * (1 - h) + b
                        jh = NIDX * g + NBUF * h
                        nxt = jh + NBUF + b

                        def drain():
                            pltpu.make_async_copy(
                                rows_v.at[b], agg_sh.at[idx_v.at[islot, 1]],
                                ss.at[b]).wait()
                            if deg_pass:
                                @pl.when(is_deg(jh - NBUF))
                                def _():
                                    pltpu.make_async_copy(
                                        ones_v, deg_sh.at[idx_v.at[islot, 1]],
                                        sd.at[b]).wait()
                            @pl.when(nxt < n_chunks)
                            def _():
                                fire_idx(nxt, pslot)
                        if h == 0:
                            pl.when(g > 0)(drain)
                        else:
                            drain()
                        wait_idx(islot)
                        pltpu.async_copy(tbl.at[idx_v.at[islot, 0]],
                                         rows_v.at[b], sg.at[b])
                    for b in range(NBUF):
                        islot = NBUF * h + b
                        pltpu.make_async_copy(tbl.at[idx_v.at[islot, 0]],
                                              rows_v.at[b], sg.at[b]).wait()
                        pltpu.async_copy(rows_v.at[b],
                                         agg_sh.at[idx_v.at[islot, 1]],
                                         ss.at[b], add=True)
                        if deg_pass:
                            @pl.when(is_deg(NIDX * g + NBUF * h))
                            def _():
                                pltpu.async_copy(ones_v,
                                                 deg_sh.at[idx_v.at[islot, 1]],
                                                 sd.at[b], add=True)
                return ()

            lax.fori_loop(0, n_g, body, ())
            for b in range(NBUF):
                pltpu.make_async_copy(rows_v.at[b],
                                      agg_sh.at[idx_v.at[NBUF + b, 1]],
                                      ss.at[b]).wait()
                if deg_pass:
                    @pl.when(c == 1)
                    def _():
                        pltpu.make_async_copy(ones_v,
                                              deg_sh.at[idx_v.at[NBUF + b, 1]],
                                              sd.at[b]).wait()
            plsc.subcore_barrier()
            pltpu.sync_copy(agg_sh.at[pl.ds(rbase, RPT)],
                            outagg.at[q, pl.ds(rbase, RPT)])
            if deg_pass:
                pltpu.sync_copy(deg_sh.at[pl.ds(rbase, RPT)],
                                outdeg.at[c, pl.ds(rbase, RPT)])

    return kfn


def _tc1_body(agg_ref, deg_ref, x_ref, w1l_ref, w1r_ref, b1_ref,
              w2l_ref, w2r_ref, b2_ref, pc_ref, r_ref):
    agg = jnp.concatenate([agg_ref[q] for q in range(NQ)], axis=1)
    degc = deg_ref[...]
    deg = jnp.maximum(degc[:, 0:1] + degc[:, 1:2], 1.0)
    mean = agg / deg
    cd = (((1,), (1,)), ((), ()))
    h = lax.dot_general(mean, w1l_ref[...], cd,
                        preferred_element_type=jnp.float32)
    h += lax.dot_general(x_ref[...], w1r_ref[...], cd,
                         preferred_element_type=jnp.float32)
    h = jnp.maximum(h + b1_ref[...], 0.0)
    p = lax.dot_general(h, w2l_ref[...], cd,
                        preferred_element_type=jnp.float32)
    r = lax.dot_general(h, w2r_ref[...], cd,
                        preferred_element_type=jnp.float32)
    for q in range(NQ):
        pc_ref[q] = p[:, q * DQ:(q + 1) * DQ]
    r_ref[...] = r + b2_ref[...]


def _tc2_body(agg_ref, deg_ref, r_ref, out_ref):
    agg = jnp.concatenate([agg_ref[q] for q in range(NQ)], axis=1)
    degc = deg_ref[...]
    deg = jnp.maximum(degc[:, 0:1] + degc[:, 1:2], 1.0)
    logits = agg / deg + r_ref[...]
    m = jnp.max(logits, axis=1, keepdims=True)
    sh = logits - m
    out_ref[...] = sh - jnp.log(jnp.sum(jnp.exp(sh), axis=1, keepdims=True))


def kernel(x, edge_index, W1l, W1r, b1, W2l, W2r, b2):
    n, d_in = x.shape
    e = edge_index.shape[1]
    d_h = W1l.shape[0]
    d_out = W2l.shape[0]
    n_acc = NS * RPT
    n_chunks = -(-e // (NS * K * NIDX)) * NIDX
    ep = NS * n_chunks * K
    src = jnp.concatenate([edge_index[0],
                           jnp.zeros((ep - e,), jnp.int32)])
    dst = jnp.concatenate([edge_index[1],
                           jnp.full((ep - e,), n, jnp.int32)])
    esc = (jnp.stack([src, dst]).reshape(2, ep // K, K)
           .transpose(1, 0, 2))
    x_tbl = jnp.zeros((NQ, n_acc, DQ), jnp.float32)
    x_tbl = x_tbl.at[:, :n].set(x.reshape(n, NQ, DQ).transpose(1, 0, 2))
    zrows = jnp.zeros((RPT, DQ), jnp.float32)
    zdeg = jnp.zeros((RPT,), jnp.float32)
    onesrow = jnp.ones((K,), jnp.float32)

    agg1, deg2 = _sc_agg(n, n_acc, n_chunks, True)(
        x_tbl, esc, zrows, zdeg, onesrow)
    degT = deg2.T

    grid = -(-n // B_TC)
    pc, r = pl.pallas_call(
        _tc1_body,
        grid=(grid,),
        in_specs=[
            pl.BlockSpec((NQ, B_TC, DQ), lambda i: (0, i, 0)),
            pl.BlockSpec((B_TC, NC), lambda i: (i, 0)),
            pl.BlockSpec((B_TC, d_in), lambda i: (i, 0)),
            pl.BlockSpec((d_h, d_in), lambda i: (0, 0)),
            pl.BlockSpec((d_h, d_in), lambda i: (0, 0)),
            pl.BlockSpec((1, d_h), lambda i: (0, 0)),
            pl.BlockSpec((d_out, d_h), lambda i: (0, 0)),
            pl.BlockSpec((d_out, d_h), lambda i: (0, 0)),
            pl.BlockSpec((1, d_out), lambda i: (0, 0)),
        ],
        out_specs=[
            pl.BlockSpec((NQ, B_TC, DQ), lambda i: (0, i, 0)),
            pl.BlockSpec((B_TC, d_out), lambda i: (i, 0)),
        ],
        out_shape=[
            jax.ShapeDtypeStruct((NQ, n_acc, DQ), jnp.float32),
            jax.ShapeDtypeStruct((n, d_out), jnp.float32),
        ],
        compiler_params=pltpu.CompilerParams(
            dimension_semantics=("arbitrary",)),
    )(agg1, degT, x, W1l, W1r, b1.reshape(1, d_h), W2l, W2r,
      b2.reshape(1, d_out))

    agg2, = _sc_agg(n, n_acc, n_chunks, False)(
        pc, esc, zrows, zdeg, onesrow)

    out = pl.pallas_call(
        _tc2_body,
        grid=(grid,),
        in_specs=[
            pl.BlockSpec((NQ, B_TC, DQ), lambda i: (0, i, 0)),
            pl.BlockSpec((B_TC, NC), lambda i: (i, 0)),
            pl.BlockSpec((B_TC, d_out), lambda i: (i, 0)),
        ],
        out_specs=pl.BlockSpec((B_TC, d_out), lambda i: (i, 0)),
        out_shape=jax.ShapeDtypeStruct((n, d_out), jnp.float32),
        compiler_params=pltpu.CompilerParams(
            dimension_semantics=("arbitrary",)),
    )(agg2, degT, r)
    return out

# --- scband reference (transcript-rebuilt; emitter-appended) ---
"""Pipeline reference for scband-graph-sage-11184094839378 (READ-ONLY COPY).

The authoritative reference and input builder live on the scoring server;
editing this copy changes nothing except your own understanding.
"""

import jax, jax.numpy as jnp
import numpy as np

N = 10000
E = 160000
D_IN = 256
D_H = 512
D_OUT = 256


def setup_inputs(seed: int = 0) -> dict:
    key = jax.random.key(seed)
    ks = jax.random.split(key, 9)
    x = jax.random.normal(ks[0], (N, D_IN), dtype=jnp.float32)
    edge_index = jax.random.randint(ks[1], (2, E), 0, N, dtype=jnp.int32)
    # SAGEConv params: lin_l applied to aggregated neighbors, lin_r to root nodes
    W1l = jax.random.normal(ks[2], (D_H, D_IN), dtype=jnp.float32) / np.sqrt(D_IN)
    W1r = jax.random.normal(ks[3], (D_H, D_IN), dtype=jnp.float32) / np.sqrt(D_IN)
    b1 = jnp.zeros((D_H,), dtype=jnp.float32)
    W2l = jax.random.normal(ks[4], (D_OUT, D_H), dtype=jnp.float32) / np.sqrt(D_H)
    W2r = jax.random.normal(ks[5], (D_OUT, D_H), dtype=jnp.float32) / np.sqrt(D_H)
    b2 = jnp.zeros((D_OUT,), dtype=jnp.float32)
    return {"x": x, "edge_index": edge_index, "W1l": W1l, "W1r": W1r, "b1": b1,
            "W2l": W2l, "W2r": W2r, "b2": b2}


def _sage_conv(x, edge_index, Wl, Wr, b):
    src = edge_index[0]
    dst = edge_index[1]
    n = x.shape[0]
    msg = x[src]  # gather source node features  [E, d]
    agg = jax.ops.segment_sum(msg, dst, num_segments=n)  # scatter-add to dst
    deg = jax.ops.segment_sum(jnp.ones((edge_index.shape[1],), x.dtype), dst, num_segments=n)
    mean = agg / jnp.clip(deg, 1.0)[:, None]  # mean aggregation
    return mean @ Wl.T + x @ Wr.T + b


def reference(x, edge_index, W1l, W1r, b1, W2l, W2r, b2):
    h = _sage_conv(x, edge_index, W1l, W1r, b1)
    h = jax.nn.relu(h)
    # dropout is identity in eval mode
    out = _sage_conv(h, edge_index, W2l, W2r, b2)
    return jax.nn.log_softmax(out, axis=1)

if __name__ == "__main__":
    import jax
    _d = setup_inputs()
    print(jax.jit(kernel)(*tuple(_d.values())))

</pallas_src>

<mosaic_0001>
#map = affine_map<(d0, d1) -> (0, 0, 0)>
#map1 = affine_map<(d0, d1) -> (0, 0)>
#map2 = affine_map<(d0, d1) -> (0)>
module attributes {stable_mosaic.version = 14 : i64} {
  func.func @kfn(%arg0: i32, %arg1: i32, %arg2: memref<2x10240x128xf32, #tpu.memory_space<hbm>>, %arg3: memref<1280x2x128xi32, #tpu.memory_space<hbm>>, %arg4: memref<640x128xf32, #tpu.memory_space<hbm>>, %arg5: memref<640xf32, #tpu.memory_space<hbm>>, %arg6: memref<128xf32, #tpu.memory_space<hbm>>, %arg7: memref<2x10240x128xf32, #tpu.memory_space<hbm>>, %arg8: memref<2x10240xf32, #tpu.memory_space<hbm>>, %arg9: memref<4x2x128xi32, #tpu.memory_space<vmem>>, %arg10: memref<2x128x128xf32, #tpu.memory_space<vmem>>, %arg11: memref<128xf32, #tpu.memory_space<vmem>>, %arg12: memref<10240x128xf32, #tpu.memory_space<vmem_shared>>, %arg13: memref<10240xf32, #tpu.memory_space<vmem_shared>>, %arg14: memref<4x!tpu.dma_semaphore, #tpu.memory_space<semaphore_mem>>, %arg15: memref<2x!tpu.dma_semaphore, #tpu.memory_space<semaphore_mem>>, %arg16: memref<2x!tpu.dma_semaphore, #tpu.memory_space<semaphore_mem>>, %arg17: memref<2x!tpu.dma_semaphore, #tpu.memory_space<semaphore_mem>>) attributes {dimension_semantics = [#tpu.dimension_semantics<core_parallel>, #tpu.dimension_semantics<subcore_parallel>], iteration_bounds = array<i64: 2, 16>, scalar_prefetch = 0 : i64, scratch_operands = 9 : i64, tpu.core_type = #tpu.core_type<sc_vector_subcore>, window_params = [{transform_indices = #map}, {transform_indices = #map}, {transform_indices = #map1}, {transform_indices = #map2}, {transform_indices = #map2}, {transform_indices = #map}, {transform_indices = #map1}]} {
    %mul3A = arith.constant 640 : i32
    %mul3A_0 = arith.muli %arg1, %mul3A : i32
    %mul3A_1 = arith.constant 80 : i32
    %mul3A_2 = arith.muli %arg1, %mul3A_1 : i32
    "tpu.region"() ({
      %run_scoped3A = tpu.sem_alloc : memref<!tpu.dma_semaphore, #tpu.memory_space<semaphore_mem>>
      tpu.enqueue_dma source(%arg6 : memref<128xf32, #tpu.memory_space<hbm>>) target(%arg11 : memref<128xf32, #tpu.memory_space<vmem>>) target_semaphore(%run_scoped3A : memref<!tpu.dma_semaphore, #tpu.memory_space<semaphore_mem>>)
      tpu.wait_dma2 semaphore(%run_scoped3A : memref<!tpu.dma_semaphore, #tpu.memory_space<semaphore_mem>>) src(%arg6 : memref<128xf32, #tpu.memory_space<hbm>>) dst(%arg11 : memref<128xf32, #tpu.memory_space<vmem>>)
      tpu.yield
    }) : () -> ()
    %add3A = arith.constant 0 : i32
    %add3A_3 = arith.addi %add3A, %arg0 : i32
    "tpu.region"() ({
      %run_scoped3A = tpu.sem_alloc : memref<!tpu.dma_semaphore, #tpu.memory_space<semaphore_mem>>
      %dma_start3A_134 = arith.constant 0 : i32
      %dma_start3A_135 = tpu.memref_slice %arg12[%mul3A_0, %dma_start3A_134] : memref<10240x128xf32, #tpu.memory_space<vmem_shared>> -> memref<640x128xf32, #tpu.memory_space<vmem_shared>>
      tpu.enqueue_dma source(%arg4 : memref<640x128xf32, #tpu.memory_space<hbm>>) target(%dma_start3A_135 : memref<640x128xf32, #tpu.memory_space<vmem_shared>>) target_semaphore(%run_scoped3A : memref<!tpu.dma_semaphore, #tpu.memory_space<semaphore_mem>>)
      %dma_wait3A_136 = arith.constant 0 : i32
      %dma_wait3A_137 = tpu.memref_slice %arg12[%mul3A_0, %dma_wait3A_136] : memref<10240x128xf32, #tpu.memory_space<vmem_shared>> -> memref<640x128xf32, #tpu.memory_space<vmem_shared>>
      tpu.wait_dma2 semaphore(%run_scoped3A : memref<!tpu.dma_semaphore, #tpu.memory_space<semaphore_mem>>) src(%arg4 : memref<640x128xf32, #tpu.memory_space<hbm>>) dst(%dma_wait3A_137 : memref<640x128xf32, #tpu.memory_space<vmem_shared>>)
      tpu.yield
    }) : () -> ()
    "tpu.region"() ({
      %run_scoped3A = tpu.sem_alloc : memref<!tpu.dma_semaphore, #tpu.memory_space<semaphore_mem>>
      %dma_start3A_134 = tpu.memref_slice %arg13[%mul3A_0] : memref<10240xf32, #tpu.memory_space<vmem_shared>> -> memref<640xf32, #tpu.memory_space<vmem_shared>>
      tpu.enqueue_dma source(%arg5 : memref<640xf32, #tpu.memory_space<hbm>>) target(%dma_start3A_134 : memref<640xf32, #tpu.memory_space<vmem_shared>>) target_semaphore(%run_scoped3A : memref<!tpu.dma_semaphore, #tpu.memory_space<semaphore_mem>>)
      %dma_wait3A_135 = tpu.memref_slice %arg13[%mul3A_0] : memref<10240xf32, #tpu.memory_space<vmem_shared>> -> memref<640xf32, #tpu.memory_space<vmem_shared>>
      tpu.wait_dma2 semaphore(%run_scoped3A : memref<!tpu.dma_semaphore, #tpu.memory_space<semaphore_mem>>) src(%arg5 : memref<640xf32, #tpu.memory_space<hbm>>) dst(%dma_wait3A_135 : memref<640xf32, #tpu.memory_space<vmem_shared>>)
      tpu.yield
    }) : () -> ()
    %add3A_4 = arith.constant 0 : i32
    %add3A_5 = arith.addi %mul3A_2, %add3A_4 : i32
    %dma_start3A = arith.constant 0 : i32
    %dma_start3A_6 = arith.constant 0 : i32
    %dma_start3A_7 = arith.constant 0 : i32
    %dma_start3A_8 = arith.constant 0 : i32
    %dma_start3A_9 = tpu.memref_slice %arg9[%dma_start3A, %dma_start3A_7, %dma_start3A_8] : memref<4x2x128xi32, #tpu.memory_space<vmem>> -> memref<1x2x128xi32, #tpu.memory_space<vmem>>
    %dma_start3A_10 = tpu.memref_squeeze %dma_start3A_9 : memref<1x2x128xi32, #tpu.memory_space<vmem>> -> memref<2x128xi32, #tpu.memory_space<vmem>>
    %dma_start3A_11 = arith.constant 0 : i32
    %dma_start3A_12 = arith.constant 0 : i32
    %dma_start3A_13 = tpu.memref_slice %arg3[%add3A_5, %dma_start3A_11, %dma_start3A_12] : memref<1280x2x128xi32, #tpu.memory_space<hbm>> -> memref<1x2x128xi32, #tpu.memory_space<hbm>>
    %dma_start3A_14 = tpu.memref_squeeze %dma_start3A_13 : memref<1x2x128xi32, #tpu.memory_space<hbm>> -> memref<2x128xi32, #tpu.memory_space<hbm>>
    %dma_start3A_15 = tpu.memref_slice %arg14[%dma_start3A_6] : memref<4x!tpu.dma_semaphore, #tpu.memory_space<semaphore_mem>> -> memref<1x!tpu.dma_semaphore, #tpu.memory_space<semaphore_mem>>
    %dma_start3A_16 = tpu.memref_squeeze %dma_start3A_15 : memref<1x!tpu.dma_semaphore, #tpu.memory_space<semaphore_mem>> -> memref<!tpu.dma_semaphore, #tpu.memory_space<semaphore_mem>>
    %dma_start3A_17 = arith.constant 0 : i32
    %dma_start3A_18 = arith.constant 0 : i32
    %dma_start3A_19 = tpu.memref_slice %arg9[%dma_start3A, %dma_start3A_17, %dma_start3A_18] : memref<4x2x128xi32, #tpu.memory_space<vmem>> -> memref<1x2x128xi32, #tpu.memory_space<vmem>>
    %dma_start3A_20 = tpu.memref_squeeze %dma_start3A_19 : memref<1x2x128xi32, #tpu.memory_space<vmem>> -> memref<2x128xi32, #tpu.memory_space<vmem>>
    %dma_start3A_21 = arith.constant 0 : i32
    %dma_start3A_22 = arith.constant 0 : i32
    %dma_start3A_23 = tpu.memref_slice %arg3[%add3A_5, %dma_start3A_21, %dma_start3A_22] : memref<1280x2x128xi32, #tpu.memory_space<hbm>> -> memref<1x2x128xi32, #tpu.memory_space<hbm>>
    %dma_start3A_24 = tpu.memref_squeeze %dma_start3A_23 : memref<1x2x128xi32, #tpu.memory_space<hbm>> -> memref<2x128xi32, #tpu.memory_space<hbm>>
    tpu.enqueue_dma source(%dma_start3A_24 : memref<2x128xi32, #tpu.memory_space<hbm>>) target(%dma_start3A_20 : memref<2x128xi32, #tpu.memory_space<vmem>>) target_semaphore(%dma_start3A_16 : memref<!tpu.dma_semaphore, #tpu.memory_space<semaphore_mem>>)
    %add3A_25 = arith.constant 1 : i32
    %add3A_26 = arith.addi %mul3A_2, %add3A_25 : i32
    %dma_start3A_27 = arith.constant 1 : i32
    %dma_start3A_28 = arith.constant 1 : i32
    %dma_start3A_29 = arith.constant 0 : i32
    %dma_start3A_30 = arith.constant 0 : i32
    %dma_start3A_31 = tpu.memref_slice %arg9[%dma_start3A_27, %dma_start3A_29, %dma_start3A_30] : memref<4x2x128xi32, #tpu.memory_space<vmem>> -> memref<1x2x128xi32, #tpu.memory_space<vmem>>
    %dma_start3A_32 = tpu.memref_squeeze %dma_start3A_31 : memref<1x2x128xi32, #tpu.memory_space<vmem>> -> memref<2x128xi32, #tpu.memory_space<vmem>>
    %dma_start3A_33 = arith.constant 0 : i32
    %dma_start3A_34 = arith.constant 0 : i32
    %dma_start3A_35 = tpu.memref_slice %arg3[%add3A_26, %dma_start3A_33, %dma_start3A_34] : memref<1280x2x128xi32, #tpu.memory_space<hbm>> -> memref<1x2x128xi32, #tpu.memory_space<hbm>>
    %dma_start3A_36 = tpu.memref_squeeze %dma_start3A_35 : memref<1x2x128xi32, #tpu.memory_space<hbm>> -> memref<2x128xi32, #tpu.memory_space<hbm>>
    %dma_start3A_37 = tpu.memref_slice %arg14[%dma_start3A_28] : memref<4x!tpu.dma_semaphore, #tpu.memory_space<semaphore_mem>> -> memref<1x!tpu.dma_semaphore, #tpu.memory_space<semaphore_mem>>
    %dma_start3A_38 = tpu.memref_squeeze %dma_start3A_37 : memref<1x!tpu.dma_semaphore, #tpu.memory_space<semaphore_mem>> -> memref<!tpu.dma_semaphore, #tpu.memory_space<semaphore_mem>>
    %dma_start3A_39 = arith.constant 0 : i32
    %dma_start3A_40 = arith.constant 0 : i32
    %dma_start3A_41 = tpu.memref_slice %arg9[%dma_start3A_27, %dma_start3A_39, %dma_start3A_40] : memref<4x2x128xi32, #tpu.memory_space<vmem>> -> memref<1x2x128xi32, #tpu.memory_space<vmem>>
    %dma_start3A_42 = tpu.memref_squeeze %dma_start3A_41 : memref<1x2x128xi32, #tpu.memory_space<vmem>> -> memref<2x128xi32, #tpu.memory_space<vmem>>
    %dma_start3A_43 = arith.constant 0 : i32
    %dma_start3A_44 = arith.constant 0 : i32
    %dma_start3A_45 = tpu.memref_slice %arg3[%add3A_26, %dma_start3A_43, %dma_start3A_44] : memref<1280x2x128xi32, #tpu.memory_space<hbm>> -> memref<1x2x128xi32, #tpu.memory_space<hbm>>
    %dma_start3A_46 = tpu.memref_squeeze %dma_start3A_45 : memref<1x2x128xi32, #tpu.memory_space<hbm>> -> memref<2x128xi32, #tpu.memory_space<hbm>>
    tpu.enqueue_dma source(%dma_start3A_46 : memref<2x128xi32, #tpu.memory_space<hbm>>) target(%dma_start3A_42 : memref<2x128xi32, #tpu.memory_space<vmem>>) target_semaphore(%dma_start3A_38 : memref<!tpu.dma_semaphore, #tpu.memory_space<semaphore_mem>>)
    %add3A_47 = arith.constant 2 : i32
    %add3A_48 = arith.addi %mul3A_2, %add3A_47 : i32
    %dma_start3A_49 = arith.constant 2 : i32
    %dma_start3A_50 = arith.constant 2 : i32
    %dma_start3A_51 = arith.constant 0 : i32
    %dma_start3A_52 = arith.constant 0 : i32
    %dma_start3A_53 = tpu.memref_slice %arg9[%dma_start3A_49, %dma_start3A_51, %dma_start3A_52] : memref<4x2x128xi32, #tpu.memory_space<vmem>> -> memref<1x2x128xi32, #tpu.memory_space<vmem>>
    %dma_start3A_54 = tpu.memref_squeeze %dma_start3A_53 : memref<1x2x128xi32, #tpu.memory_space<vmem>> -> memref<2x128xi32, #tpu.memory_space<vmem>>
    %dma_start3A_55 = arith.constant 0 : i32
    %dma_start3A_56 = arith.constant 0 : i32
    %dma_start3A_57 = tpu.memref_slice %arg3[%add3A_48, %dma_start3A_55, %dma_start3A_56] : memref<1280x2x128xi32, #tpu.memory_space<hbm>> -> memref<1x2x128xi32, #tpu.memory_space<hbm>>
    %dma_start3A_58 = tpu.memref_squeeze %dma_start3A_57 : memref<1x2x128xi32, #tpu.memory_space<hbm>> -> memref<2x128xi32, #tpu.memory_space<hbm>>
    %dma_start3A_59 = tpu.memref_slice %arg14[%dma_start3A_50] : memref<4x!tpu.dma_semaphore, #tpu.memory_space<semaphore_mem>> -> memref<1x!tpu.dma_semaphore, #tpu.memory_space<semaphore_mem>>
    %dma_start3A_60 = tpu.memref_squeeze %dma_start3A_59 : memref<1x!tpu.dma_semaphore, #tpu.memory_space<semaphore_mem>> -> memref<!tpu.dma_semaphore, #tpu.memory_space<semaphore_mem>>
    %dma_start3A_61 = arith.constant 0 : i32
    %dma_start3A_62 = arith.constant 0 : i32
    %dma_start3A_63 = tpu.memref_slice %arg9[%dma_start3A_49, %dma_start3A_61, %dma_start3A_62] : memref<4x2x128xi32, #tpu.memory_space<vmem>> -> memref<1x2x128xi32, #tpu.memory_space<vmem>>
    %dma_start3A_64 = tpu.memref_squeeze %dma_start3A_63 : memref<1x2x128xi32, #tpu.memory_space<vmem>> -> memref<2x128xi32, #tpu.memory_space<vmem>>
    %dma_start3A_65 = arith.constant 0 : i32
    %dma_start3A_66 = arith.constant 0 : i32
    %dma_start3A_67 = tpu.memref_slice %arg3[%add3A_48, %dma_start3A_65, %dma_start3A_66] : memref<1280x2x128xi32, #tpu.memory_space<hbm>> -> memref<1x2x128xi32, #tpu.memory_space<hbm>>
    %dma_start3A_68 = tpu.memref_squeeze %dma_start3A_67 : memref<1x2x128xi32, #tpu.memory_space<hbm>> -> memref<2x128xi32, #tpu.memory_space<hbm>>
    tpu.enqueue_dma source(%dma_start3A_68 : memref<2x128xi32, #tpu.memory_space<hbm>>) target(%dma_start3A_64 : memref<2x128xi32, #tpu.memory_space<vmem>>) target_semaphore(%dma_start3A_60 : memref<!tpu.dma_semaphore, #tpu.memory_space<semaphore_mem>>)
    %add3A_69 = arith.constant 3 : i32
    %add3A_70 = arith.addi %mul3A_2, %add3A_69 : i32
    %dma_start3A_71 = arith.constant 3 : i32
    %dma_start3A_72 = arith.constant 3 : i32
    %dma_start3A_73 = arith.constant 0 : i32
    %dma_start3A_74 = arith.constant 0 : i32
    %dma_start3A_75 = tpu.memref_slice %arg9[%dma_start3A_71, %dma_start3A_73, %dma_start3A_74] : memref<4x2x128xi32, #tpu.memory_space<vmem>> -> memref<1x2x128xi32, #tpu.memory_space<vmem>>
    %dma_start3A_76 = tpu.memref_squeeze %dma_start3A_75 : memref<1x2x128xi32, #tpu.memory_space<vmem>> -> memref<2x128xi32, #tpu.memory_space<vmem>>
    %dma_start3A_77 = arith.constant 0 : i32
    %dma_start3A_78 = arith.constant 0 : i32
    %dma_start3A_79 = tpu.memref_slice %arg3[%add3A_70, %dma_start3A_77, %dma_start3A_78] : memref<1280x2x128xi32, #tpu.memory_space<hbm>> -> memref<1x2x128xi32, #tpu.memory_space<hbm>>
    %dma_start3A_80 = tpu.memref_squeeze %dma_start3A_79 : memref<1x2x128xi32, #tpu.memory_space<hbm>> -> memref<2x128xi32, #tpu.memory_space<hbm>>
    %dma_start3A_81 = tpu.memref_slice %arg14[%dma_start3A_72] : memref<4x!tpu.dma_semaphore, #tpu.memory_space<semaphore_mem>> -> memref<1x!tpu.dma_semaphore, #tpu.memory_space<semaphore_mem>>
    %dma_start3A_82 = tpu.memref_squeeze %dma_start3A_81 : memref<1x!tpu.dma_semaphore, #tpu.memory_space<semaphore_mem>> -> memref<!tpu.dma_semaphore, #tpu.memory_space<semaphore_mem>>
    %dma_start3A_83 = arith.constant 0 : i32
    %dma_start3A_84 = arith.constant 0 : i32
    %dma_start3A_85 = tpu.memref_slice %arg9[%dma_start3A_71, %dma_start3A_83, %dma_start3A_84] : memref<4x2x128xi32, #tpu.memory_space<vmem>> -> memref<1x2x128xi32, #tpu.memory_space<vmem>>
    %dma_start3A_86 = tpu.memref_squeeze %dma_start3A_85 : memref<1x2x128xi32, #tpu.memory_space<vmem>> -> memref<2x128xi32, #tpu.memory_space<vmem>>
    %dma_start3A_87 = arith.constant 0 : i32
    %dma_start3A_88 = arith.constant 0 : i32
    %dma_start3A_89 = tpu.memref_slice %arg3[%add3A_70, %dma_start3A_87, %dma_start3A_88] : memref<1280x2x128xi32, #tpu.memory_space<hbm>> -> memref<1x2x128xi32, #tpu.memory_space<hbm>>
    %dma_start3A_90 = tpu.memref_squeeze %dma_start3A_89 : memref<1x2x128xi32, #tpu.memory_space<hbm>> -> memref<2x128xi32, #tpu.memory_space<hbm>>
    tpu.enqueue_dma source(%dma_start3A_90 : memref<2x128xi32, #tpu.memory_space<hbm>>) target(%dma_start3A_86 : memref<2x128xi32, #tpu.memory_space<vmem>>) target_semaphore(%dma_start3A_82 : memref<!tpu.dma_semaphore, #tpu.memory_space<semaphore_mem>>)
    %barrier3A = arith.constant 0 : index
    tpu.barrier barrier_id(%barrier3A)
    %scan3A = arith.constant 0 : i32
    %scan3A_91 = arith.constant 20 : i32
    %scan3A_92 = arith.addi %scan3A, %scan3A_91 : i32
    %scan3A_93 = arith.constant 1 : i32
    scf.for %scan3A_134 = %scan3A to %scan3A_92 step %scan3A_93  : i32 {
      %mul3A_135 = arith.constant 4 : i32
      %mul3A_136 = arith.muli %mul3A_135, %scan3A_134 : i32
      %add3A_137 = arith.constant 0 : i32
      %add3A_138 = arith.addi %mul3A_136, %add3A_137 : i32
      %add3A_139 = arith.constant 2 : i32
      %add3A_140 = arith.addi %add3A_138, %add3A_139 : i32
      %add3A_141 = arith.constant 0 : i32
      %add3A_142 = arith.addi %add3A_140, %add3A_141 : i32
      %gt3A = arith.constant 0 : i32
      %gt3A_143 = arith.cmpi sgt, %scan3A_134, %gt3A : i32
      %convert_element_type3A_144 = arith.extui %gt3A_143 : i1 to i32
      %cond3A_145 = arith.constant 0 : i32
      %cond3A_146 = arith.cmpi ne, %convert_element_type3A_144, %cond3A_145 : i32
      scf.if %cond3A_146 {
        %dma_wait3A_598 = arith.constant 0 : i32
        %dma_wait3A_599 = arith.constant 0 : i32
        %dma_wait3A_600 = arith.constant 1 : i32
        %dma_wait3A_601 = arith.constant 0 : i32
        %dma_wait3A_602 = arith.constant 0 : i32
        %dma_wait3A_603 = arith.constant 0 : i32
        %dma_wait3A_604 = tpu.memref_slice %arg10[%dma_wait3A_598, %dma_wait3A_602, %dma_wait3A_603] : memref<2x128x128xf32, #tpu.memory_space<vmem>> -> memref<1x128x128xf32, #tpu.memory_space<vmem>>
        %dma_wait3A_605 = tpu.memref_squeeze %dma_wait3A_604 : memref<1x128x128xf32, #tpu.memory_space<vmem>> -> memref<128x128xf32, #tpu.memory_space<vmem>>
        %dma_wait3A_606 = arith.constant 0 : i32
        %dma_wait3A_607 = tpu.memref_slice %arg9[%dma_wait3A_599, %dma_wait3A_600, %dma_wait3A_606] : memref<4x2x128xi32, #tpu.memory_space<vmem>> -> memref<1x1x128xi32, #tpu.memory_space<vmem>>
        %dma_wait3A_608 = tpu.memref_squeeze %dma_wait3A_607 : memref<1x1x128xi32, #tpu.memory_space<vmem>> -> memref<128xi32, #tpu.memory_space<vmem>>
        %dma_wait3A_609 = arith.constant 0 : i32
        %dma_wait3A_610 = arith.constant 0 : i32
        %dma_wait3A_611 = tpu.memref_slice %arg12[%dma_wait3A_609, %dma_wait3A_610] : memref<10240x128xf32, #tpu.memory_space<vmem_shared>> -> memref<10240x128xf32, #tpu.memory_space<vmem_shared>>
        %dma_wait3A_612 = tpu.memref_slice %arg16[%dma_wait3A_601] : memref<2x!tpu.dma_semaphore, #tpu.memory_space<semaphore_mem>> -> memref<1x!tpu.dma_semaphore, #tpu.memory_space<semaphore_mem>>
        %dma_wait3A_613 = tpu.memref_squeeze %dma_wait3A_612 : memref<1x!tpu.dma_semaphore, #tpu.memory_space<semaphore_mem>> -> memref<!tpu.dma_semaphore, #tpu.memory_space<semaphore_mem>>
        tpu.wait_indirect_dma semaphore(%dma_wait3A_613 : memref<!tpu.dma_semaphore, #tpu.memory_space<semaphore_mem>>) src(%dma_wait3A_605 : memref<128x128xf32, #tpu.memory_space<vmem>>) dst(%dma_wait3A_611 : memref<10240x128xf32, #tpu.memory_space<vmem_shared>>)
        %sub3A_614 = arith.constant 2 : i32
        %sub3A_615 = arith.subi %add3A_138, %sub3A_614 : i32
        %eq3A_616 = arith.constant 0 : i32
        %eq3A_617 = arith.cmpi eq, %arg0, %eq3A_616 : i32
        %lt3A_618 = arith.constant 40 : i32
        %lt3A_619 = arith.cmpi slt, %sub3A_615, %lt3A_618 : i32
        %ge3A_620 = arith.constant 40 : i32
        %ge3A_621 = arith.cmpi sge, %sub3A_615, %ge3A_620 : i32
        %select_n3A_622 = arith.select %eq3A_617, %lt3A_619, %ge3A_621 : i1
        %convert_element_type3A_623 = arith.extui %select_n3A_622 : i1 to i32
        %cond3A_624 = arith.constant 0 : i32
        %cond3A_625 = arith.cmpi ne, %convert_element_type3A_623, %cond3A_624 : i32
        scf.if %cond3A_625 {
          %dma_wait3A_631 = arith.constant 0 : i32
          %dma_wait3A_632 = arith.constant 1 : i32
          %dma_wait3A_633 = arith.constant 0 : i32
          %dma_wait3A_634 = arith.constant 0 : i32
          %dma_wait3A_635 = tpu.memref_slice %arg9[%dma_wait3A_631, %dma_wait3A_632, %dma_wait3A_634] : memref<4x2x128xi32, #tpu.memory_space<vmem>> -> memref<1x1x128xi32, #tpu.memory_space<vmem>>
          %dma_wait3A_636 = tpu.memref_squeeze %dma_wait3A_635 : memref<1x1x128xi32, #tpu.memory_space<vmem>> -> memref<128xi32, #tpu.memory_space<vmem>>
          %dma_wait3A_637 = arith.constant 0 : i32
          %dma_wait3A_638 = tpu.memref_slice %arg13[%dma_wait3A_637] : memref<10240xf32, #tpu.memory_space<vmem_shared>> -> memref<10240xf32, #tpu.memory_space<vmem_shared>>
          %dma_wait3A_639 = tpu.memref_slice %arg17[%dma_wait3A_633] : memref<2x!tpu.dma_semaphore, #tpu.memory_space<semaphore_mem>> -> memref<1x!tpu.dma_semaphore, #tpu.memory_space<semaphore_mem>>
          %dma_wait3A_640 = tpu.memref_squeeze %dma_wait3A_639 : memref<1x!tpu.dma_semaphore, #tpu.memory_space<semaphore_mem>> -> memref<!tpu.dma_semaphore, #tpu.memory_space<semaphore_mem>>
          tpu.wait_indirect_dma semaphore(%dma_wait3A_640 : memref<!tpu.dma_semaphore, #tpu.memory_space<semaphore_mem>>) src(%arg11 : memref<128xf32, #tpu.memory_space<vmem>>) dst(%dma_wait3A_638 : memref<10240xf32, #tpu.memory_space<vmem_shared>>)
        } else {
        }
        %lt3A_626 = arith.constant 80 : i32
        %lt3A_627 = arith.cmpi slt, %add3A_142, %lt3A_626 : i32
        %convert_element_type3A_628 = arith.extui %lt3A_627 : i1 to i32
        %cond3A_629 = arith.constant 0 : i32
        %cond3A_630 = arith.cmpi ne, %convert_element_type3A_628, %cond3A_629 : i32
        scf.if %cond3A_630 {
          %add3A_631 = arith.addi %mul3A_2, %add3A_142 : i32
          %dma_start3A_632 = arith.constant 2 : i32
          %dma_start3A_633 = arith.constant 2 : i32
          %dma_start3A_634 = arith.constant 0 : i32
          %dma_start3A_635 = arith.constant 0 : i32
          %dma_start3A_636 = tpu.memref_slice %arg9[%dma_start3A_632, %dma_start3A_634, %dma_start3A_635] : memref<4x2x128xi32, #tpu.memory_space<vmem>> -> memref<1x2x128xi32, #tpu.memory_space<vmem>>
          %dma_start3A_637 = tpu.memref_squeeze %dma_start3A_636 : memref<1x2x128xi32, #tpu.memory_space<vmem>> -> memref<2x128xi32, #tpu.memory_space<vmem>>
          %dma_start3A_638 = arith.constant 0 : i32
          %dma_start3A_639 = arith.constant 0 : i32
          %dma_start3A_640 = tpu.memref_slice %arg3[%add3A_631, %dma_start3A_638, %dma_start3A_639] : memref<1280x2x128xi32, #tpu.memory_space<hbm>> -> memref<1x2x128xi32, #tpu.memory_space<hbm>>
          %dma_start3A_641 = tpu.memref_squeeze %dma_start3A_640 : memref<1x2x128xi32, #tpu.memory_space<hbm>> -> memref<2x128xi32, #tpu.memory_space<hbm>>
          %dma_start3A_642 = tpu.memref_slice %arg14[%dma_start3A_633] : memref<4x!tpu.dma_semaphore, #tpu.memory_space<semaphore_mem>> -> memref<1x!tpu.dma_semaphore, #tpu.memory_space<semaphore_mem>>
          %dma_start3A_643 = tpu.memref_squeeze %dma_start3A_642 : memref<1x!tpu.dma_semaphore, #tpu.memory_space<semaphore_mem>> -> memref<!tpu.dma_semaphore, #tpu.memory_space<semaphore_mem>>
          %dma_start3A_644 = arith.constant 0 : i32
          %dma_start3A_645 = arith.constant 0 : i32
          %dma_start3A_646 = tpu.memref_slice %arg9[%dma_start3A_632, %dma_start3A_644, %dma_start3A_645] : memref<4x2x128xi32, #tpu.memory_space<vmem>> -> memref<1x2x128xi32, #tpu.memory_space<vmem>>
          %dma_start3A_647 = tpu.memref_squeeze %dma_start3A_646 : memref<1x2x128xi32, #tpu.memory_space<vmem>> -> memref<2x128xi32, #tpu.memory_space<vmem>>
          %dma_start3A_648 = arith.constant 0 : i32
          %dma_start3A_649 = arith.constant 0 : i32
          %dma_start3A_650 = tpu.memref_slice %arg3[%add3A_631, %dma_start3A_648, %dma_start3A_649] : memref<1280x2x128xi32, #tpu.memory_space<hbm>> -> memref<1x2x128xi32, #tpu.memory_space<hbm>>
          %dma_start3A_651 = tpu.memref_squeeze %dma_start3A_650 : memref<1x2x128xi32, #tpu.memory_space<hbm>> -> memref<2x128xi32, #tpu.memory_space<hbm>>
          tpu.enqueue_dma source(%dma_start3A_651 : memref<2x128xi32, #tpu.memory_space<hbm>>) target(%dma_start3A_647 : memref<2x128xi32, #tpu.memory_space<vmem>>) target_semaphore(%dma_start3A_643 : memref<!tpu.dma_semaphore, #tpu.memory_space<semaphore_mem>>)
        } else {
        }
      } else {
      }
      %dma_wait3A_147 = arith.constant 0 : i32
      %dma_wait3A_148 = arith.constant 0 : i32
      %dma_wait3A_149 = arith.constant 0 : i32
      %dma_wait3A_150 = arith.constant 0 : i32
      %dma_wait3A_151 = tpu.memref_slice %arg9[%dma_wait3A_147, %dma_wait3A_149, %dma_wait3A_150] : memref<4x2x128xi32, #tpu.memory_space<vmem>> -> memref<1x2x128xi32, #tpu.memory_space<vmem>>
      %dma_wait3A_152 = tpu.memref_squeeze %dma_wait3A_151 : memref<1x2x128xi32, #tpu.memory_space<vmem>> -> memref<2x128xi32, #tpu.memory_space<vmem>>
      %dma_wait3A_153 = arith.constant 0 : i32
      %dma_wait3A_154 = arith.constant 0 : i32
      %dma_wait3A_155 = tpu.memref_slice %arg3[%mul3A_2, %dma_wait3A_153, %dma_wait3A_154] : memref<1280x2x128xi32, #tpu.memory_space<hbm>> -> memref<1x2x128xi32, #tpu.memory_space<hbm>>
      %dma_wait3A_156 = tpu.memref_squeeze %dma_wait3A_155 : memref<1x2x128xi32, #tpu.memory_space<hbm>> -> memref<2x128xi32, #tpu.memory_space<hbm>>
      %dma_wait3A_157 = tpu.memref_slice %arg14[%dma_wait3A_148] : memref<4x!tpu.dma_semaphore, #tpu.memory_space<semaphore_mem>> -> memref<1x!tpu.dma_semaphore, #tpu.memory_space<semaphore_mem>>
      %dma_wait3A_158 = tpu.memref_squeeze %dma_wait3A_157 : memref<1x!tpu.dma_semaphore, #tpu.memory_space<semaphore_mem>> -> memref<!tpu.dma_semaphore, #tpu.memory_space<semaphore_mem>>
      %dma_wait3A_159 = arith.constant 0 : i32
      %dma_wait3A_160 = arith.constant 0 : i32
      %dma_wait3A_161 = tpu.memref_slice %arg9[%dma_wait3A_147, %dma_wait3A_159, %dma_wait3A_160] : memref<4x2x128xi32, #tpu.memory_space<vmem>> -> memref<1x2x128xi32, #tpu.memory_space<vmem>>
      %dma_wait3A_162 = tpu.memref_squeeze %dma_wait3A_161 : memref<1x2x128xi32, #tpu.memory_space<vmem>> -> memref<2x128xi32, #tpu.memory_space<vmem>>
      %dma_wait3A_163 = arith.constant 0 : i32
      %dma_wait3A_164 = arith.constant 0 : i32
      %dma_wait3A_165 = tpu.memref_slice %arg3[%mul3A_2, %dma_wait3A_163, %dma_wait3A_164] : memref<1280x2x128xi32, #tpu.memory_space<hbm>> -> memref<1x2x128xi32, #tpu.memory_space<hbm>>
      %dma_wait3A_166 = tpu.memref_squeeze %dma_wait3A_165 : memref<1x2x128xi32, #tpu.memory_space<hbm>> -> memref<2x128xi32, #tpu.memory_space<hbm>>
      tpu.wait_dma2 semaphore(%dma_wait3A_158 : memref<!tpu.dma_semaphore, #tpu.memory_space<semaphore_mem>>) src(%dma_wait3A_166 : memref<2x128xi32, #tpu.memory_space<hbm>>) dst(%dma_wait3A_162 : memref<2x128xi32, #tpu.memory_space<vmem>>)
      %dma_start3A_167 = arith.constant 0 : i32
      %dma_start3A_168 = arith.constant 0 : i32
      %dma_start3A_169 = arith.constant 0 : i32
      %dma_start3A_170 = arith.constant 0 : i32
      %dma_start3A_171 = arith.constant 0 : i32
      %dma_start3A_172 = arith.constant 0 : i32
      %dma_start3A_173 = tpu.memref_slice %arg10[%dma_start3A_169, %dma_start3A_171, %dma_start3A_172] : memref<2x128x128xf32, #tpu.memory_space<vmem>> -> memref<1x128x128xf32, #tpu.memory_space<vmem>>
      %dma_start3A_174 = tpu.memref_squeeze %dma_start3A_173 : memref<1x128x128xf32, #tpu.memory_space<vmem>> -> memref<128x128xf32, #tpu.memory_space<vmem>>
      %dma_start3A_175 = arith.constant 0 : i32
      %dma_start3A_176 = tpu.memref_slice %arg9[%dma_start3A_167, %dma_start3A_168, %dma_start3A_175] : memref<4x2x128xi32, #tpu.memory_space<vmem>> -> memref<1x1x128xi32, #tpu.memory_space<vmem>>
      %dma_start3A_177 = tpu.memref_squeeze %dma_start3A_176 : memref<1x1x128xi32, #tpu.memory_space<vmem>> -> memref<128xi32, #tpu.memory_space<vmem>>
      %dma_start3A_178 = arith.constant 0 : i32
      %dma_start3A_179 = arith.constant 0 : i32
      %dma_start3A_180 = tpu.memref_slice %arg2[%add3A_3, %dma_start3A_178, %dma_start3A_179] : memref<2x10240x128xf32, #tpu.memory_space<hbm>> -> memref<1x10240x128xf32, #tpu.memory_space<hbm>>
      %dma_start3A_181 = tpu.memref_squeeze %dma_start3A_180 : memref<1x10240x128xf32, #tpu.memory_space<hbm>> -> memref<10240x128xf32, #tpu.memory_space<hbm>>
      %dma_start3A_182 = arith.constant 0 : i32
      %dma_start3A_183 = arith.constant 0 : i32
      %dma_start3A_184 = tpu.memref_slice %dma_start3A_181[%dma_start3A_182, %dma_start3A_183] : memref<10240x128xf32, #tpu.memory_space<hbm>> -> memref<10240x128xf32, #tpu.memory_space<hbm>>
      %dma_start3A_185 = tpu.memref_slice %arg15[%dma_start3A_170] : memref<2x!tpu.dma_semaphore, #tpu.memory_space<semaphore_mem>> -> memref<1x!tpu.dma_semaphore, #tpu.memory_space<semaphore_mem>>
      %dma_start3A_186 = tpu.memref_squeeze %dma_start3A_185 : memref<1x!tpu.dma_semaphore, #tpu.memory_space<semaphore_mem>> -> memref<!tpu.dma_semaphore, #tpu.memory_space<semaphore_mem>>
      tpu.enqueue_indirect_dma source(%dma_start3A_184 : memref<10240x128xf32, #tpu.memory_space<hbm>>) target(%dma_start3A_174 : memref<128x128xf32, #tpu.memory_space<vmem>>) offsets(%dma_start3A_177 : memref<128xi32, #tpu.memory_space<vmem>>) semaphore(%dma_start3A_186 : memref<!tpu.dma_semaphore, #tpu.memory_space<semaphore_mem>>)
      %mul3A_187 = arith.constant 4 : i32
      %mul3A_188 = arith.muli %mul3A_187, %scan3A_134 : i32
      %add3A_189 = arith.constant 0 : i32
      %add3A_190 = arith.addi %mul3A_188, %add3A_189 : i32
      %add3A_191 = arith.constant 2 : i32
      %add3A_192 = arith.addi %add3A_190, %add3A_191 : i32
      %add3A_193 = arith.constant 1 : i32
      %add3A_194 = arith.addi %add3A_192, %add3A_193 : i32
      %gt3A_195 = arith.constant 0 : i32
      %gt3A_196 = arith.cmpi sgt, %scan3A_134, %gt3A_195 : i32
      %convert_element_type3A_197 = arith.extui %gt3A_196 : i1 to i32
      %cond3A_198 = arith.constant 0 : i32
      %cond3A_199 = arith.cmpi ne, %convert_element_type3A_197, %cond3A_198 : i32
      scf.if %cond3A_199 {
        %dma_wait3A_598 = arith.constant 1 : i32
        %dma_wait3A_599 = arith.constant 1 : i32
        %dma_wait3A_600 = arith.constant 1 : i32
        %dma_wait3A_601 = arith.constant 1 : i32
        %dma_wait3A_602 = arith.constant 0 : i32
        %dma_wait3A_603 = arith.constant 0 : i32
        %dma_wait3A_604 = tpu.memref_slice %arg10[%dma_wait3A_598, %dma_wait3A_602, %dma_wait3A_603] : memref<2x128x128xf32, #tpu.memory_space<vmem>> -> memref<1x128x128xf32, #tpu.memory_space<vmem>>
        %dma_wait3A_605 = tpu.memref_squeeze %dma_wait3A_604 : memref<1x128x128xf32, #tpu.memory_space<vmem>> -> memref<128x128xf32, #tpu.memory_space<vmem>>
        %dma_wait3A_606 = arith.constant 0 : i32
        %dma_wait3A_607 = tpu.memref_slice %arg9[%dma_wait3A_599, %dma_wait3A_600, %dma_wait3A_606] : memref<4x2x128xi32, #tpu.memory_space<vmem>> -> memref<1x1x128xi32, #tpu.memory_space<vmem>>
        %dma_wait3A_608 = tpu.memref_squeeze %dma_wait3A_607 : memref<1x1x128xi32, #tpu.memory_space<vmem>> -> memref<128xi32, #tpu.memory_space<vmem>>
        %dma_wait3A_609 = arith.constant 0 : i32
        %dma_wait3A_610 = arith.constant 0 : i32
        %dma_wait3A_611 = tpu.memref_slice %arg12[%dma_wait3A_609, %dma_wait3A_610] : memref<10240x128xf32, #tpu.memory_space<vmem_shared>> -> memref<10240x128xf32, #tpu.memory_space<vmem_shared>>
        %dma_wait3A_612 = tpu.memref_slice %arg16[%dma_wait3A_601] : memref<2x!tpu.dma_semaphore, #tpu.memory_space<semaphore_mem>> -> memref<1x!tpu.dma_semaphore, #tpu.memory_space<semaphore_mem>>
        %dma_wait3A_613 = tpu.memref_squeeze %dma_wait3A_612 : memref<1x!tpu.dma_semaphore, #tpu.memory_space<semaphore_mem>> -> memref<!tpu.dma_semaphore, #tpu.memory_space<semaphore_mem>>
        tpu.wait_indirect_dma semaphore(%dma_wait3A_613 : memref<!tpu.dma_semaphore, #tpu.memory_space<semaphore_mem>>) src(%dma_wait3A_605 : memref<128x128xf32, #tpu.memory_space<vmem>>) dst(%dma_wait3A_611 : memref<10240x128xf32, #tpu.memory_space<vmem_shared>>)
        %sub3A_614 = arith.constant 2 : i32
        %sub3A_615 = arith.subi %add3A_190, %sub3A_614 : i32
        %eq3A_616 = arith.constant 0 : i32
        %eq3A_617 = arith.cmpi eq, %arg0, %eq3A_616 : i32
        %lt3A_618 = arith.constant 40 : i32
        %lt3A_619 = arith.cmpi slt, %sub3A_615, %lt3A_618 : i32
        %ge3A_620 = arith.constant 40 : i32
        %ge3A_621 = arith.cmpi sge, %sub3A_615, %ge3A_620 : i32
        %select_n3A_622 = arith.select %eq3A_617, %lt3A_619, %ge3A_621 : i1
        %convert_element_type3A_623 = arith.extui %select_n3A_622 : i1 to i32
        %cond3A_624 = arith.constant 0 : i32
        %cond3A_625 = arith.cmpi ne, %convert_element_type3A_623, %cond3A_624 : i32
        scf.if %cond3A_625 {
          %dma_wait3A_631 = arith.constant 1 : i32
          %dma_wait3A_632 = arith.constant 1 : i32
          %dma_wait3A_633 = arith.constant 1 : i32
          %dma_wait3A_634 = arith.constant 0 : i32
          %dma_wait3A_635 = tpu.memref_slice %arg9[%dma_wait3A_631, %dma_wait3A_632, %dma_wait3A_634] : memref<4x2x128xi32, #tpu.memory_space<vmem>> -> memref<1x1x128xi32, #tpu.memory_space<vmem>>
          %dma_wait3A_636 = tpu.memref_squeeze %dma_wait3A_635 : memref<1x1x128xi32, #tpu.memory_space<vmem>> -> memref<128xi32, #tpu.memory_space<vmem>>
          %dma_wait3A_637 = arith.constant 0 : i32
          %dma_wait3A_638 = tpu.memref_slice %arg13[%dma_wait3A_637] : memref<10240xf32, #tpu.memory_space<vmem_shared>> -> memref<10240xf32, #tpu.memory_space<vmem_shared>>
          %dma_wait3A_639 = tpu.memref_slice %arg17[%dma_wait3A_633] : memref<2x!tpu.dma_semaphore, #tpu.memory_space<semaphore_mem>> -> memref<1x!tpu.dma_semaphore, #tpu.memory_space<semaphore_mem>>
          %dma_wait3A_640 = tpu.memref_squeeze %dma_wait3A_639 : memref<1x!tpu.dma_semaphore, #tpu.memory_space<semaphore_mem>> -> memref<!tpu.dma_semaphore, #tpu.memory_space<semaphore_mem>>
          tpu.wait_indirect_dma semaphore(%dma_wait3A_640 : memref<!tpu.dma_semaphore, #tpu.memory_space<semaphore_mem>>) src(%arg11 : memref<128xf32, #tpu.memory_space<vmem>>) dst(%dma_wait3A_638 : memref<10240xf32, #tpu.memory_space<vmem_shared>>)
        } else {
        }
        %lt3A_626 = arith.constant 80 : i32
        %lt3A_627 = arith.cmpi slt, %add3A_194, %lt3A_626 : i32
        %convert_element_type3A_628 = arith.extui %lt3A_627 : i1 to i32
        %cond3A_629 = arith.constant 0 : i32
        %cond3A_630 = arith.cmpi ne, %convert_element_type3A_628, %cond3A_629 : i32
        scf.if %cond3A_630 {
          %add3A_631 = arith.addi %mul3A_2, %add3A_194 : i32
          %dma_start3A_632 = arith.constant 3 : i32
          %dma_start3A_633 = arith.constant 3 : i32
          %dma_start3A_634 = arith.constant 0 : i32
          %dma_start3A_635 = arith.constant 0 : i32
          %dma_start3A_636 = tpu.memref_slice %arg9[%dma_start3A_632, %dma_start3A_634, %dma_start3A_635] : memref<4x2x128xi32, #tpu.memory_space<vmem>> -> memref<1x2x128xi32, #tpu.memory_space<vmem>>
          %dma_start3A_637 = tpu.memref_squeeze %dma_start3A_636 : memref<1x2x128xi32, #tpu.memory_space<vmem>> -> memref<2x128xi32, #tpu.memory_space<vmem>>
          %dma_start3A_638 = arith.constant 0 : i32
          %dma_start3A_639 = arith.constant 0 : i32
          %dma_start3A_640 = tpu.memref_slice %arg3[%add3A_631, %dma_start3A_638, %dma_start3A_639] : memref<1280x2x128xi32, #tpu.memory_space<hbm>> -> memref<1x2x128xi32, #tpu.memory_space<hbm>>
          %dma_start3A_641 = tpu.memref_squeeze %dma_start3A_640 : memref<1x2x128xi32, #tpu.memory_space<hbm>> -> memref<2x128xi32, #tpu.memory_space<hbm>>
          %dma_start3A_642 = tpu.memref_slice %arg14[%dma_start3A_633] : memref<4x!tpu.dma_semaphore, #tpu.memory_space<semaphore_mem>> -> memref<1x!tpu.dma_semaphore, #tpu.memory_space<semaphore_mem>>
          %dma_start3A_643 = tpu.memref_squeeze %dma_start3A_642 : memref<1x!tpu.dma_semaphore, #tpu.memory_space<semaphore_mem>> -> memref<!tpu.dma_semaphore, #tpu.memory_space<semaphore_mem>>
          %dma_start3A_644 = arith.constant 0 : i32
          %dma_start3A_645 = arith.constant 0 : i32
          %dma_start3A_646 = tpu.memref_slice %arg9[%dma_start3A_632, %dma_start3A_644, %dma_start3A_645] : memref<4x2x128xi32, #tpu.memory_space<vmem>> -> memref<1x2x128xi32, #tpu.memory_space<vmem>>
          %dma_start3A_647 = tpu.memref_squeeze %dma_start3A_646 : memref<1x2x128xi32, #tpu.memory_space<vmem>> -> memref<2x128xi32, #tpu.memory_space<vmem>>
          %dma_start3A_648 = arith.constant 0 : i32
          %dma_start3A_649 = arith.constant 0 : i32
          %dma_start3A_650 = tpu.memref_slice %arg3[%add3A_631, %dma_start3A_648, %dma_start3A_649] : memref<1280x2x128xi32, #tpu.memory_space<hbm>> -> memref<1x2x128xi32, #tpu.memory_space<hbm>>
          %dma_start3A_651 = tpu.memref_squeeze %dma_start3A_650 : memref<1x2x128xi32, #tpu.memory_space<hbm>> -> memref<2x128xi32, #tpu.memory_space<hbm>>
          tpu.enqueue_dma source(%dma_start3A_651 : memref<2x128xi32, #tpu.memory_space<hbm>>) target(%dma_start3A_647 : memref<2x128xi32, #tpu.memory_space<vmem>>) target_semaphore(%dma_start3A_643 : memref<!tpu.dma_semaphore, #tpu.memory_space<semaphore_mem>>)
        } else {
        }
      } else {
      }
      %dma_wait3A_200 = arith.constant 1 : i32
      %dma_wait3A_201 = arith.constant 1 : i32
      %dma_wait3A_202 = arith.constant 0 : i32
      %dma_wait3A_203 = arith.constant 0 : i32
      %dma_wait3A_204 = tpu.memref_slice %arg9[%dma_wait3A_200, %dma_wait3A_202, %dma_wait3A_203] : memref<4x2x128xi32, #tpu.memory_space<vmem>> -> memref<1x2x128xi32, #tpu.memory_space<vmem>>
      %dma_wait3A_205 = tpu.memref_squeeze %dma_wait3A_204 : memref<1x2x128xi32, #tpu.memory_space<vmem>> -> memref<2x128xi32, #tpu.memory_space<vmem>>
      %dma_wait3A_206 = arith.constant 0 : i32
      %dma_wait3A_207 = arith.constant 0 : i32
      %dma_wait3A_208 = tpu.memref_slice %arg3[%mul3A_2, %dma_wait3A_206, %dma_wait3A_207] : memref<1280x2x128xi32, #tpu.memory_space<hbm>> -> memref<1x2x128xi32, #tpu.memory_space<hbm>>
      %dma_wait3A_209 = tpu.memref_squeeze %dma_wait3A_208 : memref<1x2x128xi32, #tpu.memory_space<hbm>> -> memref<2x128xi32, #tpu.memory_space<hbm>>
      %dma_wait3A_210 = tpu.memref_slice %arg14[%dma_wait3A_201] : memref<4x!tpu.dma_semaphore, #tpu.memory_space<semaphore_mem>> -> memref<1x!tpu.dma_semaphore, #tpu.memory_space<semaphore_mem>>
      %dma_wait3A_211 = tpu.memref_squeeze %dma_wait3A_210 : memref<1x!tpu.dma_semaphore, #tpu.memory_space<semaphore_mem>> -> memref<!tpu.dma_semaphore, #tpu.memory_space<semaphore_mem>>
      %dma_wait3A_212 = arith.constant 0 : i32
      %dma_wait3A_213 = arith.constant 0 : i32
      %dma_wait3A_214 = tpu.memref_slice %arg9[%dma_wait3A_200, %dma_wait3A_212, %dma_wait3A_213] : memref<4x2x128xi32, #tpu.memory_space<vmem>> -> memref<1x2x128xi32, #tpu.memory_space<vmem>>
      %dma_wait3A_215 = tpu.memref_squeeze %dma_wait3A_214 : memref<1x2x128xi32, #tpu.memory_space<vmem>> -> memref<2x128xi32, #tpu.memory_space<vmem>>
      %dma_wait3A_216 = arith.constant 0 : i32
      %dma_wait3A_217 = arith.constant 0 : i32
      %dma_wait3A_218 = tpu.memref_slice %arg3[%mul3A_2, %dma_wait3A_216, %dma_wait3A_217] : memref<1280x2x128xi32, #tpu.memory_space<hbm>> -> memref<1x2x128xi32, #tpu.memory_space<hbm>>
      %dma_wait3A_219 = tpu.memref_squeeze %dma_wait3A_218 : memref<1x2x128xi32, #tpu.memory_space<hbm>> -> memref<2x128xi32, #tpu.memory_space<hbm>>
      tpu.wait_dma2 semaphore(%dma_wait3A_211 : memref<!tpu.dma_semaphore, #tpu.memory_space<semaphore_mem>>) src(%dma_wait3A_219 : memref<2x128xi32, #tpu.memory_space<hbm>>) dst(%dma_wait3A_215 : memref<2x128xi32, #tpu.memory_space<vmem>>)
      %dma_start3A_220 = arith.constant 1 : i32
      %dma_start3A_221 = arith.constant 0 : i32
      %dma_start3A_222 = arith.constant 1 : i32
      %dma_start3A_223 = arith.constant 1 : i32
      %dma_start3A_224 = arith.constant 0 : i32
      %dma_start3A_225 = arith.constant 0 : i32
      %dma_start3A_226 = tpu.memref_slice %arg10[%dma_start3A_222, %dma_start3A_224, %dma_start3A_225] : memref<2x128x128xf32, #tpu.memory_space<vmem>> -> memref<1x128x128xf32, #tpu.memory_space<vmem>>
      %dma_start3A_227 = tpu.memref_squeeze %dma_start3A_226 : memref<1x128x128xf32, #tpu.memory_space<vmem>> -> memref<128x128xf32, #tpu.memory_space<vmem>>
      %dma_start3A_228 = arith.constant 0 : i32
      %dma_start3A_229 = tpu.memref_slice %arg9[%dma_start3A_220, %dma_start3A_221, %dma_start3A_228] : memref<4x2x128xi32, #tpu.memory_space<vmem>> -> memref<1x1x128xi32, #tpu.memory_space<vmem>>
      %dma_start3A_230 = tpu.memref_squeeze %dma_start3A_229 : memref<1x1x128xi32, #tpu.memory_space<vmem>> -> memref<128xi32, #tpu.memory_space<vmem>>
      %dma_start3A_231 = arith.constant 0 : i32
      %dma_start3A_232 = arith.constant 0 : i32
      %dma_start3A_233 = tpu.memref_slice %arg2[%add3A_3, %dma_start3A_231, %dma_start3A_232] : memref<2x10240x128xf32, #tpu.memory_space<hbm>> -> memref<1x10240x128xf32, #tpu.memory_space<hbm>>
      %dma_start3A_234 = tpu.memref_squeeze %dma_start3A_233 : memref<1x10240x128xf32, #tpu.memory_space<hbm>> -> memref<10240x128xf32, #tpu.memory_space<hbm>>
      %dma_start3A_235 = arith.constant 0 : i32
      %dma_start3A_236 = arith.constant 0 : i32
      %dma_start3A_237 = tpu.memref_slice %dma_start3A_234[%dma_start3A_235, %dma_start3A_236] : memref<10240x128xf32, #tpu.memory_space<hbm>> -> memref<10240x128xf32, #tpu.memory_space<hbm>>
      %dma_start3A_238 = tpu.memref_slice %arg15[%dma_start3A_223] : memref<2x!tpu.dma_semaphore, #tpu.memory_space<semaphore_mem>> -> memref<1x!tpu.dma_semaphore, #tpu.memory_space<semaphore_mem>>
      %dma_start3A_239 = tpu.memref_squeeze %dma_start3A_238 : memref<1x!tpu.dma_semaphore, #tpu.memory_space<semaphore_mem>> -> memref<!tpu.dma_semaphore, #tpu.memory_space<semaphore_mem>>
      tpu.enqueue_indirect_dma source(%dma_start3A_237 : memref<10240x128xf32, #tpu.memory_space<hbm>>) target(%dma_start3A_227 : memref<128x128xf32, #tpu.memory_space<vmem>>) offsets(%dma_start3A_230 : memref<128xi32, #tpu.memory_space<vmem>>) semaphore(%dma_start3A_239 : memref<!tpu.dma_semaphore, #tpu.memory_space<semaphore_mem>>)
      %dma_wait3A_240 = arith.constant 0 : i32
      %dma_wait3A_241 = arith.constant 0 : i32
      %dma_wait3A_242 = arith.constant 0 : i32
      %dma_wait3A_243 = arith.constant 0 : i32
      %dma_wait3A_244 = arith.constant 0 : i32
      %dma_wait3A_245 = arith.constant 0 : i32
      %dma_wait3A_246 = tpu.memref_slice %arg10[%dma_wait3A_242, %dma_wait3A_244, %dma_wait3A_245] : memref<2x128x128xf32, #tpu.memory_space<vmem>> -> memref<1x128x128xf32, #tpu.memory_space<vmem>>
      %dma_wait3A_247 = tpu.memref_squeeze %dma_wait3A_246 : memref<1x128x128xf32, #tpu.memory_space<vmem>> -> memref<128x128xf32, #tpu.memory_space<vmem>>
      %dma_wait3A_248 = arith.constant 0 : i32
      %dma_wait3A_249 = tpu.memref_slice %arg9[%dma_wait3A_240, %dma_wait3A_241, %dma_wait3A_248] : memref<4x2x128xi32, #tpu.memory_space<vmem>> -> memref<1x1x128xi32, #tpu.memory_space<vmem>>
      %dma_wait3A_250 = tpu.memref_squeeze %dma_wait3A_249 : memref<1x1x128xi32, #tpu.memory_space<vmem>> -> memref<128xi32, #tpu.memory_space<vmem>>
      %dma_wait3A_251 = arith.constant 0 : i32
      %dma_wait3A_252 = arith.constant 0 : i32
      %dma_wait3A_253 = tpu.memref_slice %arg2[%add3A_3, %dma_wait3A_251, %dma_wait3A_252] : memref<2x10240x128xf32, #tpu.memory_space<hbm>> -> memref<1x10240x128xf32, #tpu.memory_space<hbm>>
      %dma_wait3A_254 = tpu.memref_squeeze %dma_wait3A_253 : memref<1x10240x128xf32, #tpu.memory_space<hbm>> -> memref<10240x128xf32, #tpu.memory_space<hbm>>
      %dma_wait3A_255 = arith.constant 0 : i32
      %dma_wait3A_256 = arith.constant 0 : i32
      %dma_wait3A_257 = tpu.memref_slice %dma_wait3A_254[%dma_wait3A_255, %dma_wait3A_256] : memref<10240x128xf32, #tpu.memory_space<hbm>> -> memref<10240x128xf32, #tpu.memory_space<hbm>>
      %dma_wait3A_258 = tpu.memref_slice %arg15[%dma_wait3A_243] : memref<2x!tpu.dma_semaphore, #tpu.memory_space<semaphore_mem>> -> memref<1x!tpu.dma_semaphore, #tpu.memory_space<semaphore_mem>>
      %dma_wait3A_259 = tpu.memref_squeeze %dma_wait3A_258 : memref<1x!tpu.dma_semaphore, #tpu.memory_space<semaphore_mem>> -> memref<!tpu.dma_semaphore, #tpu.memory_space<semaphore_mem>>
      tpu.wait_indirect_dma semaphore(%dma_wait3A_259 : memref<!tpu.dma_semaphore, #tpu.memory_space<semaphore_mem>>) src(%dma_wait3A_257 : memref<10240x128xf32, #tpu.memory_space<hbm>>) dst(%dma_wait3A_247 : memref<128x128xf32, #tpu.memory_space<vmem>>)
      %dma_start3A_260 = arith.constant 0 : i32
      %dma_start3A_261 = arith.constant 0 : i32
      %dma_start3A_262 = arith.constant 1 : i32
      %dma_start3A_263 = arith.constant 0 : i32
      %dma_start3A_264 = arith.constant 0 : i32
      %dma_start3A_265 = arith.constant 0 : i32
      %dma_start3A_266 = tpu.memref_slice %arg10[%dma_start3A_260, %dma_start3A_264, %dma_start3A_265] : memref<2x128x128xf32, #tpu.memory_space<vmem>> -> memref<1x128x128xf32, #tpu.memory_space<vmem>>
      %dma_start3A_267 = tpu.memref_squeeze %dma_start3A_266 : memref<1x128x128xf32, #tpu.memory_space<vmem>> -> memref<128x128xf32, #tpu.memory_space<vmem>>
      %dma_start3A_268 = arith.constant 0 : i32
      %dma_start3A_269 = tpu.memref_slice %arg9[%dma_start3A_261, %dma_start3A_262, %dma_start3A_268] : memref<4x2x128xi32, #tpu.memory_space<vmem>> -> memref<1x1x128xi32, #tpu.memory_space<vmem>>
      %dma_start3A_270 = tpu.memref_squeeze %dma_start3A_269 : memref<1x1x128xi32, #tpu.memory_space<vmem>> -> memref<128xi32, #tpu.memory_space<vmem>>
      %dma_start3A_271 = arith.constant 0 : i32
      %dma_start3A_272 = arith.constant 0 : i32
      %dma_start3A_273 = tpu.memref_slice %arg12[%dma_start3A_271, %dma_start3A_272] : memref<10240x128xf32, #tpu.memory_space<vmem_shared>> -> memref<10240x128xf32, #tpu.memory_space<vmem_shared>>
      %dma_start3A_274 = tpu.memref_slice %arg16[%dma_start3A_263] : memref<2x!tpu.dma_semaphore, #tpu.memory_space<semaphore_mem>> -> memref<1x!tpu.dma_semaphore, #tpu.memory_space<semaphore_mem>>
      %dma_start3A_275 = tpu.memref_squeeze %dma_start3A_274 : memref<1x!tpu.dma_semaphore, #tpu.memory_space<semaphore_mem>> -> memref<!tpu.dma_semaphore, #tpu.memory_space<semaphore_mem>>
      tpu.enqueue_indirect_dma source(%dma_start3A_267 : memref<128x128xf32, #tpu.memory_space<vmem>>) target(%dma_start3A_273 : memref<10240x128xf32, #tpu.memory_space<vmem_shared>>) offsets(%dma_start3A_270 : memref<128xi32, #tpu.memory_space<vmem>>) semaphore(%dma_start3A_275 : memref<!tpu.dma_semaphore, #tpu.memory_space<semaphore_mem>>) {add = true}
      %mul3A_276 = arith.constant 4 : i32
      %mul3A_277 = arith.muli %mul3A_276, %scan3A_134 : i32
      %add3A_278 = arith.constant 0 : i32
      %add3A_279 = arith.addi %mul3A_277, %add3A_278 : i32
      %eq3A_280 = arith.constant 0 : i32
      %eq3A_281 = arith.cmpi eq, %arg0, %eq3A_280 : i32
      %lt3A = arith.constant 40 : i32
      %lt3A_282 = arith.cmpi slt, %add3A_279, %lt3A : i32
      %ge3A = arith.constant 40 : i32
      %ge3A_283 = arith.cmpi sge, %add3A_279, %ge3A : i32
      %select_n3A = arith.select %eq3A_281, %lt3A_282, %ge3A_283 : i1
      %convert_element_type3A_284 = arith.extui %select_n3A : i1 to i32
      %cond3A_285 = arith.constant 0 : i32
      %cond3A_286 = arith.cmpi ne, %convert_element_type3A_284, %cond3A_285 : i32
      scf.if %cond3A_286 {
        %dma_start3A_598 = arith.constant 0 : i32
        %dma_start3A_599 = arith.constant 1 : i32
        %dma_start3A_600 = arith.constant 0 : i32
        %dma_start3A_601 = arith.constant 0 : i32
        %dma_start3A_602 = tpu.memref_slice %arg9[%dma_start3A_598, %dma_start3A_599, %dma_start3A_601] : memref<4x2x128xi32, #tpu.memory_space<vmem>> -> memref<1x1x128xi32, #tpu.memory_space<vmem>>
        %dma_start3A_603 = tpu.memref_squeeze %dma_start3A_602 : memref<1x1x128xi32, #tpu.memory_space<vmem>> -> memref<128xi32, #tpu.memory_space<vmem>>
        %dma_start3A_604 = arith.constant 0 : i32
        %dma_start3A_605 = tpu.memref_slice %arg13[%dma_start3A_604] : memref<10240xf32, #tpu.memory_space<vmem_shared>> -> memref<10240xf32, #tpu.memory_space<vmem_shared>>
        %dma_start3A_606 = tpu.memref_slice %arg17[%dma_start3A_600] : memref<2x!tpu.dma_semaphore, #tpu.memory_space<semaphore_mem>> -> memref<1x!tpu.dma_semaphore, #tpu.memory_space<semaphore_mem>>
        %dma_start3A_607 = tpu.memref_squeeze %dma_start3A_606 : memref<1x!tpu.dma_semaphore, #tpu.memory_space<semaphore_mem>> -> memref<!tpu.dma_semaphore, #tpu.memory_space<semaphore_mem>>
        tpu.enqueue_indirect_dma source(%arg11 : memref<128xf32, #tpu.memory_space<vmem>>) target(%dma_start3A_605 : memref<10240xf32, #tpu.memory_space<vmem_shared>>) offsets(%dma_start3A_603 : memref<128xi32, #tpu.memory_space<vmem>>) semaphore(%dma_start3A_607 : memref<!tpu.dma_semaphore, #tpu.memory_space<semaphore_mem>>) {add = true}
      } else {
      }
      %dma_wait3A_287 = arith.constant 1 : i32
      %dma_wait3A_288 = arith.constant 0 : i32
      %dma_wait3A_289 = arith.constant 1 : i32
      %dma_wait3A_290 = arith.constant 1 : i32
      %dma_wait3A_291 = arith.constant 0 : i32
      %dma_wait3A_292 = arith.constant 0 : i32
      %dma_wait3A_293 = tpu.memref_slice %arg10[%dma_wait3A_289, %dma_wait3A_291, %dma_wait3A_292] : memref<2x128x128xf32, #tpu.memory_space<vmem>> -> memref<1x128x128xf32, #tpu.memory_space<vmem>>
      %dma_wait3A_294 = tpu.memref_squeeze %dma_wait3A_293 : memref<1x128x128xf32, #tpu.memory_space<vmem>> -> memref<128x128xf32, #tpu.memory_space<vmem>>
      %dma_wait3A_295 = arith.constant 0 : i32
      %dma_wait3A_296 = tpu.memref_slice %arg9[%dma_wait3A_287, %dma_wait3A_288, %dma_wait3A_295] : memref<4x2x128xi32, #tpu.memory_space<vmem>> -> memref<1x1x128xi32, #tpu.memory_space<vmem>>
      %dma_wait3A_297 = tpu.memref_squeeze %dma_wait3A_296 : memref<1x1x128xi32, #tpu.memory_space<vmem>> -> memref<128xi32, #tpu.memory_space<vmem>>
      %dma_wait3A_298 = arith.constant 0 : i32
      %dma_wait3A_299 = arith.constant 0 : i32
      %dma_wait3A_300 = tpu.memref_slice %arg2[%add3A_3, %dma_wait3A_298, %dma_wait3A_299] : memref<2x10240x128xf32, #tpu.memory_space<hbm>> -> memref<1x10240x128xf32, #tpu.memory_space<hbm>>
      %dma_wait3A_301 = tpu.memref_squeeze %dma_wait3A_300 : memref<1x10240x128xf32, #tpu.memory_space<hbm>> -> memref<10240x128xf32, #tpu.memory_space<hbm>>
      %dma_wait3A_302 = arith.constant 0 : i32
      %dma_wait3A_303 = arith.constant 0 : i32
      %dma_wait3A_304 = tpu.memref_slice %dma_wait3A_301[%dma_wait3A_302, %dma_wait3A_303] : memref<10240x128xf32, #tpu.memory_space<hbm>> -> memref<10240x128xf32, #tpu.memory_space<hbm>>
      %dma_wait3A_305 = tpu.memref_slice %arg15[%dma_wait3A_290] : memref<2x!tpu.dma_semaphore, #tpu.memory_space<semaphore_mem>> -> memref<1x!tpu.dma_semaphore, #tpu.memory_space<semaphore_mem>>
      %dma_wait3A_306 = tpu.memref_squeeze %dma_wait3A_305 : memref<1x!tpu.dma_semaphore, #tpu.memory_space<semaphore_mem>> -> memref<!tpu.dma_semaphore, #tpu.memory_space<semaphore_mem>>
      tpu.wait_indirect_dma semaphore(%dma_wait3A_306 : memref<!tpu.dma_semaphore, #tpu.memory_space<semaphore_mem>>) src(%dma_wait3A_304 : memref<10240x128xf32, #tpu.memory_space<hbm>>) dst(%dma_wait3A_294 : memref<128x128xf32, #tpu.memory_space<vmem>>)
      %dma_start3A_307 = arith.constant 1 : i32
      %dma_start3A_308 = arith.constant 1 : i32
      %dma_start3A_309 = arith.constant 1 : i32
      %dma_start3A_310 = arith.constant 1 : i32
      %dma_start3A_311 = arith.constant 0 : i32
      %dma_start3A_312 = arith.constant 0 : i32
      %dma_start3A_313 = tpu.memref_slice %arg10[%dma_start3A_307, %dma_start3A_311, %dma_start3A_312] : memref<2x128x128xf32, #tpu.memory_space<vmem>> -> memref<1x128x128xf32, #tpu.memory_space<vmem>>
      %dma_start3A_314 = tpu.memref_squeeze %dma_start3A_313 : memref<1x128x128xf32, #tpu.memory_space<vmem>> -> memref<128x128xf32, #tpu.memory_space<vmem>>
      %dma_start3A_315 = arith.constant 0 : i32
      %dma_start3A_316 = tpu.memref_slice %arg9[%dma_start3A_308, %dma_start3A_309, %dma_start3A_315] : memref<4x2x128xi32, #tpu.memory_space<vmem>> -> memref<1x1x128xi32, #tpu.memory_space<vmem>>
      %dma_start3A_317 = tpu.memref_squeeze %dma_start3A_316 : memref<1x1x128xi32, #tpu.memory_space<vmem>> -> memref<128xi32, #tpu.memory_space<vmem>>
      %dma_start3A_318 = arith.constant 0 : i32
      %dma_start3A_319 = arith.constant 0 : i32
      %dma_start3A_320 = tpu.memref_slice %arg12[%dma_start3A_318, %dma_start3A_319] : memref<10240x128xf32, #tpu.memory_space<vmem_shared>> -> memref<10240x128xf32, #tpu.memory_space<vmem_shared>>
      %dma_start3A_321 = tpu.memref_slice %arg16[%dma_start3A_310] : memref<2x!tpu.dma_semaphore, #tpu.memory_space<semaphore_mem>> -> memref<1x!tpu.dma_semaphore, #tpu.memory_space<semaphore_mem>>
      %dma_start3A_322 = tpu.memref_squeeze %dma_start3A_321 : memref<1x!tpu.dma_semaphore, #tpu.memory_space<semaphore_mem>> -> memref<!tpu.dma_semaphore, #tpu.memory_space<semaphore_mem>>
      tpu.enqueue_indirect_dma source(%dma_start3A_314 : memref<128x128xf32, #tpu.memory_space<vmem>>) target(%dma_start3A_320 : memref<10240x128xf32, #tpu.memory_space<vmem_shared>>) offsets(%dma_start3A_317 : memref<128xi32, #tpu.memory_space<vmem>>) semaphore(%dma_start3A_322 : memref<!tpu.dma_semaphore, #tpu.memory_space<semaphore_mem>>) {add = true}
      %mul3A_323 = arith.constant 4 : i32
      %mul3A_324 = arith.muli %mul3A_323, %scan3A_134 : i32
      %add3A_325 = arith.constant 0 : i32
      %add3A_326 = arith.addi %mul3A_324, %add3A_325 : i32
      %eq3A_327 = arith.constant 0 : i32
      %eq3A_328 = arith.cmpi eq, %arg0, %eq3A_327 : i32
      %lt3A_329 = arith.constant 40 : i32
      %lt3A_330 = arith.cmpi slt, %add3A_326, %lt3A_329 : i32
      %ge3A_331 = arith.constant 40 : i32
      %ge3A_332 = arith.cmpi sge, %add3A_326, %ge3A_331 : i32
      %select_n3A_333 = arith.select %eq3A_328, %lt3A_330, %ge3A_332 : i1
      %convert_element_type3A_334 = arith.extui %select_n3A_333 : i1 to i32
      %cond3A_335 = arith.constant 0 : i32
      %cond3A_336 = arith.cmpi ne, %convert_element_type3A_334, %cond3A_335 : i32
      scf.if %cond3A_336 {
        %dma_start3A_598 = arith.constant 1 : i32
        %dma_start3A_599 = arith.constant 1 : i32
        %dma_start3A_600 = arith.constant 1 : i32
        %dma_start3A_601 = arith.constant 0 : i32
        %dma_start3A_602 = tpu.memref_slice %arg9[%dma_start3A_598, %dma_start3A_599, %dma_start3A_601] : memref<4x2x128xi32, #tpu.memory_space<vmem>> -> memref<1x1x128xi32, #tpu.memory_space<vmem>>
        %dma_start3A_603 = tpu.memref_squeeze %dma_start3A_602 : memref<1x1x128xi32, #tpu.memory_space<vmem>> -> memref<128xi32, #tpu.memory_space<vmem>>
        %dma_start3A_604 = arith.constant 0 : i32
        %dma_start3A_605 = tpu.memref_slice %arg13[%dma_start3A_604] : memref<10240xf32, #tpu.memory_space<vmem_shared>> -> memref<10240xf32, #tpu.memory_space<vmem_shared>>
        %dma_start3A_606 = tpu.memref_slice %arg17[%dma_start3A_600] : memref<2x!tpu.dma_semaphore, #tpu.memory_space<semaphore_mem>> -> memref<1x!tpu.dma_semaphore, #tpu.memory_space<semaphore_mem>>
        %dma_start3A_607 = tpu.memref_squeeze %dma_start3A_606 : memref<1x!tpu.dma_semaphore, #tpu.memory_space<semaphore_mem>> -> memref<!tpu.dma_semaphore, #tpu.memory_space<semaphore_mem>>
        tpu.enqueue_indirect_dma source(%arg11 : memref<128xf32, #tpu.memory_space<vmem>>) target(%dma_start3A_605 : memref<10240xf32, #tpu.memory_space<vmem_shared>>) offsets(%dma_start3A_603 : memref<128xi32, #tpu.memory_space<vmem>>) semaphore(%dma_start3A_607 : memref<!tpu.dma_semaphore, #tpu.memory_space<semaphore_mem>>) {add = true}
      } else {
      }
      %mul3A_337 = arith.constant 4 : i32
      %mul3A_338 = arith.muli %mul3A_337, %scan3A_134 : i32
      %add3A_339 = arith.constant 2 : i32
      %add3A_340 = arith.addi %mul3A_338, %add3A_339 : i32
      %add3A_341 = arith.constant 2 : i32
      %add3A_342 = arith.addi %add3A_340, %add3A_341 : i32
      %add3A_343 = arith.constant 0 : i32
      %add3A_344 = arith.addi %add3A_342, %add3A_343 : i32
      %dma_wait3A_345 = arith.constant 0 : i32
      %dma_wait3A_346 = arith.constant 2 : i32
      %dma_wait3A_347 = arith.constant 1 : i32
      %dma_wait3A_348 = arith.constant 0 : i32
      %dma_wait3A_349 = arith.constant 0 : i32
      %dma_wait3A_350 = arith.constant 0 : i32
      %dma_wait3A_351 = tpu.memref_slice %arg10[%dma_wait3A_345, %dma_wait3A_349, %dma_wait3A_350] : memref<2x128x128xf32, #tpu.memory_space<vmem>> -> memref<1x128x128xf32, #tpu.memory_space<vmem>>
      %dma_wait3A_352 = tpu.memref_squeeze %dma_wait3A_351 : memref<1x128x128xf32, #tpu.memory_space<vmem>> -> memref<128x128xf32, #tpu.memory_space<vmem>>
      %dma_wait3A_353 = arith.constant 0 : i32
      %dma_wait3A_354 = tpu.memref_slice %arg9[%dma_wait3A_346, %dma_wait3A_347, %dma_wait3A_353] : memref<4x2x128xi32, #tpu.memory_space<vmem>> -> memref<1x1x128xi32, #tpu.memory_space<vmem>>
      %dma_wait3A_355 = tpu.memref_squeeze %dma_wait3A_354 : memref<1x1x128xi32, #tpu.memory_space<vmem>> -> memref<128xi32, #tpu.memory_space<vmem>>
      %dma_wait3A_356 = arith.constant 0 : i32
      %dma_wait3A_357 = arith.constant 0 : i32
      %dma_wait3A_358 = tpu.memref_slice %arg12[%dma_wait3A_356, %dma_wait3A_357] : memref<10240x128xf32, #tpu.memory_space<vmem_shared>> -> memref<10240x128xf32, #tpu.memory_space<vmem_shared>>
      %dma_wait3A_359 = tpu.memref_slice %arg16[%dma_wait3A_348] : memref<2x!tpu.dma_semaphore, #tpu.memory_space<semaphore_mem>> -> memref<1x!tpu.dma_semaphore, #tpu.memory_space<semaphore_mem>>
      %dma_wait3A_360 = tpu.memref_squeeze %dma_wait3A_359 : memref<1x!tpu.dma_semaphore, #tpu.memory_space<semaphore_mem>> -> memref<!tpu.dma_semaphore, #tpu.memory_space<semaphore_mem>>
      tpu.wait_indirect_dma semaphore(%dma_wait3A_360 : memref<!tpu.dma_semaphore, #tpu.memory_space<semaphore_mem>>) src(%dma_wait3A_352 : memref<128x128xf32, #tpu.memory_space<vmem>>) dst(%dma_wait3A_358 : memref<10240x128xf32, #tpu.memory_space<vmem_shared>>)
      %sub3A = arith.constant 2 : i32
      %sub3A_361 = arith.subi %add3A_340, %sub3A : i32
      %eq3A_362 = arith.constant 0 : i32
      %eq3A_363 = arith.cmpi eq, %arg0, %eq3A_362 : i32
      %lt3A_364 = arith.constant 40 : i32
      %lt3A_365 = arith.cmpi slt, %sub3A_361, %lt3A_364 : i32
      %ge3A_366 = arith.constant 40 : i32
      %ge3A_367 = arith.cmpi sge, %sub3A_361, %ge3A_366 : i32
      %select_n3A_368 = arith.select %eq3A_363, %lt3A_365, %ge3A_367 : i1
      %convert_element_type3A_369 = arith.extui %select_n3A_368 : i1 to i32
      %cond3A_370 = arith.constant 0 : i32
      %cond3A_371 = arith.cmpi ne, %convert_element_type3A_369, %cond3A_370 : i32
      scf.if %cond3A_371 {
        %dma_wait3A_598 = arith.constant 2 : i32
        %dma_wait3A_599 = arith.constant 1 : i32
        %dma_wait3A_600 = arith.constant 0 : i32
        %dma_wait3A_601 = arith.constant 0 : i32
        %dma_wait3A_602 = tpu.memref_slice %arg9[%dma_wait3A_598, %dma_wait3A_599, %dma_wait3A_601] : memref<4x2x128xi32, #tpu.memory_space<vmem>> -> memref<1x1x128xi32, #tpu.memory_space<vmem>>
        %dma_wait3A_603 = tpu.memref_squeeze %dma_wait3A_602 : memref<1x1x128xi32, #tpu.memory_space<vmem>> -> memref<128xi32, #tpu.memory_space<vmem>>
        %dma_wait3A_604 = arith.constant 0 : i32
        %dma_wait3A_605 = tpu.memref_slice %arg13[%dma_wait3A_604] : memref<10240xf32, #tpu.memory_space<vmem_shared>> -> memref<10240xf32, #tpu.memory_space<vmem_shared>>
        %dma_wait3A_606 = tpu.memref_slice %arg17[%dma_wait3A_600] : memref<2x!tpu.dma_semaphore, #tpu.memory_space<semaphore_mem>> -> memref<1x!tpu.dma_semaphore, #tpu.memory_space<semaphore_mem>>
        %dma_wait3A_607 = tpu.memref_squeeze %dma_wait3A_606 : memref<1x!tpu.dma_semaphore, #tpu.memory_space<semaphore_mem>> -> memref<!tpu.dma_semaphore, #tpu.memory_space<semaphore_mem>>
        tpu.wait_indirect_dma semaphore(%dma_wait3A_607 : memref<!tpu.dma_semaphore, #tpu.memory_space<semaphore_mem>>) src(%arg11 : memref<128xf32, #tpu.memory_space<vmem>>) dst(%dma_wait3A_605 : memref<10240xf32, #tpu.memory_space<vmem_shared>>)
      } else {
      }
      %lt3A_372 = arith.constant 80 : i32
      %lt3A_373 = arith.cmpi slt, %add3A_344, %lt3A_372 : i32
      %convert_element_type3A_374 = arith.extui %lt3A_373 : i1 to i32
      %cond3A_375 = arith.constant 0 : i32
      %cond3A_376 = arith.cmpi ne, %convert_element_type3A_374, %cond3A_375 : i32
      scf.if %cond3A_376 {
        %add3A_598 = arith.addi %mul3A_2, %add3A_344 : i32
        %dma_start3A_599 = arith.constant 0 : i32
        %dma_start3A_600 = arith.constant 0 : i32
        %dma_start3A_601 = arith.constant 0 : i32
        %dma_start3A_602 = arith.constant 0 : i32
        %dma_start3A_603 = tpu.memref_slice %arg9[%dma_start3A_599, %dma_start3A_601, %dma_start3A_602] : memref<4x2x128xi32, #tpu.memory_space<vmem>> -> memref<1x2x128xi32, #tpu.memory_space<vmem>>
        %dma_start3A_604 = tpu.memref_squeeze %dma_start3A_603 : memref<1x2x128xi32, #tpu.memory_space<vmem>> -> memref<2x128xi32, #tpu.memory_space<vmem>>
        %dma_start3A_605 = arith.constant 0 : i32
        %dma_start3A_606 = arith.constant 0 : i32
        %dma_start3A_607 = tpu.memref_slice %arg3[%add3A_598, %dma_start3A_605, %dma_start3A_606] : memref<1280x2x128xi32, #tpu.memory_space<hbm>> -> memref<1x2x128xi32, #tpu.memory_space<hbm>>
        %dma_start3A_608 = tpu.memref_squeeze %dma_start3A_607 : memref<1x2x128xi32, #tpu.memory_space<hbm>> -> memref<2x128xi32, #tpu.memory_space<hbm>>
        %dma_start3A_609 = tpu.memref_slice %arg14[%dma_start3A_600] : memref<4x!tpu.dma_semaphore, #tpu.memory_space<semaphore_mem>> -> memref<1x!tpu.dma_semaphore, #tpu.memory_space<semaphore_mem>>
        %dma_start3A_610 = tpu.memref_squeeze %dma_start3A_609 : memref<1x!tpu.dma_semaphore, #tpu.memory_space<semaphore_mem>> -> memref<!tpu.dma_semaphore, #tpu.memory_space<semaphore_mem>>
        %dma_start3A_611 = arith.constant 0 : i32
        %dma_start3A_612 = arith.constant 0 : i32
        %dma_start3A_613 = tpu.memref_slice %arg9[%dma_start3A_599, %dma_start3A_611, %dma_start3A_612] : memref<4x2x128xi32, #tpu.memory_space<vmem>> -> memref<1x2x128xi32, #tpu.memory_space<vmem>>
        %dma_start3A_614 = tpu.memref_squeeze %dma_start3A_613 : memref<1x2x128xi32, #tpu.memory_space<vmem>> -> memref<2x128xi32, #tpu.memory_space<vmem>>
        %dma_start3A_615 = arith.constant 0 : i32
        %dma_start3A_616 = arith.constant 0 : i32
        %dma_start3A_617 = tpu.memref_slice %arg3[%add3A_598, %dma_start3A_615, %dma_start3A_616] : memref<1280x2x128xi32, #tpu.memory_space<hbm>> -> memref<1x2x128xi32, #tpu.memory_space<hbm>>
        %dma_start3A_618 = tpu.memref_squeeze %dma_start3A_617 : memref<1x2x128xi32, #tpu.memory_space<hbm>> -> memref<2x128xi32, #tpu.memory_space<hbm>>
        tpu.enqueue_dma source(%dma_start3A_618 : memref<2x128xi32, #tpu.memory_space<hbm>>) target(%dma_start3A_614 : memref<2x128xi32, #tpu.memory_space<vmem>>) target_semaphore(%dma_start3A_610 : memref<!tpu.dma_semaphore, #tpu.memory_space<semaphore_mem>>)
      } else {
      }
      %dma_wait3A_377 = arith.constant 2 : i32
      %dma_wait3A_378 = arith.constant 2 : i32
      %dma_wait3A_379 = arith.constant 0 : i32
      %dma_wait3A_380 = arith.constant 0 : i32
      %dma_wait3A_381 = tpu.memref_slice %arg9[%dma_wait3A_377, %dma_wait3A_379, %dma_wait3A_380] : memref<4x2x128xi32, #tpu.memory_space<vmem>> -> memref<1x2x128xi32, #tpu.memory_space<vmem>>
      %dma_wait3A_382 = tpu.memref_squeeze %dma_wait3A_381 : memref<1x2x128xi32, #tpu.memory_space<vmem>> -> memref<2x128xi32, #tpu.memory_space<vmem>>
      %dma_wait3A_383 = arith.constant 0 : i32
      %dma_wait3A_384 = arith.constant 0 : i32
      %dma_wait3A_385 = tpu.memref_slice %arg3[%mul3A_2, %dma_wait3A_383, %dma_wait3A_384] : memref<1280x2x128xi32, #tpu.memory_space<hbm>> -> memref<1x2x128xi32, #tpu.memory_space<hbm>>
      %dma_wait3A_386 = tpu.memref_squeeze %dma_wait3A_385 : memref<1x2x128xi32, #tpu.memory_space<hbm>> -> memref<2x128xi32, #tpu.memory_space<hbm>>
      %dma_wait3A_387 = tpu.memref_slice %arg14[%dma_wait3A_378] : memref<4x!tpu.dma_semaphore, #tpu.memory_space<semaphore_mem>> -> memref<1x!tpu.dma_semaphore, #tpu.memory_space<semaphore_mem>>
      %dma_wait3A_388 = tpu.memref_squeeze %dma_wait3A_387 : memref<1x!tpu.dma_semaphore, #tpu.memory_space<semaphore_mem>> -> memref<!tpu.dma_semaphore, #tpu.memory_space<semaphore_mem>>
      %dma_wait3A_389 = arith.constant 0 : i32
      %dma_wait3A_390 = arith.constant 0 : i32
      %dma_wait3A_391 = tpu.memref_slice %arg9[%dma_wait3A_377, %dma_wait3A_389, %dma_wait3A_390] : memref<4x2x128xi32, #tpu.memory_space<vmem>> -> memref<1x2x128xi32, #tpu.memory_space<vmem>>
      %dma_wait3A_392 = tpu.memref_squeeze %dma_wait3A_391 : memref<1x2x128xi32, #tpu.memory_space<vmem>> -> memref<2x128xi32, #tpu.memory_space<vmem>>
      %dma_wait3A_393 = arith.constant 0 : i32
      %dma_wait3A_394 = arith.constant 0 : i32
      %dma_wait3A_395 = tpu.memref_slice %arg3[%mul3A_2, %dma_wait3A_393, %dma_wait3A_394] : memref<1280x2x128xi32, #tpu.memory_space<hbm>> -> memref<1x2x128xi32, #tpu.memory_space<hbm>>
      %dma_wait3A_396 = tpu.memref_squeeze %dma_wait3A_395 : memref<1x2x128xi32, #tpu.memory_space<hbm>> -> memref<2x128xi32, #tpu.memory_space<hbm>>
      tpu.wait_dma2 semaphore(%dma_wait3A_388 : memref<!tpu.dma_semaphore, #tpu.memory_space<semaphore_mem>>) src(%dma_wait3A_396 : memref<2x128xi32, #tpu.memory_space<hbm>>) dst(%dma_wait3A_392 : memref<2x128xi32, #tpu.memory_space<vmem>>)
      %dma_start3A_397 = arith.constant 2 : i32
      %dma_start3A_398 = arith.constant 0 : i32
      %dma_start3A_399 = arith.constant 0 : i32
      %dma_start3A_400 = arith.constant 0 : i32
      %dma_start3A_401 = arith.constant 0 : i32
      %dma_start3A_402 = arith.constant 0 : i32
      %dma_start3A_403 = tpu.memref_slice %arg10[%dma_start3A_399, %dma_start3A_401, %dma_start3A_402] : memref<2x128x128xf32, #tpu.memory_space<vmem>> -> memref<1x128x128xf32, #tpu.memory_space<vmem>>
      %dma_start3A_404 = tpu.memref_squeeze %dma_start3A_403 : memref<1x128x128xf32, #tpu.memory_space<vmem>> -> memref<128x128xf32, #tpu.memory_space<vmem>>
      %dma_start3A_405 = arith.constant 0 : i32
      %dma_start3A_406 = tpu.memref_slice %arg9[%dma_start3A_397, %dma_start3A_398, %dma_start3A_405] : memref<4x2x128xi32, #tpu.memory_space<vmem>> -> memref<1x1x128xi32, #tpu.memory_space<vmem>>
      %dma_start3A_407 = tpu.memref_squeeze %dma_start3A_406 : memref<1x1x128xi32, #tpu.memory_space<vmem>> -> memref<128xi32, #tpu.memory_space<vmem>>
      %dma_start3A_408 = arith.constant 0 : i32
      %dma_start3A_409 = arith.constant 0 : i32
      %dma_start3A_410 = tpu.memref_slice %arg2[%add3A_3, %dma_start3A_408, %dma_start3A_409] : memref<2x10240x128xf32, #tpu.memory_space<hbm>> -> memref<1x10240x128xf32, #tpu.memory_space<hbm>>
      %dma_start3A_411 = tpu.memref_squeeze %dma_start3A_410 : memref<1x10240x128xf32, #tpu.memory_space<hbm>> -> memref<10240x128xf32, #tpu.memory_space<hbm>>
      %dma_start3A_412 = arith.constant 0 : i32
      %dma_start3A_413 = arith.constant 0 : i32
      %dma_start3A_414 = tpu.memref_slice %dma_start3A_411[%dma_start3A_412, %dma_start3A_413] : memref<10240x128xf32, #tpu.memory_space<hbm>> -> memref<10240x128xf32, #tpu.memory_space<hbm>>
      %dma_start3A_415 = tpu.memref_slice %arg15[%dma_start3A_400] : memref<2x!tpu.dma_semaphore, #tpu.memory_space<semaphore_mem>> -> memref<1x!tpu.dma_semaphore, #tpu.memory_space<semaphore_mem>>
      %dma_start3A_416 = tpu.memref_squeeze %dma_start3A_415 : memref<1x!tpu.dma_semaphore, #tpu.memory_space<semaphore_mem>> -> memref<!tpu.dma_semaphore, #tpu.memory_space<semaphore_mem>>
      tpu.enqueue_indirect_dma source(%dma_start3A_414 : memref<10240x128xf32, #tpu.memory_space<hbm>>) target(%dma_start3A_404 : memref<128x128xf32, #tpu.memory_space<vmem>>) offsets(%dma_start3A_407 : memref<128xi32, #tpu.memory_space<vmem>>) semaphore(%dma_start3A_416 : memref<!tpu.dma_semaphore, #tpu.memory_space<semaphore_mem>>)
      %mul3A_417 = arith.constant 4 : i32
      %mul3A_418 = arith.muli %mul3A_417, %scan3A_134 : i32
      %add3A_419 = arith.constant 2 : i32
      %add3A_420 = arith.addi %mul3A_418, %add3A_419 : i32
      %add3A_421 = arith.constant 2 : i32
      %add3A_422 = arith.addi %add3A_420, %add3A_421 : i32
      %add3A_423 = arith.constant 1 : i32
      %add3A_424 = arith.addi %add3A_422, %add3A_423 : i32
      %dma_wait3A_425 = arith.constant 1 : i32
      %dma_wait3A_426 = arith.constant 3 : i32
      %dma_wait3A_427 = arith.constant 1 : i32
      %dma_wait3A_428 = arith.constant 1 : i32
      %dma_wait3A_429 = arith.constant 0 : i32
      %dma_wait3A_430 = arith.constant 0 : i32
      %dma_wait3A_431 = tpu.memref_slice %arg10[%dma_wait3A_425, %dma_wait3A_429, %dma_wait3A_430] : memref<2x128x128xf32, #tpu.memory_space<vmem>> -> memref<1x128x128xf32, #tpu.memory_space<vmem>>
      %dma_wait3A_432 = tpu.memref_squeeze %dma_wait3A_431 : memref<1x128x128xf32, #tpu.memory_space<vmem>> -> memref<128x128xf32, #tpu.memory_space<vmem>>
      %dma_wait3A_433 = arith.constant 0 : i32
      %dma_wait3A_434 = tpu.memref_slice %arg9[%dma_wait3A_426, %dma_wait3A_427, %dma_wait3A_433] : memref<4x2x128xi32, #tpu.memory_space<vmem>> -> memref<1x1x128xi32, #tpu.memory_space<vmem>>
      %dma_wait3A_435 = tpu.memref_squeeze %dma_wait3A_434 : memref<1x1x128xi32, #tpu.memory_space<vmem>> -> memref<128xi32, #tpu.memory_space<vmem>>
      %dma_wait3A_436 = arith.constant 0 : i32
      %dma_wait3A_437 = arith.constant 0 : i32
      %dma_wait3A_438 = tpu.memref_slice %arg12[%dma_wait3A_436, %dma_wait3A_437] : memref<10240x128xf32, #tpu.memory_space<vmem_shared>> -> memref<10240x128xf32, #tpu.memory_space<vmem_shared>>
      %dma_wait3A_439 = tpu.memref_slice %arg16[%dma_wait3A_428] : memref<2x!tpu.dma_semaphore, #tpu.memory_space<semaphore_mem>> -> memref<1x!tpu.dma_semaphore, #tpu.memory_space<semaphore_mem>>
      %dma_wait3A_440 = tpu.memref_squeeze %dma_wait3A_439 : memref<1x!tpu.dma_semaphore, #tpu.memory_space<semaphore_mem>> -> memref<!tpu.dma_semaphore, #tpu.memory_space<semaphore_mem>>
      tpu.wait_indirect_dma semaphore(%dma_wait3A_440 : memref<!tpu.dma_semaphore, #tpu.memory_space<semaphore_mem>>) src(%dma_wait3A_432 : memref<128x128xf32, #tpu.memory_space<vmem>>) dst(%dma_wait3A_438 : memref<10240x128xf32, #tpu.memory_space<vmem_shared>>)
      %sub3A_441 = arith.constant 2 : i32
      %sub3A_442 = arith.subi %add3A_420, %sub3A_441 : i32
      %eq3A_443 = arith.constant 0 : i32
      %eq3A_444 = arith.cmpi eq, %arg0, %eq3A_443 : i32
      %lt3A_445 = arith.constant 40 : i32
      %lt3A_446 = arith.cmpi slt, %sub3A_442, %lt3A_445 : i32
      %ge3A_447 = arith.constant 40 : i32
      %ge3A_448 = arith.cmpi sge, %sub3A_442, %ge3A_447 : i32
      %select_n3A_449 = arith.select %eq3A_444, %lt3A_446, %ge3A_448 : i1
      %convert_element_type3A_450 = arith.extui %select_n3A_449 : i1 to i32
      %cond3A_451 = arith.constant 0 : i32
      %cond3A_452 = arith.cmpi ne, %convert_element_type3A_450, %cond3A_451 : i32
      scf.if %cond3A_452 {
        %dma_wait3A_598 = arith.constant 3 : i32
        %dma_wait3A_599 = arith.constant 1 : i32
        %dma_wait3A_600 = arith.constant 1 : i32
        %dma_wait3A_601 = arith.constant 0 : i32
        %dma_wait3A_602 = tpu.memref_slice %arg9[%dma_wait3A_598, %dma_wait3A_599, %dma_wait3A_601] : memref<4x2x128xi32, #tpu.memory_space<vmem>> -> memref<1x1x128xi32, #tpu.memory_space<vmem>>
        %dma_wait3A_603 = tpu.memref_squeeze %dma_wait3A_602 : memref<1x1x128xi32, #tpu.memory_space<vmem>> -> memref<128xi32, #tpu.memory_space<vmem>>
        %dma_wait3A_604 = arith.constant 0 : i32
        %dma_wait3A_605 = tpu.memref_slice %arg13[%dma_wait3A_604] : memref<10240xf32, #tpu.memory_space<vmem_shared>> -> memref<10240xf32, #tpu.memory_space<vmem_shared>>
        %dma_wait3A_606 = tpu.memref_slice %arg17[%dma_wait3A_600] : memref<2x!tpu.dma_semaphore, #tpu.memory_space<semaphore_mem>> -> memref<1x!tpu.dma_semaphore, #tpu.memory_space<semaphore_mem>>
        %dma_wait3A_607 = tpu.memref_squeeze %dma_wait3A_606 : memref<1x!tpu.dma_semaphore, #tpu.memory_space<semaphore_mem>> -> memref<!tpu.dma_semaphore, #tpu.memory_space<semaphore_mem>>
        tpu.wait_indirect_dma semaphore(%dma_wait3A_607 : memref<!tpu.dma_semaphore, #tpu.memory_space<semaphore_mem>>) src(%arg11 : memref<128xf32, #tpu.memory_space<vmem>>) dst(%dma_wait3A_605 : memref<10240xf32, #tpu.memory_space<vmem_shared>>)
      } else {
      }
      %lt3A_453 = arith.constant 80 : i32
      %lt3A_454 = arith.cmpi slt, %add3A_424, %lt3A_453 : i32
      %convert_element_type3A_455 = arith.extui %lt3A_454 : i1 to i32
      %cond3A_456 = arith.constant 0 : i32
      %cond3A_457 = arith.cmpi ne, %convert_element_type3A_455, %cond3A_456 : i32
      scf.if %cond3A_457 {
        %add3A_598 = arith.addi %mul3A_2, %add3A_424 : i32
        %dma_start3A_599 = arith.constant 1 : i32
        %dma_start3A_600 = arith.constant 1 : i32
        %dma_start3A_601 = arith.constant 0 : i32
        %dma_start3A_602 = arith.constant 0 : i32
        %dma_start3A_603 = tpu.memref_slice %arg9[%dma_start3A_599, %dma_start3A_601, %dma_start3A_602] : memref<4x2x128xi32, #tpu.memory_space<vmem>> -> memref<1x2x128xi32, #tpu.memory_space<vmem>>
        %dma_start3A_604 = tpu.memref_squeeze %dma_start3A_603 : memref<1x2x128xi32, #tpu.memory_space<vmem>> -> memref<2x128xi32, #tpu.memory_space<vmem>>
        %dma_start3A_605 = arith.constant 0 : i32
        %dma_start3A_606 = arith.constant 0 : i32
        %dma_start3A_607 = tpu.memref_slice %arg3[%add3A_598, %dma_start3A_605, %dma_start3A_606] : memref<1280x2x128xi32, #tpu.memory_space<hbm>> -> memref<1x2x128xi32, #tpu.memory_space<hbm>>
        %dma_start3A_608 = tpu.memref_squeeze %dma_start3A_607 : memref<1x2x128xi32, #tpu.memory_space<hbm>> -> memref<2x128xi32, #tpu.memory_space<hbm>>
        %dma_start3A_609 = tpu.memref_slice %arg14[%dma_start3A_600] : memref<4x!tpu.dma_semaphore, #tpu.memory_space<semaphore_mem>> -> memref<1x!tpu.dma_semaphore, #tpu.memory_space<semaphore_mem>>
        %dma_start3A_610 = tpu.memref_squeeze %dma_start3A_609 : memref<1x!tpu.dma_semaphore, #tpu.memory_space<semaphore_mem>> -> memref<!tpu.dma_semaphore, #tpu.memory_space<semaphore_mem>>
        %dma_start3A_611 = arith.constant 0 : i32
        %dma_start3A_612 = arith.constant 0 : i32
        %dma_start3A_613 = tpu.memref_slice %arg9[%dma_start3A_599, %dma_start3A_611, %dma_start3A_612] : memref<4x2x128xi32, #tpu.memory_space<vmem>> -> memref<1x2x128xi32, #tpu.memory_space<vmem>>
        %dma_start3A_614 = tpu.memref_squeeze %dma_start3A_613 : memref<1x2x128xi32, #tpu.memory_space<vmem>> -> memref<2x128xi32, #tpu.memory_space<vmem>>
        %dma_start3A_615 = arith.constant 0 : i32
        %dma_start3A_616 = arith.constant 0 : i32
        %dma_start3A_617 = tpu.memref_slice %arg3[%add3A_598, %dma_start3A_615, %dma_start3A_616] : memref<1280x2x128xi32, #tpu.memory_space<hbm>> -> memref<1x2x128xi32, #tpu.memory_space<hbm>>
        %dma_start3A_618 = tpu.memref_squeeze %dma_start3A_617 : memref<1x2x128xi32, #tpu.memory_space<hbm>> -> memref<2x128xi32, #tpu.memory_space<hbm>>
        tpu.enqueue_dma source(%dma_start3A_618 : memref<2x128xi32, #tpu.memory_space<hbm>>) target(%dma_start3A_614 : memref<2x128xi32, #tpu.memory_space<vmem>>) target_semaphore(%dma_start3A_610 : memref<!tpu.dma_semaphore, #tpu.memory_space<semaphore_mem>>)
      } else {
      }
      %dma_wait3A_458 = arith.constant 3 : i32
      %dma_wait3A_459 = arith.constant 3 : i32
      %dma_wait3A_460 = arith.constant 0 : i32
      %dma_wait3A_461 = arith.constant 0 : i32
      %dma_wait3A_462 = tpu.memref_slice %arg9[%dma_wait3A_458, %dma_wait3A_460, %dma_wait3A_461] : memref<4x2x128xi32, #tpu.memory_space<vmem>> -> memref<1x2x128xi32, #tpu.memory_space<vmem>>
      %dma_wait3A_463 = tpu.memref_squeeze %dma_wait3A_462 : memref<1x2x128xi32, #tpu.memory_space<vmem>> -> memref<2x128xi32, #tpu.memory_space<vmem>>
      %dma_wait3A_464 = arith.constant 0 : i32
      %dma_wait3A_465 = arith.constant 0 : i32
      %dma_wait3A_466 = tpu.memref_slice %arg3[%mul3A_2, %dma_wait3A_464, %dma_wait3A_465] : memref<1280x2x128xi32, #tpu.memory_space<hbm>> -> memref<1x2x128xi32, #tpu.memory_space<hbm>>
      %dma_wait3A_467 = tpu.memref_squeeze %dma_wait3A_466 : memref<1x2x128xi32, #tpu.memory_space<hbm>> -> memref<2x128xi32, #tpu.memory_space<hbm>>
      %dma_wait3A_468 = tpu.memref_slice %arg14[%dma_wait3A_459] : memref<4x!tpu.dma_semaphore, #tpu.memory_space<semaphore_mem>> -> memref<1x!tpu.dma_semaphore, #tpu.memory_space<semaphore_mem>>
      %dma_wait3A_469 = tpu.memref_squeeze %dma_wait3A_468 : memref<1x!tpu.dma_semaphore, #tpu.memory_space<semaphore_mem>> -> memref<!tpu.dma_semaphore, #tpu.memory_space<semaphore_mem>>
      %dma_wait3A_470 = arith.constant 0 : i32
      %dma_wait3A_471 = arith.constant 0 : i32
      %dma_wait3A_472 = tpu.memref_slice %arg9[%dma_wait3A_458, %dma_wait3A_470, %dma_wait3A_471] : memref<4x2x128xi32, #tpu.memory_space<vmem>> -> memref<1x2x128xi32, #tpu.memory_space<vmem>>
      %dma_wait3A_473 = tpu.memref_squeeze %dma_wait3A_472 : memref<1x2x128xi32, #tpu.memory_space<vmem>> -> memref<2x128xi32, #tpu.memory_space<vmem>>
      %dma_wait3A_474 = arith.constant 0 : i32
      %dma_wait3A_475 = arith.constant 0 : i32
      %dma_wait3A_476 = tpu.memref_slice %arg3[%mul3A_2, %dma_wait3A_474, %dma_wait3A_475] : memref<1280x2x128xi32, #tpu.memory_space<hbm>> -> memref<1x2x128xi32, #tpu.memory_space<hbm>>
      %dma_wait3A_477 = tpu.memref_squeeze %dma_wait3A_476 : memref<1x2x128xi32, #tpu.memory_space<hbm>> -> memref<2x128xi32, #tpu.memory_space<hbm>>
      tpu.wait_dma2 semaphore(%dma_wait3A_469 : memref<!tpu.dma_semaphore, #tpu.memory_space<semaphore_mem>>) src(%dma_wait3A_477 : memref<2x128xi32, #tpu.memory_space<hbm>>) dst(%dma_wait3A_473 : memref<2x128xi32, #tpu.memory_space<vmem>>)
      %dma_start3A_478 = arith.constant 3 : i32
      %dma_start3A_479 = arith.constant 0 : i32
      %dma_start3A_480 = arith.constant 1 : i32
      %dma_start3A_481 = arith.constant 1 : i32
      %dma_start3A_482 = arith.constant 0 : i32
      %dma_start3A_483 = arith.constant 0 : i32
      %dma_start3A_484 = tpu.memref_slice %arg10[%dma_start3A_480, %dma_start3A_482, %dma_start3A_483] : memref<2x128x128xf32, #tpu.memory_space<vmem>> -> memref<1x128x128xf32, #tpu.memory_space<vmem>>
      %dma_start3A_485 = tpu.memref_squeeze %dma_start3A_484 : memref<1x128x128xf32, #tpu.memory_space<vmem>> -> memref<128x128xf32, #tpu.memory_space<vmem>>
      %dma_start3A_486 = arith.constant 0 : i32
      %dma_start3A_487 = tpu.memref_slice %arg9[%dma_start3A_478, %dma_start3A_479, %dma_start3A_486] : memref<4x2x128xi32, #tpu.memory_space<vmem>> -> memref<1x1x128xi32, #tpu.memory_space<vmem>>
      %dma_start3A_488 = tpu.memref_squeeze %dma_start3A_487 : memref<1x1x128xi32, #tpu.memory_space<vmem>> -> memref<128xi32, #tpu.memory_space<vmem>>
      %dma_start3A_489 = arith.constant 0 : i32
      %dma_start3A_490 = arith.constant 0 : i32
      %dma_start3A_491 = tpu.memref_slice %arg2[%add3A_3, %dma_start3A_489, %dma_start3A_490] : memref<2x10240x128xf32, #tpu.memory_space<hbm>> -> memref<1x10240x128xf32, #tpu.memory_space<hbm>>
      %dma_start3A_492 = tpu.memref_squeeze %dma_start3A_491 : memref<1x10240x128xf32, #tpu.memory_space<hbm>> -> memref<10240x128xf32, #tpu.memory_space<hbm>>
      %dma_start3A_493 = arith.constant 0 : i32
      %dma_start3A_494 = arith.constant 0 : i32
      %dma_start3A_495 = tpu.memref_slice %dma_start3A_492[%dma_start3A_493, %dma_start3A_494] : memref<10240x128xf32, #tpu.memory_space<hbm>> -> memref<10240x128xf32, #tpu.memory_space<hbm>>
      %dma_start3A_496 = tpu.memref_slice %arg15[%dma_start3A_481] : memref<2x!tpu.dma_semaphore, #tpu.memory_space<semaphore_mem>> -> memref<1x!tpu.dma_semaphore, #tpu.memory_space<semaphore_mem>>
      %dma_start3A_497 = tpu.memref_squeeze %dma_start3A_496 : memref<1x!tpu.dma_semaphore, #tpu.memory_space<semaphore_mem>> -> memref<!tpu.dma_semaphore, #tpu.memory_space<semaphore_mem>>
      tpu.enqueue_indirect_dma source(%dma_start3A_495 : memref<10240x128xf32, #tpu.memory_space<hbm>>) target(%dma_start3A_485 : memref<128x128xf32, #tpu.memory_space<vmem>>) offsets(%dma_start3A_488 : memref<128xi32, #tpu.memory_space<vmem>>) semaphore(%dma_start3A_497 : memref<!tpu.dma_semaphore, #tpu.memory_space<semaphore_mem>>)
      %dma_wait3A_498 = arith.constant 2 : i32
      %dma_wait3A_499 = arith.constant 0 : i32
      %dma_wait3A_500 = arith.constant 0 : i32
      %dma_wait3A_501 = arith.constant 0 : i32
      %dma_wait3A_502 = arith.constant 0 : i32
      %dma_wait3A_503 = arith.constant 0 : i32
      %dma_wait3A_504 = tpu.memref_slice %arg10[%dma_wait3A_500, %dma_wait3A_502, %dma_wait3A_503] : memref<2x128x128xf32, #tpu.memory_space<vmem>> -> memref<1x128x128xf32, #tpu.memory_space<vmem>>
      %dma_wait3A_505 = tpu.memref_squeeze %dma_wait3A_504 : memref<1x128x128xf32, #tpu.memory_space<vmem>> -> memref<128x128xf32, #tpu.memory_space<vmem>>
      %dma_wait3A_506 = arith.constant 0 : i32
      %dma_wait3A_507 = tpu.memref_slice %arg9[%dma_wait3A_498, %dma_wait3A_499, %dma_wait3A_506] : memref<4x2x128xi32, #tpu.memory_space<vmem>> -> memref<1x1x128xi32, #tpu.memory_space<vmem>>
      %dma_wait3A_508 = tpu.memref_squeeze %dma_wait3A_507 : memref<1x1x128xi32, #tpu.memory_space<vmem>> -> memref<128xi32, #tpu.memory_space<vmem>>
      %dma_wait3A_509 = arith.constant 0 : i32
      %dma_wait3A_510 = arith.constant 0 : i32
      %dma_wait3A_511 = tpu.memref_slice %arg2[%add3A_3, %dma_wait3A_509, %dma_wait3A_510] : memref<2x10240x128xf32, #tpu.memory_space<hbm>> -> memref<1x10240x128xf32, #tpu.memory_space<hbm>>
      %dma_wait3A_512 = tpu.memref_squeeze %dma_wait3A_511 : memref<1x10240x128xf32, #tpu.memory_space<hbm>> -> memref<10240x128xf32, #tpu.memory_space<hbm>>
      %dma_wait3A_513 = arith.constant 0 : i32
      %dma_wait3A_514 = arith.constant 0 : i32
      %dma_wait3A_515 = tpu.memref_slice %dma_wait3A_512[%dma_wait3A_513, %dma_wait3A_514] : memref<10240x128xf32, #tpu.memory_space<hbm>> -> memref<10240x128xf32, #tpu.memory_space<hbm>>
      %dma_wait3A_516 = tpu.memref_slice %arg15[%dma_wait3A_501] : memref<2x!tpu.dma_semaphore, #tpu.memory_space<semaphore_mem>> -> memref<1x!tpu.dma_semaphore, #tpu.memory_space<semaphore_mem>>
      %dma_wait3A_517 = tpu.memref_squeeze %dma_wait3A_516 : memref<1x!tpu.dma_semaphore, #tpu.memory_space<semaphore_mem>> -> memref<!tpu.dma_semaphore, #tpu.memory_space<semaphore_mem>>
      tpu.wait_indirect_dma semaphore(%dma_wait3A_517 : memref<!tpu.dma_semaphore, #tpu.memory_space<semaphore_mem>>) src(%dma_wait3A_515 : memref<10240x128xf32, #tpu.memory_space<hbm>>) dst(%dma_wait3A_505 : memref<128x128xf32, #tpu.memory_space<vmem>>)
      %dma_start3A_518 = arith.constant 0 : i32
      %dma_start3A_519 = arith.constant 2 : i32
      %dma_start3A_520 = arith.constant 1 : i32
      %dma_start3A_521 = arith.constant 0 : i32
      %dma_start3A_522 = arith.constant 0 : i32
      %dma_start3A_523 = arith.constant 0 : i32
      %dma_start3A_524 = tpu.memref_slice %arg10[%dma_start3A_518, %dma_start3A_522, %dma_start3A_523] : memref<2x128x128xf32, #tpu.memory_space<vmem>> -> memref<1x128x128xf32, #tpu.memory_space<vmem>>
      %dma_start3A_525 = tpu.memref_squeeze %dma_start3A_524 : memref<1x128x128xf32, #tpu.memory_space<vmem>> -> memref<128x128xf32, #tpu.memory_space<vmem>>
      %dma_start3A_526 = arith.constant 0 : i32
      %dma_start3A_527 = tpu.memref_slice %arg9[%dma_start3A_519, %dma_start3A_520, %dma_start3A_526] : memref<4x2x128xi32, #tpu.memory_space<vmem>> -> memref<1x1x128xi32, #tpu.memory_space<vmem>>
      %dma_start3A_528 = tpu.memref_squeeze %dma_start3A_527 : memref<1x1x128xi32, #tpu.memory_space<vmem>> -> memref<128xi32, #tpu.memory_space<vmem>>
      %dma_start3A_529 = arith.constant 0 : i32
      %dma_start3A_530 = arith.constant 0 : i32
      %dma_start3A_531 = tpu.memref_slice %arg12[%dma_start3A_529, %dma_start3A_530] : memref<10240x128xf32, #tpu.memory_space<vmem_shared>> -> memref<10240x128xf32, #tpu.memory_space<vmem_shared>>
      %dma_start3A_532 = tpu.memref_slice %arg16[%dma_start3A_521] : memref<2x!tpu.dma_semaphore, #tpu.memory_space<semaphore_mem>> -> memref<1x!tpu.dma_semaphore, #tpu.memory_space<semaphore_mem>>
      %dma_start3A_533 = tpu.memref_squeeze %dma_start3A_532 : memref<1x!tpu.dma_semaphore, #tpu.memory_space<semaphore_mem>> -> memref<!tpu.dma_semaphore, #tpu.memory_space<semaphore_mem>>
      tpu.enqueue_indirect_dma source(%dma_start3A_525 : memref<128x128xf32, #tpu.memory_space<vmem>>) target(%dma_start3A_531 : memref<10240x128xf32, #tpu.memory_space<vmem_shared>>) offsets(%dma_start3A_528 : memref<128xi32, #tpu.memory_space<vmem>>) semaphore(%dma_start3A_533 : memref<!tpu.dma_semaphore, #tpu.memory_space<semaphore_mem>>) {add = true}
      %mul3A_534 = arith.constant 4 : i32
      %mul3A_535 = arith.muli %mul3A_534, %scan3A_134 : i32
      %add3A_536 = arith.constant 2 : i32
      %add3A_537 = arith.addi %mul3A_535, %add3A_536 : i32
      %eq3A_538 = arith.constant 0 : i32
      %eq3A_539 = arith.cmpi eq, %arg0, %eq3A_538 : i32
      %lt3A_540 = arith.constant 40 : i32
      %lt3A_541 = arith.cmpi slt, %add3A_537, %lt3A_540 : i32
      %ge3A_542 = arith.constant 40 : i32
      %ge3A_543 = arith.cmpi sge, %add3A_537, %ge3A_542 : i32
      %select_n3A_544 = arith.select %eq3A_539, %lt3A_541, %ge3A_543 : i1
      %convert_element_type3A_545 = arith.extui %select_n3A_544 : i1 to i32
      %cond3A_546 = arith.constant 0 : i32
      %cond3A_547 = arith.cmpi ne, %convert_element_type3A_545, %cond3A_546 : i32
      scf.if %cond3A_547 {
        %dma_start3A_598 = arith.constant 2 : i32
        %dma_start3A_599 = arith.constant 1 : i32
        %dma_start3A_600 = arith.constant 0 : i32
        %dma_start3A_601 = arith.constant 0 : i32
        %dma_start3A_602 = tpu.memref_slice %arg9[%dma_start3A_598, %dma_start3A_599, %dma_start3A_601] : memref<4x2x128xi32, #tpu.memory_space<vmem>> -> memref<1x1x128xi32, #tpu.memory_space<vmem>>
        %dma_start3A_603 = tpu.memref_squeeze %dma_start3A_602 : memref<1x1x128xi32, #tpu.memory_space<vmem>> -> memref<128xi32, #tpu.memory_space<vmem>>
        %dma_start3A_604 = arith.constant 0 : i32
        %dma_start3A_605 = tpu.memref_slice %arg13[%dma_start3A_604] : memref<10240xf32, #tpu.memory_space<vmem_shared>> -> memref<10240xf32, #tpu.memory_space<vmem_shared>>
        %dma_start3A_606 = tpu.memref_slice %arg17[%dma_start3A_600] : memref<2x!tpu.dma_semaphore, #tpu.memory_space<semaphore_mem>> -> memref<1x!tpu.dma_semaphore, #tpu.memory_space<semaphore_mem>>
        %dma_start3A_607 = tpu.memref_squeeze %dma_start3A_606 : memref<1x!tpu.dma_semaphore, #tpu.memory_space<semaphore_mem>> -> memref<!tpu.dma_semaphore, #tpu.memory_space<semaphore_mem>>
        tpu.enqueue_indirect_dma source(%arg11 : memref<128xf32, #tpu.memory_space<vmem>>) target(%dma_start3A_605 : memref<10240xf32, #tpu.memory_space<vmem_shared>>) offsets(%dma_start3A_603 : memref<128xi32, #tpu.memory_space<vmem>>) semaphore(%dma_start3A_607 : memref<!tpu.dma_semaphore, #tpu.memory_space<semaphore_mem>>) {add = true}
      } else {
      }
      %dma_wait3A_548 = arith.constant 3 : i32
      %dma_wait3A_549 = arith.constant 0 : i32
      %dma_wait3A_550 = arith.constant 1 : i32
      %dma_wait3A_551 = arith.constant 1 : i32
      %dma_wait3A_552 = arith.constant 0 : i32
      %dma_wait3A_553 = arith.constant 0 : i32
      %dma_wait3A_554 = tpu.memref_slice %arg10[%dma_wait3A_550, %dma_wait3A_552, %dma_wait3A_553] : memref<2x128x128xf32, #tpu.memory_space<vmem>> -> memref<1x128x128xf32, #tpu.memory_space<vmem>>
      %dma_wait3A_555 = tpu.memref_squeeze %dma_wait3A_554 : memref<1x128x128xf32, #tpu.memory_space<vmem>> -> memref<128x128xf32, #tpu.memory_space<vmem>>
      %dma_wait3A_556 = arith.constant 0 : i32
      %dma_wait3A_557 = tpu.memref_slice %arg9[%dma_wait3A_548, %dma_wait3A_549, %dma_wait3A_556] : memref<4x2x128xi32, #tpu.memory_space<vmem>> -> memref<1x1x128xi32, #tpu.memory_space<vmem>>
      %dma_wait3A_558 = tpu.memref_squeeze %dma_wait3A_557 : memref<1x1x128xi32, #tpu.memory_space<vmem>> -> memref<128xi32, #tpu.memory_space<vmem>>
      %dma_wait3A_559 = arith.constant 0 : i32
      %dma_wait3A_560 = arith.constant 0 : i32
      %dma_wait3A_561 = tpu.memref_slice %arg2[%add3A_3, %dma_wait3A_559, %dma_wait3A_560] : memref<2x10240x128xf32, #tpu.memory_space<hbm>> -> memref<1x10240x128xf32, #tpu.memory_space<hbm>>
      %dma_wait3A_562 = tpu.memref_squeeze %dma_wait3A_561 : memref<1x10240x128xf32, #tpu.memory_space<hbm>> -> memref<10240x128xf32, #tpu.memory_space<hbm>>
      %dma_wait3A_563 = arith.constant 0 : i32
      %dma_wait3A_564 = arith.constant 0 : i32
      %dma_wait3A_565 = tpu.memref_slice %dma_wait3A_562[%dma_wait3A_563, %dma_wait3A_564] : memref<10240x128xf32, #tpu.memory_space<hbm>> -> memref<10240x128xf32, #tpu.memory_space<hbm>>
      %dma_wait3A_566 = tpu.memref_slice %arg15[%dma_wait3A_551] : memref<2x!tpu.dma_semaphore, #tpu.memory_space<semaphore_mem>> -> memref<1x!tpu.dma_semaphore, #tpu.memory_space<semaphore_mem>>
      %dma_wait3A_567 = tpu.memref_squeeze %dma_wait3A_566 : memref<1x!tpu.dma_semaphore, #tpu.memory_space<semaphore_mem>> -> memref<!tpu.dma_semaphore, #tpu.memory_space<semaphore_mem>>
      tpu.wait_indirect_dma semaphore(%dma_wait3A_567 : memref<!tpu.dma_semaphore, #tpu.memory_space<semaphore_mem>>) src(%dma_wait3A_565 : memref<10240x128xf32, #tpu.memory_space<hbm>>) dst(%dma_wait3A_555 : memref<128x128xf32, #tpu.memory_space<vmem>>)
      %dma_start3A_568 = arith.constant 1 : i32
      %dma_start3A_569 = arith.constant 3 : i32
      %dma_start3A_570 = arith.constant 1 : i32
      %dma_start3A_571 = arith.constant 1 : i32
      %dma_start3A_572 = arith.constant 0 : i32
      %dma_start3A_573 = arith.constant 0 : i32
      %dma_start3A_574 = tpu.memref_slice %arg10[%dma_start3A_568, %dma_start3A_572, %dma_start3A_573] : memref<2x128x128xf32, #tpu.memory_space<vmem>> -> memref<1x128x128xf32, #tpu.memory_space<vmem>>
      %dma_start3A_575 = tpu.memref_squeeze %dma_start3A_574 : memref<1x128x128xf32, #tpu.memory_space<vmem>> -> memref<128x128xf32, #tpu.memory_space<vmem>>
      %dma_start3A_576 = arith.constant 0 : i32
      %dma_start3A_577 = tpu.memref_slice %arg9[%dma_start3A_569, %dma_start3A_570, %dma_start3A_576] : memref<4x2x128xi32, #tpu.memory_space<vmem>> -> memref<1x1x128xi32, #tpu.memory_space<vmem>>
      %dma_start3A_578 = tpu.memref_squeeze %dma_start3A_577 : memref<1x1x128xi32, #tpu.memory_space<vmem>> -> memref<128xi32, #tpu.memory_space<vmem>>
      %dma_start3A_579 = arith.constant 0 : i32
      %dma_start3A_580 = arith.constant 0 : i32
      %dma_start3A_581 = tpu.memref_slice %arg12[%dma_start3A_579, %dma_start3A_580] : memref<10240x128xf32, #tpu.memory_space<vmem_shared>> -> memref<10240x128xf32, #tpu.memory_space<vmem_shared>>
      %dma_start3A_582 = tpu.memref_slice %arg16[%dma_start3A_571] : memref<2x!tpu.dma_semaphore, #tpu.memory_space<semaphore_mem>> -> memref<1x!tpu.dma_semaphore, #tpu.memory_space<semaphore_mem>>
      %dma_start3A_583 = tpu.memref_squeeze %dma_start3A_582 : memref<1x!tpu.dma_semaphore, #tpu.memory_space<semaphore_mem>> -> memref<!tpu.dma_semaphore, #tpu.memory_space<semaphore_mem>>
      tpu.enqueue_indirect_dma source(%dma_start3A_575 : memref<128x128xf32, #tpu.memory_space<vmem>>) target(%dma_start3A_581 : memref<10240x128xf32, #tpu.memory_space<vmem_shared>>) offsets(%dma_start3A_578 : memref<128xi32, #tpu.memory_space<vmem>>) semaphore(%dma_start3A_583 : memref<!tpu.dma_semaphore, #tpu.memory_space<semaphore_mem>>) {add = true}
      %mul3A_584 = arith.constant 4 : i32
      %mul3A_585 = arith.muli %mul3A_584, %scan3A_134 : i32
      %add3A_586 = arith.constant 2 : i32
      %add3A_587 = arith.addi %mul3A_585, %add3A_586 : i32
      %eq3A_588 = arith.constant 0 : i32
      %eq3A_589 = arith.cmpi eq, %arg0, %eq3A_588 : i32
      %lt3A_590 = arith.constant 40 : i32
      %lt3A_591 = arith.cmpi slt, %add3A_587, %lt3A_590 : i32
      %ge3A_592 = arith.constant 40 : i32
      %ge3A_593 = arith.cmpi sge, %add3A_587, %ge3A_592 : i32
      %select_n3A_594 = arith.select %eq3A_589, %lt3A_591, %ge3A_593 : i1
      %convert_element_type3A_595 = arith.extui %select_n3A_594 : i1 to i32
      %cond3A_596 = arith.constant 0 : i32
      %cond3A_597 = arith.cmpi ne, %convert_element_type3A_595, %cond3A_596 : i32
      scf.if %cond3A_597 {
        %dma_start3A_598 = arith.constant 3 : i32
        %dma_start3A_599 = arith.constant 1 : i32
        %dma_start3A_600 = arith.constant 1 : i32
        %dma_start3A_601 = arith.constant 0 : i32
        %dma_start3A_602 = tpu.memref_slice %arg9[%dma_start3A_598, %dma_start3A_599, %dma_start3A_601] : memref<4x2x128xi32, #tpu.memory_space<vmem>> -> memref<1x1x128xi32, #tpu.memory_space<vmem>>
        %dma_start3A_603 = tpu.memref_squeeze %dma_start3A_602 : memref<1x1x128xi32, #tpu.memory_space<vmem>> -> memref<128xi32, #tpu.memory_space<vmem>>
        %dma_start3A_604 = arith.constant 0 : i32
        %dma_start3A_605 = tpu.memref_slice %arg13[%dma_start3A_604] : memref<10240xf32, #tpu.memory_space<vmem_shared>> -> memref<10240xf32, #tpu.memory_space<vmem_shared>>
        %dma_start3A_606 = tpu.memref_slice %arg17[%dma_start3A_600] : memref<2x!tpu.dma_semaphore, #tpu.memory_space<semaphore_mem>> -> memref<1x!tpu.dma_semaphore, #tpu.memory_space<semaphore_mem>>
        %dma_start3A_607 = tpu.memref_squeeze %dma_start3A_606 : memref<1x!tpu.dma_semaphore, #tpu.memory_space<semaphore_mem>> -> memref<!tpu.dma_semaphore, #tpu.memory_space<semaphore_mem>>
        tpu.enqueue_indirect_dma source(%arg11 : memref<128xf32, #tpu.memory_space<vmem>>) target(%dma_start3A_605 : memref<10240xf32, #tpu.memory_space<vmem_shared>>) offsets(%dma_start3A_603 : memref<128xi32, #tpu.memory_space<vmem>>) semaphore(%dma_start3A_607 : memref<!tpu.dma_semaphore, #tpu.memory_space<semaphore_mem>>) {add = true}
      } else {
      }
    }
    %scan3A_94 = arith.constant 20 : i32
    %dma_wait3A = arith.constant 0 : i32
    %dma_wait3A_95 = arith.constant 2 : i32
    %dma_wait3A_96 = arith.constant 1 : i32
    %dma_wait3A_97 = arith.constant 0 : i32
    %dma_wait3A_98 = arith.constant 0 : i32
    %dma_wait3A_99 = arith.constant 0 : i32
    %dma_wait3A_100 = tpu.memref_slice %arg10[%dma_wait3A, %dma_wait3A_98, %dma_wait3A_99] : memref<2x128x128xf32, #tpu.memory_space<vmem>> -> memref<1x128x128xf32, #tpu.memory_space<vmem>>
    %dma_wait3A_101 = tpu.memref_squeeze %dma_wait3A_100 : memref<1x128x128xf32, #tpu.memory_space<vmem>> -> memref<128x128xf32, #tpu.memory_space<vmem>>
    %dma_wait3A_102 = arith.constant 0 : i32
    %dma_wait3A_103 = tpu.memref_slice %arg9[%dma_wait3A_95, %dma_wait3A_96, %dma_wait3A_102] : memref<4x2x128xi32, #tpu.memory_space<vmem>> -> memref<1x1x128xi32, #tpu.memory_space<vmem>>
    %dma_wait3A_104 = tpu.memref_squeeze %dma_wait3A_103 : memref<1x1x128xi32, #tpu.memory_space<vmem>> -> memref<128xi32, #tpu.memory_space<vmem>>
    %dma_wait3A_105 = arith.constant 0 : i32
    %dma_wait3A_106 = arith.constant 0 : i32
    %dma_wait3A_107 = tpu.memref_slice %arg12[%dma_wait3A_105, %dma_wait3A_106] : memref<10240x128xf32, #tpu.memory_space<vmem_shared>> -> memref<10240x128xf32, #tpu.memory_space<vmem_shared>>
    %dma_wait3A_108 = tpu.memref_slice %arg16[%dma_wait3A_97] : memref<2x!tpu.dma_semaphore, #tpu.memory_space<semaphore_mem>> -> memref<1x!tpu.dma_semaphore, #tpu.memory_space<semaphore_mem>>
    %dma_wait3A_109 = tpu.memref_squeeze %dma_wait3A_108 : memref<1x!tpu.dma_semaphore, #tpu.memory_space<semaphore_mem>> -> memref<!tpu.dma_semaphore, #tpu.memory_space<semaphore_mem>>
    tpu.wait_indirect_dma semaphore(%dma_wait3A_109 : memref<!tpu.dma_semaphore, #tpu.memory_space<semaphore_mem>>) src(%dma_wait3A_101 : memref<128x128xf32, #tpu.memory_space<vmem>>) dst(%dma_wait3A_107 : memref<10240x128xf32, #tpu.memory_space<vmem_shared>>)
    %eq3A = arith.constant 1 : i32
    %eq3A_110 = arith.cmpi eq, %arg0, %eq3A : i32
    %convert_element_type3A = arith.extui %eq3A_110 : i1 to i32
    %cond3A = arith.constant 0 : i32
    %cond3A_111 = arith.cmpi ne, %convert_element_type3A, %cond3A : i32
    scf.if %cond3A_111 {
      %dma_wait3A_134 = arith.constant 2 : i32
      %dma_wait3A_135 = arith.constant 1 : i32
      %dma_wait3A_136 = arith.constant 0 : i32
      %dma_wait3A_137 = arith.constant 0 : i32
      %dma_wait3A_138 = tpu.memref_slice %arg9[%dma_wait3A_134, %dma_wait3A_135, %dma_wait3A_137] : memref<4x2x128xi32, #tpu.memory_space<vmem>> -> memref<1x1x128xi32, #tpu.memory_space<vmem>>
      %dma_wait3A_139 = tpu.memref_squeeze %dma_wait3A_138 : memref<1x1x128xi32, #tpu.memory_space<vmem>> -> memref<128xi32, #tpu.memory_space<vmem>>
      %dma_wait3A_140 = arith.constant 0 : i32
      %dma_wait3A_141 = tpu.memref_slice %arg13[%dma_wait3A_140] : memref<10240xf32, #tpu.memory_space<vmem_shared>> -> memref<10240xf32, #tpu.memory_space<vmem_shared>>
      %dma_wait3A_142 = tpu.memref_slice %arg17[%dma_wait3A_136] : memref<2x!tpu.dma_semaphore, #tpu.memory_space<semaphore_mem>> -> memref<1x!tpu.dma_semaphore, #tpu.memory_space<semaphore_mem>>
      %dma_wait3A_143 = tpu.memref_squeeze %dma_wait3A_142 : memref<1x!tpu.dma_semaphore, #tpu.memory_space<semaphore_mem>> -> memref<!tpu.dma_semaphore, #tpu.memory_space<semaphore_mem>>
      tpu.wait_indirect_dma semaphore(%dma_wait3A_143 : memref<!tpu.dma_semaphore, #tpu.memory_space<semaphore_mem>>) src(%arg11 : memref<128xf32, #tpu.memory_space<vmem>>) dst(%dma_wait3A_141 : memref<10240xf32, #tpu.memory_space<vmem_shared>>)
    } else {
    }
    %dma_wait3A_112 = arith.constant 1 : i32
    %dma_wait3A_113 = arith.constant 3 : i32
    %dma_wait3A_114 = arith.constant 1 : i32
    %dma_wait3A_115 = arith.constant 1 : i32
    %dma_wait3A_116 = arith.constant 0 : i32
    %dma_wait3A_117 = arith.constant 0 : i32
    %dma_wait3A_118 = tpu.memref_slice %arg10[%dma_wait3A_112, %dma_wait3A_116, %dma_wait3A_117] : memref<2x128x128xf32, #tpu.memory_space<vmem>> -> memref<1x128x128xf32, #tpu.memory_space<vmem>>
    %dma_wait3A_119 = tpu.memref_squeeze %dma_wait3A_118 : memref<1x128x128xf32, #tpu.memory_space<vmem>> -> memref<128x128xf32, #tpu.memory_space<vmem>>
    %dma_wait3A_120 = arith.constant 0 : i32
    %dma_wait3A_121 = tpu.memref_slice %arg9[%dma_wait3A_113, %dma_wait3A_114, %dma_wait3A_120] : memref<4x2x128xi32, #tpu.memory_space<vmem>> -> memref<1x1x128xi32, #tpu.memory_space<vmem>>
    %dma_wait3A_122 = tpu.memref_squeeze %dma_wait3A_121 : memref<1x1x128xi32, #tpu.memory_space<vmem>> -> memref<128xi32, #tpu.memory_space<vmem>>
    %dma_wait3A_123 = arith.constant 0 : i32
    %dma_wait3A_124 = arith.constant 0 : i32
    %dma_wait3A_125 = tpu.memref_slice %arg12[%dma_wait3A_123, %dma_wait3A_124] : memref<10240x128xf32, #tpu.memory_space<vmem_shared>> -> memref<10240x128xf32, #tpu.memory_space<vmem_shared>>
    %dma_wait3A_126 = tpu.memref_slice %arg16[%dma_wait3A_115] : memref<2x!tpu.dma_semaphore, #tpu.memory_space<semaphore_mem>> -> memref<1x!tpu.dma_semaphore, #tpu.memory_space<semaphore_mem>>
    %dma_wait3A_127 = tpu.memref_squeeze %dma_wait3A_126 : memref<1x!tpu.dma_semaphore, #tpu.memory_space<semaphore_mem>> -> memref<!tpu.dma_semaphore, #tpu.memory_space<semaphore_mem>>
    tpu.wait_indirect_dma semaphore(%dma_wait3A_127 : memref<!tpu.dma_semaphore, #tpu.memory_space<semaphore_mem>>) src(%dma_wait3A_119 : memref<128x128xf32, #tpu.memory_space<vmem>>) dst(%dma_wait3A_125 : memref<10240x128xf32, #tpu.memory_space<vmem_shared>>)
    %eq3A_128 = arith.constant 1 : i32
    %eq3A_129 = arith.cmpi eq, %arg0, %eq3A_128 : i32
    %convert_element_type3A_130 = arith.extui %eq3A_129 : i1 to i32
    %cond3A_131 = arith.constant 0 : i32
    %cond3A_132 = arith.cmpi ne, %convert_element_type3A_130, %cond3A_131 : i32
    scf.if %cond3A_132 {
      %dma_wait3A_134 = arith.constant 3 : i32
      %dma_wait3A_135 = arith.constant 1 : i32
      %dma_wait3A_136 = arith.constant 1 : i32
      %dma_wait3A_137 = arith.constant 0 : i32
      %dma_wait3A_138 = tpu.memref_slice %arg9[%dma_wait3A_134, %dma_wait3A_135, %dma_wait3A_137] : memref<4x2x128xi32, #tpu.memory_space<vmem>> -> memref<1x1x128xi32, #tpu.memory_space<vmem>>
      %dma_wait3A_139 = tpu.memref_squeeze %dma_wait3A_138 : memref<1x1x128xi32, #tpu.memory_space<vmem>> -> memref<128xi32, #tpu.memory_space<vmem>>
      %dma_wait3A_140 = arith.constant 0 : i32
      %dma_wait3A_141 = tpu.memref_slice %arg13[%dma_wait3A_140] : memref<10240xf32, #tpu.memory_space<vmem_shared>> -> memref<10240xf32, #tpu.memory_space<vmem_shared>>
      %dma_wait3A_142 = tpu.memref_slice %arg17[%dma_wait3A_136] : memref<2x!tpu.dma_semaphore, #tpu.memory_space<semaphore_mem>> -> memref<1x!tpu.dma_semaphore, #tpu.memory_space<semaphore_mem>>
      %dma_wait3A_143 = tpu.memref_squeeze %dma_wait3A_142 : memref<1x!tpu.dma_semaphore, #tpu.memory_space<semaphore_mem>> -> memref<!tpu.dma_semaphore, #tpu.memory_space<semaphore_mem>>
      tpu.wait_indirect_dma semaphore(%dma_wait3A_143 : memref<!tpu.dma_semaphore, #tpu.memory_space<semaphore_mem>>) src(%arg11 : memref<128xf32, #tpu.memory_space<vmem>>) dst(%dma_wait3A_141 : memref<10240xf32, #tpu.memory_space<vmem_shared>>)
    } else {
    }
    %barrier3A_133 = arith.constant 0 : index
    tpu.barrier barrier_id(%barrier3A_133)
    "tpu.region"() ({
      %run_scoped3A = tpu.sem_alloc : memref<!tpu.dma_semaphore, #tpu.memory_space<semaphore_mem>>
      %dma_start3A_134 = arith.constant 0 : i32
      %dma_start3A_135 = tpu.memref_slice %arg7[%add3A_3, %mul3A_0, %dma_start3A_134] : memref<2x10240x128xf32, #tpu.memory_space<hbm>> -> memref<1x640x128xf32, #tpu.memory_space<hbm>>
      %dma_start3A_136 = tpu.memref_squeeze %dma_start3A_135 : memref<1x640x128xf32, #tpu.memory_space<hbm>> -> memref<640x128xf32, #tpu.memory_space<hbm>>
      %dma_start3A_137 = arith.constant 0 : i32
      %dma_start3A_138 = tpu.memref_slice %arg12[%mul3A_0, %dma_start3A_137] : memref<10240x128xf32, #tpu.memory_space<vmem_shared>> -> memref<640x128xf32, #tpu.memory_space<vmem_shared>>
      tpu.enqueue_dma source(%dma_start3A_138 : memref<640x128xf32, #tpu.memory_space<vmem_shared>>) target(%dma_start3A_136 : memref<640x128xf32, #tpu.memory_space<hbm>>) target_semaphore(%run_scoped3A : memref<!tpu.dma_semaphore, #tpu.memory_space<semaphore_mem>>)
      %dma_wait3A_139 = arith.constant 0 : i32
      %dma_wait3A_140 = tpu.memref_slice %arg7[%add3A_3, %mul3A_0, %dma_wait3A_139] : memref<2x10240x128xf32, #tpu.memory_space<hbm>> -> memref<1x640x128xf32, #tpu.memory_space<hbm>>
      %dma_wait3A_141 = tpu.memref_squeeze %dma_wait3A_140 : memref<1x640x128xf32, #tpu.memory_space<hbm>> -> memref<640x128xf32, #tpu.memory_space<hbm>>
      %dma_wait3A_142 = arith.constant 0 : i32
      %dma_wait3A_143 = tpu.memref_slice %arg12[%mul3A_0, %dma_wait3A_142] : memref<10240x128xf32, #tpu.memory_space<vmem_shared>> -> memref<640x128xf32, #tpu.memory_space<vmem_shared>>
      tpu.wait_dma2 semaphore(%run_scoped3A : memref<!tpu.dma_semaphore, #tpu.memory_space<semaphore_mem>>) src(%dma_wait3A_143 : memref<640x128xf32, #tpu.memory_space<vmem_shared>>) dst(%dma_wait3A_141 : memref<640x128xf32, #tpu.memory_space<hbm>>)
      tpu.yield
    }) : () -> ()
    "tpu.region"() ({
      %run_scoped3A = tpu.sem_alloc : memref<!tpu.dma_semaphore, #tpu.memory_space<semaphore_mem>>
      %dma_start3A_134 = tpu.memref_slice %arg8[%arg0, %mul3A_0] : memref<2x10240xf32, #tpu.memory_space<hbm>> -> memref<1x640xf32, #tpu.memory_space<hbm>>
      %dma_start3A_135 = tpu.memref_squeeze %dma_start3A_134 : memref<1x640xf32, #tpu.memory_space<hbm>> -> memref<640xf32, #tpu.memory_space<hbm>>
      %dma_start3A_136 = tpu.memref_slice %arg13[%mul3A_0] : memref<10240xf32, #tpu.memory_space<vmem_shared>> -> memref<640xf32, #tpu.memory_space<vmem_shared>>
      tpu.enqueue_dma source(%dma_start3A_136 : memref<640xf32, #tpu.memory_space<vmem_shared>>) target(%dma_start3A_135 : memref<640xf32, #tpu.memory_space<hbm>>) target_semaphore(%run_scoped3A : memref<!tpu.dma_semaphore, #tpu.memory_space<semaphore_mem>>)
      %dma_wait3A_137 = tpu.memref_slice %arg8[%arg0, %mul3A_0] : memref<2x10240xf32, #tpu.memory_space<hbm>> -> memref<1x640xf32, #tpu.memory_space<hbm>>
      %dma_wait3A_138 = tpu.memref_squeeze %dma_wait3A_137 : memref<1x640xf32, #tpu.memory_space<hbm>> -> memref<640xf32, #tpu.memory_space<hbm>>
      %dma_wait3A_139 = tpu.memref_slice %arg13[%mul3A_0] : memref<10240xf32, #tpu.memory_space<vmem_shared>> -> memref<640xf32, #tpu.memory_space<vmem_shared>>
      tpu.wait_dma2 semaphore(%run_scoped3A : memref<!tpu.dma_semaphore, #tpu.memory_space<semaphore_mem>>) src(%dma_wait3A_139 : memref<640xf32, #tpu.memory_space<vmem_shared>>) dst(%dma_wait3A_138 : memref<640xf32, #tpu.memory_space<hbm>>)
      tpu.yield
    }) : () -> ()
    return
  }
}

#map = affine_map<(d0, d1) -> (0, 0, 0)>
#map1 = affine_map<(d0, d1) -> (0, 0)>
#map2 = affine_map<(d0, d1) -> (0)>
module attributes {stable_mosaic.version = 14 : i64} {
  func.func @kfn(%arg0: i32, %arg1: i32, %arg2: memref<2x10240x128xf32, #tpu.memory_space<hbm>>, %arg3: memref<1280x2x128xi32, #tpu.memory_space<hbm>>, %arg4: memref<640x128xf32, #tpu.memory_space<hbm>>, %arg5: memref<640xf32, #tpu.memory_space<hbm>>, %arg6: memref<128xf32, #tpu.memory_space<hbm>>, %arg7: memref<2x10240x128xf32, #tpu.memory_space<hbm>>, %arg8: memref<4x2x128xi32, #tpu.memory_space<vmem>>, %arg9: memref<2x128x128xf32, #tpu.memory_space<vmem>>, %arg10: memref<128xf32, #tpu.memory_space<vmem>>, %arg11: memref<10240x128xf32, #tpu.memory_space<vmem_shared>>, %arg12: memref<10240xf32, #tpu.memory_space<vmem_shared>>, %arg13: memref<4x!tpu.dma_semaphore, #tpu.memory_space<semaphore_mem>>, %arg14: memref<2x!tpu.dma_semaphore, #tpu.memory_space<semaphore_mem>>, %arg15: memref<2x!tpu.dma_semaphore, #tpu.memory_space<semaphore_mem>>, %arg16: memref<2x!tpu.dma_semaphore, #tpu.memory_space<semaphore_mem>>) attributes {dimension_semantics = [#tpu.dimension_semantics<core_parallel>, #tpu.dimension_semantics<subcore_parallel>], iteration_bounds = array<i64: 2, 16>, scalar_prefetch = 0 : i64, scratch_operands = 9 : i64, tpu.core_type = #tpu.core_type<sc_vector_subcore>, window_params = [{transform_indices = #map}, {transform_indices = #map}, {transform_indices = #map1}, {transform_indices = #map2}, {transform_indices = #map2}, {transform_indices = #map}]} {
    %mul3A = arith.constant 640 : i32
    %mul3A_0 = arith.muli %arg1, %mul3A : i32
    %mul3A_1 = arith.constant 80 : i32
    %mul3A_2 = arith.muli %arg1, %mul3A_1 : i32
    %add3A = arith.constant 0 : i32
    %add3A_3 = arith.addi %add3A, %arg0 : i32
    "tpu.region"() ({
      %run_scoped3A = tpu.sem_alloc : memref<!tpu.dma_semaphore, #tpu.memory_space<semaphore_mem>>
      %dma_start3A_127 = arith.constant 0 : i32
      %dma_start3A_128 = tpu.memref_slice %arg11[%mul3A_0, %dma_start3A_127] : memref<10240x128xf32, #tpu.memory_space<vmem_shared>> -> memref<640x128xf32, #tpu.memory_space<vmem_shared>>
      tpu.enqueue_dma source(%arg4 : memref<640x128xf32, #tpu.memory_space<hbm>>) target(%dma_start3A_128 : memref<640x128xf32, #tpu.memory_space<vmem_shared>>) target_semaphore(%run_scoped3A : memref<!tpu.dma_semaphore, #tpu.memory_space<semaphore_mem>>)
      %dma_wait3A_129 = arith.constant 0 : i32
      %dma_wait3A_130 = tpu.memref_slice %arg11[%mul3A_0, %dma_wait3A_129] : memref<10240x128xf32, #tpu.memory_space<vmem_shared>> -> memref<640x128xf32, #tpu.memory_space<vmem_shared>>
      tpu.wait_dma2 semaphore(%run_scoped3A : memref<!tpu.dma_semaphore, #tpu.memory_space<semaphore_mem>>) src(%arg4 : memref<640x128xf32, #tpu.memory_space<hbm>>) dst(%dma_wait3A_130 : memref<640x128xf32, #tpu.memory_space<vmem_shared>>)
      tpu.yield
    }) : () -> ()
    %add3A_4 = arith.constant 0 : i32
    %add3A_5 = arith.addi %mul3A_2, %add3A_4 : i32
    %dma_start3A = arith.constant 0 : i32
    %dma_start3A_6 = arith.constant 0 : i32
    %dma_start3A_7 = arith.constant 0 : i32
    %dma_start3A_8 = arith.constant 0 : i32
    %dma_start3A_9 = tpu.memref_slice %arg8[%dma_start3A, %dma_start3A_7, %dma_start3A_8] : memref<4x2x128xi32, #tpu.memory_space<vmem>> -> memref<1x2x128xi32, #tpu.memory_space<vmem>>
    %dma_start3A_10 = tpu.memref_squeeze %dma_start3A_9 : memref<1x2x128xi32, #tpu.memory_space<vmem>> -> memref<2x128xi32, #tpu.memory_space<vmem>>
    %dma_start3A_11 = arith.constant 0 : i32
    %dma_start3A_12 = arith.constant 0 : i32
    %dma_start3A_13 = tpu.memref_slice %arg3[%add3A_5, %dma_start3A_11, %dma_start3A_12] : memref<1280x2x128xi32, #tpu.memory_space<hbm>> -> memref<1x2x128xi32, #tpu.memory_space<hbm>>
    %dma_start3A_14 = tpu.memref_squeeze %dma_start3A_13 : memref<1x2x128xi32, #tpu.memory_space<hbm>> -> memref<2x128xi32, #tpu.memory_space<hbm>>
    %dma_start3A_15 = tpu.memref_slice %arg13[%dma_start3A_6] : memref<4x!tpu.dma_semaphore, #tpu.memory_space<semaphore_mem>> -> memref<1x!tpu.dma_semaphore, #tpu.memory_space<semaphore_mem>>
    %dma_start3A_16 = tpu.memref_squeeze %dma_start3A_15 : memref<1x!tpu.dma_semaphore, #tpu.memory_space<semaphore_mem>> -> memref<!tpu.dma_semaphore, #tpu.memory_space<semaphore_mem>>
    %dma_start3A_17 = arith.constant 0 : i32
    %dma_start3A_18 = arith.constant 0 : i32
    %dma_start3A_19 = tpu.memref_slice %arg8[%dma_start3A, %dma_start3A_17, %dma_start3A_18] : memref<4x2x128xi32, #tpu.memory_space<vmem>> -> memref<1x2x128xi32, #tpu.memory_space<vmem>>
    %dma_start3A_20 = tpu.memref_squeeze %dma_start3A_19 : memref<1x2x128xi32, #tpu.memory_space<vmem>> -> memref<2x128xi32, #tpu.memory_space<vmem>>
    %dma_start3A_21 = arith.constant 0 : i32
    %dma_start3A_22 = arith.constant 0 : i32
    %dma_start3A_23 = tpu.memref_slice %arg3[%add3A_5, %dma_start3A_21, %dma_start3A_22] : memref<1280x2x128xi32, #tpu.memory_space<hbm>> -> memref<1x2x128xi32, #tpu.memory_space<hbm>>
    %dma_start3A_24 = tpu.memref_squeeze %dma_start3A_23 : memref<1x2x128xi32, #tpu.memory_space<hbm>> -> memref<2x128xi32, #tpu.memory_space<hbm>>
    tpu.enqueue_dma source(%dma_start3A_24 : memref<2x128xi32, #tpu.memory_space<hbm>>) target(%dma_start3A_20 : memref<2x128xi32, #tpu.memory_space<vmem>>) target_semaphore(%dma_start3A_16 : memref<!tpu.dma_semaphore, #tpu.memory_space<semaphore_mem>>)
    %add3A_25 = arith.constant 1 : i32
    %add3A_26 = arith.addi %mul3A_2, %add3A_25 : i32
    %dma_start3A_27 = arith.constant 1 : i32
    %dma_start3A_28 = arith.constant 1 : i32
    %dma_start3A_29 = arith.constant 0 : i32
    %dma_start3A_30 = arith.constant 0 : i32
    %dma_start3A_31 = tpu.memref_slice %arg8[%dma_start3A_27, %dma_start3A_29, %dma_start3A_30] : memref<4x2x128xi32, #tpu.memory_space<vmem>> -> memref<1x2x128xi32, #tpu.memory_space<vmem>>
    %dma_start3A_32 = tpu.memref_squeeze %dma_start3A_31 : memref<1x2x128xi32, #tpu.memory_space<vmem>> -> memref<2x128xi32, #tpu.memory_space<vmem>>
    %dma_start3A_33 = arith.constant 0 : i32
    %dma_start3A_34 = arith.constant 0 : i32
    %dma_start3A_35 = tpu.memref_slice %arg3[%add3A_26, %dma_start3A_33, %dma_start3A_34] : memref<1280x2x128xi32, #tpu.memory_space<hbm>> -> memref<1x2x128xi32, #tpu.memory_space<hbm>>
    %dma_start3A_36 = tpu.memref_squeeze %dma_start3A_35 : memref<1x2x128xi32, #tpu.memory_space<hbm>> -> memref<2x128xi32, #tpu.memory_space<hbm>>
    %dma_start3A_37 = tpu.memref_slice %arg13[%dma_start3A_28] : memref<4x!tpu.dma_semaphore, #tpu.memory_space<semaphore_mem>> -> memref<1x!tpu.dma_semaphore, #tpu.memory_space<semaphore_mem>>
    %dma_start3A_38 = tpu.memref_squeeze %dma_start3A_37 : memref<1x!tpu.dma_semaphore, #tpu.memory_space<semaphore_mem>> -> memref<!tpu.dma_semaphore, #tpu.memory_space<semaphore_mem>>
    %dma_start3A_39 = arith.constant 0 : i32
    %dma_start3A_40 = arith.constant 0 : i32
    %dma_start3A_41 = tpu.memref_slice %arg8[%dma_start3A_27, %dma_start3A_39, %dma_start3A_40] : memref<4x2x128xi32, #tpu.memory_space<vmem>> -> memref<1x2x128xi32, #tpu.memory_space<vmem>>
    %dma_start3A_42 = tpu.memref_squeeze %dma_start3A_41 : memref<1x2x128xi32, #tpu.memory_space<vmem>> -> memref<2x128xi32, #tpu.memory_space<vmem>>
    %dma_start3A_43 = arith.constant 0 : i32
    %dma_start3A_44 = arith.constant 0 : i32
    %dma_start3A_45 = tpu.memref_slice %arg3[%add3A_26, %dma_start3A_43, %dma_start3A_44] : memref<1280x2x128xi32, #tpu.memory_space<hbm>> -> memref<1x2x128xi32, #tpu.memory_space<hbm>>
    %dma_start3A_46 = tpu.memref_squeeze %dma_start3A_45 : memref<1x2x128xi32, #tpu.memory_space<hbm>> -> memref<2x128xi32, #tpu.memory_space<hbm>>
    tpu.enqueue_dma source(%dma_start3A_46 : memref<2x128xi32, #tpu.memory_space<hbm>>) target(%dma_start3A_42 : memref<2x128xi32, #tpu.memory_space<vmem>>) target_semaphore(%dma_start3A_38 : memref<!tpu.dma_semaphore, #tpu.memory_space<semaphore_mem>>)
    %add3A_47 = arith.constant 2 : i32
    %add3A_48 = arith.addi %mul3A_2, %add3A_47 : i32
    %dma_start3A_49 = arith.constant 2 : i32
    %dma_start3A_50 = arith.constant 2 : i32
    %dma_start3A_51 = arith.constant 0 : i32
    %dma_start3A_52 = arith.constant 0 : i32
    %dma_start3A_53 = tpu.memref_slice %arg8[%dma_start3A_49, %dma_start3A_51, %dma_start3A_52] : memref<4x2x128xi32, #tpu.memory_space<vmem>> -> memref<1x2x128xi32, #tpu.memory_space<vmem>>
    %dma_start3A_54 = tpu.memref_squeeze %dma_start3A_53 : memref<1x2x128xi32, #tpu.memory_space<vmem>> -> memref<2x128xi32, #tpu.memory_space<vmem>>
    %dma_start3A_55 = arith.constant 0 : i32
    %dma_start3A_56 = arith.constant 0 : i32
    %dma_start3A_57 = tpu.memref_slice %arg3[%add3A_48, %dma_start3A_55, %dma_start3A_56] : memref<1280x2x128xi32, #tpu.memory_space<hbm>> -> memref<1x2x128xi32, #tpu.memory_space<hbm>>
    %dma_start3A_58 = tpu.memref_squeeze %dma_start3A_57 : memref<1x2x128xi32, #tpu.memory_space<hbm>> -> memref<2x128xi32, #tpu.memory_space<hbm>>
    %dma_start3A_59 = tpu.memref_slice %arg13[%dma_start3A_50] : memref<4x!tpu.dma_semaphore, #tpu.memory_space<semaphore_mem>> -> memref<1x!tpu.dma_semaphore, #tpu.memory_space<semaphore_mem>>
    %dma_start3A_60 = tpu.memref_squeeze %dma_start3A_59 : memref<1x!tpu.dma_semaphore, #tpu.memory_space<semaphore_mem>> -> memref<!tpu.dma_semaphore, #tpu.memory_space<semaphore_mem>>
    %dma_start3A_61 = arith.constant 0 : i32
    %dma_start3A_62 = arith.constant 0 : i32
    %dma_start3A_63 = tpu.memref_slice %arg8[%dma_start3A_49, %dma_start3A_61, %dma_start3A_62] : memref<4x2x128xi32, #tpu.memory_space<vmem>> -> memref<1x2x128xi32, #tpu.memory_space<vmem>>
    %dma_start3A_64 = tpu.memref_squeeze %dma_start3A_63 : memref<1x2x128xi32, #tpu.memory_space<vmem>> -> memref<2x128xi32, #tpu.memory_space<vmem>>
    %dma_start3A_65 = arith.constant 0 : i32
    %dma_start3A_66 = arith.constant 0 : i32
    %dma_start3A_67 = tpu.memref_slice %arg3[%add3A_48, %dma_start3A_65, %dma_start3A_66] : memref<1280x2x128xi32, #tpu.memory_space<hbm>> -> memref<1x2x128xi32, #tpu.memory_space<hbm>>
    %dma_start3A_68 = tpu.memref_squeeze %dma_start3A_67 : memref<1x2x128xi32, #tpu.memory_space<hbm>> -> memref<2x128xi32, #tpu.memory_space<hbm>>
    tpu.enqueue_dma source(%dma_start3A_68 : memref<2x128xi32, #tpu.memory_space<hbm>>) target(%dma_start3A_64 : memref<2x128xi32, #tpu.memory_space<vmem>>) target_semaphore(%dma_start3A_60 : memref<!tpu.dma_semaphore, #tpu.memory_space<semaphore_mem>>)
    %add3A_69 = arith.constant 3 : i32
    %add3A_70 = arith.addi %mul3A_2, %add3A_69 : i32
    %dma_start3A_71 = arith.constant 3 : i32
    %dma_start3A_72 = arith.constant 3 : i32
    %dma_start3A_73 = arith.constant 0 : i32
    %dma_start3A_74 = arith.constant 0 : i32
    %dma_start3A_75 = tpu.memref_slice %arg8[%dma_start3A_71, %dma_start3A_73, %dma_start3A_74] : memref<4x2x128xi32, #tpu.memory_space<vmem>> -> memref<1x2x128xi32, #tpu.memory_space<vmem>>
    %dma_start3A_76 = tpu.memref_squeeze %dma_start3A_75 : memref<1x2x128xi32, #tpu.memory_space<vmem>> -> memref<2x128xi32, #tpu.memory_space<vmem>>
    %dma_start3A_77 = arith.constant 0 : i32
    %dma_start3A_78 = arith.constant 0 : i32
    %dma_start3A_79 = tpu.memref_slice %arg3[%add3A_70, %dma_start3A_77, %dma_start3A_78] : memref<1280x2x128xi32, #tpu.memory_space<hbm>> -> memref<1x2x128xi32, #tpu.memory_space<hbm>>
    %dma_start3A_80 = tpu.memref_squeeze %dma_start3A_79 : memref<1x2x128xi32, #tpu.memory_space<hbm>> -> memref<2x128xi32, #tpu.memory_space<hbm>>
    %dma_start3A_81 = tpu.memref_slice %arg13[%dma_start3A_72] : memref<4x!tpu.dma_semaphore, #tpu.memory_space<semaphore_mem>> -> memref<1x!tpu.dma_semaphore, #tpu.memory_space<semaphore_mem>>
    %dma_start3A_82 = tpu.memref_squeeze %dma_start3A_81 : memref<1x!tpu.dma_semaphore, #tpu.memory_space<semaphore_mem>> -> memref<!tpu.dma_semaphore, #tpu.memory_space<semaphore_mem>>
    %dma_start3A_83 = arith.constant 0 : i32
    %dma_start3A_84 = arith.constant 0 : i32
    %dma_start3A_85 = tpu.memref_slice %arg8[%dma_start3A_71, %dma_start3A_83, %dma_start3A_84] : memref<4x2x128xi32, #tpu.memory_space<vmem>> -> memref<1x2x128xi32, #tpu.memory_space<vmem>>
    %dma_start3A_86 = tpu.memref_squeeze %dma_start3A_85 : memref<1x2x128xi32, #tpu.memory_space<vmem>> -> memref<2x128xi32, #tpu.memory_space<vmem>>
    %dma_start3A_87 = arith.constant 0 : i32
    %dma_start3A_88 = arith.constant 0 : i32
    %dma_start3A_89 = tpu.memref_slice %arg3[%add3A_70, %dma_start3A_87, %dma_start3A_88] : memref<1280x2x128xi32, #tpu.memory_space<hbm>> -> memref<1x2x128xi32, #tpu.memory_space<hbm>>
    %dma_start3A_90 = tpu.memref_squeeze %dma_start3A_89 : memref<1x2x128xi32, #tpu.memory_space<hbm>> -> memref<2x128xi32, #tpu.memory_space<hbm>>
    tpu.enqueue_dma source(%dma_start3A_90 : memref<2x128xi32, #tpu.memory_space<hbm>>) target(%dma_start3A_86 : memref<2x128xi32, #tpu.memory_space<vmem>>) target_semaphore(%dma_start3A_82 : memref<!tpu.dma_semaphore, #tpu.memory_space<semaphore_mem>>)
    %barrier3A = arith.constant 0 : index
    tpu.barrier barrier_id(%barrier3A)
    %scan3A = arith.constant 0 : i32
    %scan3A_91 = arith.constant 20 : i32
    %scan3A_92 = arith.addi %scan3A, %scan3A_91 : i32
    %scan3A_93 = arith.constant 1 : i32
    scf.for %scan3A_127 = %scan3A to %scan3A_92 step %scan3A_93  : i32 {
      %mul3A_128 = arith.constant 4 : i32
      %mul3A_129 = arith.muli %mul3A_128, %scan3A_127 : i32
      %add3A_130 = arith.constant 0 : i32
      %add3A_131 = arith.addi %mul3A_129, %add3A_130 : i32
      %add3A_132 = arith.constant 2 : i32
      %add3A_133 = arith.addi %add3A_131, %add3A_132 : i32
      %add3A_134 = arith.constant 0 : i32
      %add3A_135 = arith.addi %add3A_133, %add3A_134 : i32
      %gt3A = arith.constant 0 : i32
      %gt3A_136 = arith.cmpi sgt, %scan3A_127, %gt3A : i32
      %convert_element_type3A = arith.extui %gt3A_136 : i1 to i32
      %cond3A = arith.constant 0 : i32
      %cond3A_137 = arith.cmpi ne, %convert_element_type3A, %cond3A : i32
      scf.if %cond3A_137 {
        %dma_wait3A_512 = arith.constant 0 : i32
        %dma_wait3A_513 = arith.constant 0 : i32
        %dma_wait3A_514 = arith.constant 1 : i32
        %dma_wait3A_515 = arith.constant 0 : i32
        %dma_wait3A_516 = arith.constant 0 : i32
        %dma_wait3A_517 = arith.constant 0 : i32
        %dma_wait3A_518 = tpu.memref_slice %arg9[%dma_wait3A_512, %dma_wait3A_516, %dma_wait3A_517] : memref<2x128x128xf32, #tpu.memory_space<vmem>> -> memref<1x128x128xf32, #tpu.memory_space<vmem>>
        %dma_wait3A_519 = tpu.memref_squeeze %dma_wait3A_518 : memref<1x128x128xf32, #tpu.memory_space<vmem>> -> memref<128x128xf32, #tpu.memory_space<vmem>>
        %dma_wait3A_520 = arith.constant 0 : i32
        %dma_wait3A_521 = tpu.memref_slice %arg8[%dma_wait3A_513, %dma_wait3A_514, %dma_wait3A_520] : memref<4x2x128xi32, #tpu.memory_space<vmem>> -> memref<1x1x128xi32, #tpu.memory_space<vmem>>
        %dma_wait3A_522 = tpu.memref_squeeze %dma_wait3A_521 : memref<1x1x128xi32, #tpu.memory_space<vmem>> -> memref<128xi32, #tpu.memory_space<vmem>>
        %dma_wait3A_523 = arith.constant 0 : i32
        %dma_wait3A_524 = arith.constant 0 : i32
        %dma_wait3A_525 = tpu.memref_slice %arg11[%dma_wait3A_523, %dma_wait3A_524] : memref<10240x128xf32, #tpu.memory_space<vmem_shared>> -> memref<10240x128xf32, #tpu.memory_space<vmem_shared>>
        %dma_wait3A_526 = tpu.memref_slice %arg15[%dma_wait3A_515] : memref<2x!tpu.dma_semaphore, #tpu.memory_space<semaphore_mem>> -> memref<1x!tpu.dma_semaphore, #tpu.memory_space<semaphore_mem>>
        %dma_wait3A_527 = tpu.memref_squeeze %dma_wait3A_526 : memref<1x!tpu.dma_semaphore, #tpu.memory_space<semaphore_mem>> -> memref<!tpu.dma_semaphore, #tpu.memory_space<semaphore_mem>>
        tpu.wait_indirect_dma semaphore(%dma_wait3A_527 : memref<!tpu.dma_semaphore, #tpu.memory_space<semaphore_mem>>) src(%dma_wait3A_519 : memref<128x128xf32, #tpu.memory_space<vmem>>) dst(%dma_wait3A_525 : memref<10240x128xf32, #tpu.memory_space<vmem_shared>>)
        %lt3A_528 = arith.constant 80 : i32
        %lt3A_529 = arith.cmpi slt, %add3A_135, %lt3A_528 : i32
        %convert_element_type3A_530 = arith.extui %lt3A_529 : i1 to i32
        %cond3A_531 = arith.constant 0 : i32
        %cond3A_532 = arith.cmpi ne, %convert_element_type3A_530, %cond3A_531 : i32
        scf.if %cond3A_532 {
          %add3A_533 = arith.addi %mul3A_2, %add3A_135 : i32
          %dma_start3A_534 = arith.constant 2 : i32
          %dma_start3A_535 = arith.constant 2 : i32
          %dma_start3A_536 = arith.constant 0 : i32
          %dma_start3A_537 = arith.constant 0 : i32
          %dma_start3A_538 = tpu.memref_slice %arg8[%dma_start3A_534, %dma_start3A_536, %dma_start3A_537] : memref<4x2x128xi32, #tpu.memory_space<vmem>> -> memref<1x2x128xi32, #tpu.memory_space<vmem>>
          %dma_start3A_539 = tpu.memref_squeeze %dma_start3A_538 : memref<1x2x128xi32, #tpu.memory_space<vmem>> -> memref<2x128xi32, #tpu.memory_space<vmem>>
          %dma_start3A_540 = arith.constant 0 : i32
          %dma_start3A_541 = arith.constant 0 : i32
          %dma_start3A_542 = tpu.memref_slice %arg3[%add3A_533, %dma_start3A_540, %dma_start3A_541] : memref<1280x2x128xi32, #tpu.memory_space<hbm>> -> memref<1x2x128xi32, #tpu.memory_space<hbm>>
          %dma_start3A_543 = tpu.memref_squeeze %dma_start3A_542 : memref<1x2x128xi32, #tpu.memory_space<hbm>> -> memref<2x128xi32, #tpu.memory_space<hbm>>
          %dma_start3A_544 = tpu.memref_slice %arg13[%dma_start3A_535] : memref<4x!tpu.dma_semaphore, #tpu.memory_space<semaphore_mem>> -> memref<1x!tpu.dma_semaphore, #tpu.memory_space<semaphore_mem>>
          %dma_start3A_545 = tpu.memref_squeeze %dma_start3A_544 : memref<1x!tpu.dma_semaphore, #tpu.memory_space<semaphore_mem>> -> memref<!tpu.dma_semaphore, #tpu.memory_space<semaphore_mem>>
          %dma_start3A_546 = arith.constant 0 : i32
          %dma_start3A_547 = arith.constant 0 : i32
          %dma_start3A_548 = tpu.memref_slice %arg8[%dma_start3A_534, %dma_start3A_546, %dma_start3A_547] : memref<4x2x128xi32, #tpu.memory_space<vmem>> -> memref<1x2x128xi32, #tpu.memory_space<vmem>>
          %dma_start3A_549 = tpu.memref_squeeze %dma_start3A_548 : memref<1x2x128xi32, #tpu.memory_space<vmem>> -> memref<2x128xi32, #tpu.memory_space<vmem>>
          %dma_start3A_550 = arith.constant 0 : i32
          %dma_start3A_551 = arith.constant 0 : i32
          %dma_start3A_552 = tpu.memref_slice %arg3[%add3A_533, %dma_start3A_550, %dma_start3A_551] : memref<1280x2x128xi32, #tpu.memory_space<hbm>> -> memref<1x2x128xi32, #tpu.memory_space<hbm>>
          %dma_start3A_553 = tpu.memref_squeeze %dma_start3A_552 : memref<1x2x128xi32, #tpu.memory_space<hbm>> -> memref<2x128xi32, #tpu.memory_space<hbm>>
          tpu.enqueue_dma source(%dma_start3A_553 : memref<2x128xi32, #tpu.memory_space<hbm>>) target(%dma_start3A_549 : memref<2x128xi32, #tpu.memory_space<vmem>>) target_semaphore(%dma_start3A_545 : memref<!tpu.dma_semaphore, #tpu.memory_space<semaphore_mem>>)
        } else {
        }
      } else {
      }
      %dma_wait3A_138 = arith.constant 0 : i32
      %dma_wait3A_139 = arith.constant 0 : i32
      %dma_wait3A_140 = arith.constant 0 : i32
      %dma_wait3A_141 = arith.constant 0 : i32
      %dma_wait3A_142 = tpu.memref_slice %arg8[%dma_wait3A_138, %dma_wait3A_140, %dma_wait3A_141] : memref<4x2x128xi32, #tpu.memory_space<vmem>> -> memref<1x2x128xi32, #tpu.memory_space<vmem>>
      %dma_wait3A_143 = tpu.memref_squeeze %dma_wait3A_142 : memref<1x2x128xi32, #tpu.memory_space<vmem>> -> memref<2x128xi32, #tpu.memory_space<vmem>>
      %dma_wait3A_144 = arith.constant 0 : i32
      %dma_wait3A_145 = arith.constant 0 : i32
      %dma_wait3A_146 = tpu.memref_slice %arg3[%mul3A_2, %dma_wait3A_144, %dma_wait3A_145] : memref<1280x2x128xi32, #tpu.memory_space<hbm>> -> memref<1x2x128xi32, #tpu.memory_space<hbm>>
      %dma_wait3A_147 = tpu.memref_squeeze %dma_wait3A_146 : memref<1x2x128xi32, #tpu.memory_space<hbm>> -> memref<2x128xi32, #tpu.memory_space<hbm>>
      %dma_wait3A_148 = tpu.memref_slice %arg13[%dma_wait3A_139] : memref<4x!tpu.dma_semaphore, #tpu.memory_space<semaphore_mem>> -> memref<1x!tpu.dma_semaphore, #tpu.memory_space<semaphore_mem>>
      %dma_wait3A_149 = tpu.memref_squeeze %dma_wait3A_148 : memref<1x!tpu.dma_semaphore, #tpu.memory_space<semaphore_mem>> -> memref<!tpu.dma_semaphore, #tpu.memory_space<semaphore_mem>>
      %dma_wait3A_150 = arith.constant 0 : i32
      %dma_wait3A_151 = arith.constant 0 : i32
      %dma_wait3A_152 = tpu.memref_slice %arg8[%dma_wait3A_138, %dma_wait3A_150, %dma_wait3A_151] : memref<4x2x128xi32, #tpu.memory_space<vmem>> -> memref<1x2x128xi32, #tpu.memory_space<vmem>>
      %dma_wait3A_153 = tpu.memref_squeeze %dma_wait3A_152 : memref<1x2x128xi32, #tpu.memory_space<vmem>> -> memref<2x128xi32, #tpu.memory_space<vmem>>
      %dma_wait3A_154 = arith.constant 0 : i32
      %dma_wait3A_155 = arith.constant 0 : i32
      %dma_wait3A_156 = tpu.memref_slice %arg3[%mul3A_2, %dma_wait3A_154, %dma_wait3A_155] : memref<1280x2x128xi32, #tpu.memory_space<hbm>> -> memref<1x2x128xi32, #tpu.memory_space<hbm>>
      %dma_wait3A_157 = tpu.memref_squeeze %dma_wait3A_156 : memref<1x2x128xi32, #tpu.memory_space<hbm>> -> memref<2x128xi32, #tpu.memory_space<hbm>>
      tpu.wait_dma2 semaphore(%dma_wait3A_149 : memref<!tpu.dma_semaphore, #tpu.memory_space<semaphore_mem>>) src(%dma_wait3A_157 : memref<2x128xi32, #tpu.memory_space<hbm>>) dst(%dma_wait3A_153 : memref<2x128xi32, #tpu.memory_space<vmem>>)
      %dma_start3A_158 = arith.constant 0 : i32
      %dma_start3A_159 = arith.constant 0 : i32
      %dma_start3A_160 = arith.constant 0 : i32
      %dma_start3A_161 = arith.constant 0 : i32
      %dma_start3A_162 = arith.constant 0 : i32
      %dma_start3A_163 = arith.constant 0 : i32
      %dma_start3A_164 = tpu.memref_slice %arg9[%dma_start3A_160, %dma_start3A_162, %dma_start3A_163] : memref<2x128x128xf32, #tpu.memory_space<vmem>> -> memref<1x128x128xf32, #tpu.memory_space<vmem>>
      %dma_start3A_165 = tpu.memref_squeeze %dma_start3A_164 : memref<1x128x128xf32, #tpu.memory_space<vmem>> -> memref<128x128xf32, #tpu.memory_space<vmem>>
      %dma_start3A_166 = arith.constant 0 : i32
      %dma_start3A_167 = tpu.memref_slice %arg8[%dma_start3A_158, %dma_start3A_159, %dma_start3A_166] : memref<4x2x128xi32, #tpu.memory_space<vmem>> -> memref<1x1x128xi32, #tpu.memory_space<vmem>>
      %dma_start3A_168 = tpu.memref_squeeze %dma_start3A_167 : memref<1x1x128xi32, #tpu.memory_space<vmem>> -> memref<128xi32, #tpu.memory_space<vmem>>
      %dma_start3A_169 = arith.constant 0 : i32
      %dma_start3A_170 = arith.constant 0 : i32
      %dma_start3A_171 = tpu.memref_slice %arg2[%add3A_3, %dma_start3A_169, %dma_start3A_170] : memref<2x10240x128xf32, #tpu.memory_space<hbm>> -> memref<1x10240x128xf32, #tpu.memory_space<hbm>>
      %dma_start3A_172 = tpu.memref_squeeze %dma_start3A_171 : memref<1x10240x128xf32, #tpu.memory_space<hbm>> -> memref<10240x128xf32, #tpu.memory_space<hbm>>
      %dma_start3A_173 = arith.constant 0 : i32
      %dma_start3A_174 = arith.constant 0 : i32
      %dma_start3A_175 = tpu.memref_slice %dma_start3A_172[%dma_start3A_173, %dma_start3A_174] : memref<10240x128xf32, #tpu.memory_space<hbm>> -> memref<10240x128xf32, #tpu.memory_space<hbm>>
      %dma_start3A_176 = tpu.memref_slice %arg14[%dma_start3A_161] : memref<2x!tpu.dma_semaphore, #tpu.memory_space<semaphore_mem>> -> memref<1x!tpu.dma_semaphore, #tpu.memory_space<semaphore_mem>>
      %dma_start3A_177 = tpu.memref_squeeze %dma_start3A_176 : memref<1x!tpu.dma_semaphore, #tpu.memory_space<semaphore_mem>> -> memref<!tpu.dma_semaphore, #tpu.memory_space<semaphore_mem>>
      tpu.enqueue_indirect_dma source(%dma_start3A_175 : memref<10240x128xf32, #tpu.memory_space<hbm>>) target(%dma_start3A_165 : memref<128x128xf32, #tpu.memory_space<vmem>>) offsets(%dma_start3A_168 : memref<128xi32, #tpu.memory_space<vmem>>) semaphore(%dma_start3A_177 : memref<!tpu.dma_semaphore, #tpu.memory_space<semaphore_mem>>)
      %mul3A_178 = arith.constant 4 : i32
      %mul3A_179 = arith.muli %mul3A_178, %scan3A_127 : i32
      %add3A_180 = arith.constant 0 : i32
      %add3A_181 = arith.addi %mul3A_179, %add3A_180 : i32
      %add3A_182 = arith.constant 2 : i32
      %add3A_183 = arith.addi %add3A_181, %add3A_182 : i32
      %add3A_184 = arith.constant 1 : i32
      %add3A_185 = arith.addi %add3A_183, %add3A_184 : i32
      %gt3A_186 = arith.constant 0 : i32
      %gt3A_187 = arith.cmpi sgt, %scan3A_127, %gt3A_186 : i32
      %convert_element_type3A_188 = arith.extui %gt3A_187 : i1 to i32
      %cond3A_189 = arith.constant 0 : i32
      %cond3A_190 = arith.cmpi ne, %convert_element_type3A_188, %cond3A_189 : i32
      scf.if %cond3A_190 {
        %dma_wait3A_512 = arith.constant 1 : i32
        %dma_wait3A_513 = arith.constant 1 : i32
        %dma_wait3A_514 = arith.constant 1 : i32
        %dma_wait3A_515 = arith.constant 1 : i32
        %dma_wait3A_516 = arith.constant 0 : i32
        %dma_wait3A_517 = arith.constant 0 : i32
        %dma_wait3A_518 = tpu.memref_slice %arg9[%dma_wait3A_512, %dma_wait3A_516, %dma_wait3A_517] : memref<2x128x128xf32, #tpu.memory_space<vmem>> -> memref<1x128x128xf32, #tpu.memory_space<vmem>>
        %dma_wait3A_519 = tpu.memref_squeeze %dma_wait3A_518 : memref<1x128x128xf32, #tpu.memory_space<vmem>> -> memref<128x128xf32, #tpu.memory_space<vmem>>
        %dma_wait3A_520 = arith.constant 0 : i32
        %dma_wait3A_521 = tpu.memref_slice %arg8[%dma_wait3A_513, %dma_wait3A_514, %dma_wait3A_520] : memref<4x2x128xi32, #tpu.memory_space<vmem>> -> memref<1x1x128xi32, #tpu.memory_space<vmem>>
        %dma_wait3A_522 = tpu.memref_squeeze %dma_wait3A_521 : memref<1x1x128xi32, #tpu.memory_space<vmem>> -> memref<128xi32, #tpu.memory_space<vmem>>
        %dma_wait3A_523 = arith.constant 0 : i32
        %dma_wait3A_524 = arith.constant 0 : i32
        %dma_wait3A_525 = tpu.memref_slice %arg11[%dma_wait3A_523, %dma_wait3A_524] : memref<10240x128xf32, #tpu.memory_space<vmem_shared>> -> memref<10240x128xf32, #tpu.memory_space<vmem_shared>>
        %dma_wait3A_526 = tpu.memref_slice %arg15[%dma_wait3A_515] : memref<2x!tpu.dma_semaphore, #tpu.memory_space<semaphore_mem>> -> memref<1x!tpu.dma_semaphore, #tpu.memory_space<semaphore_mem>>
        %dma_wait3A_527 = tpu.memref_squeeze %dma_wait3A_526 : memref<1x!tpu.dma_semaphore, #tpu.memory_space<semaphore_mem>> -> memref<!tpu.dma_semaphore, #tpu.memory_space<semaphore_mem>>
        tpu.wait_indirect_dma semaphore(%dma_wait3A_527 : memref<!tpu.dma_semaphore, #tpu.memory_space<semaphore_mem>>) src(%dma_wait3A_519 : memref<128x128xf32, #tpu.memory_space<vmem>>) dst(%dma_wait3A_525 : memref<10240x128xf32, #tpu.memory_space<vmem_shared>>)
        %lt3A_528 = arith.constant 80 : i32
        %lt3A_529 = arith.cmpi slt, %add3A_185, %lt3A_528 : i32
        %convert_element_type3A_530 = arith.extui %lt3A_529 : i1 to i32
        %cond3A_531 = arith.constant 0 : i32
        %cond3A_532 = arith.cmpi ne, %convert_element_type3A_530, %cond3A_531 : i32
        scf.if %cond3A_532 {
          %add3A_533 = arith.addi %mul3A_2, %add3A_185 : i32
          %dma_start3A_534 = arith.constant 3 : i32
          %dma_start3A_535 = arith.constant 3 : i32
          %dma_start3A_536 = arith.constant 0 : i32
          %dma_start3A_537 = arith.constant 0 : i32
          %dma_start3A_538 = tpu.memref_slice %arg8[%dma_start3A_534, %dma_start3A_536, %dma_start3A_537] : memref<4x2x128xi32, #tpu.memory_space<vmem>> -> memref<1x2x128xi32, #tpu.memory_space<vmem>>
          %dma_start3A_539 = tpu.memref_squeeze %dma_start3A_538 : memref<1x2x128xi32, #tpu.memory_space<vmem>> -> memref<2x128xi32, #tpu.memory_space<vmem>>
          %dma_start3A_540 = arith.constant 0 : i32
          %dma_start3A_541 = arith.constant 0 : i32
          %dma_start3A_542 = tpu.memref_slice %arg3[%add3A_533, %dma_start3A_540, %dma_start3A_541] : memref<1280x2x128xi32, #tpu.memory_space<hbm>> -> memref<1x2x128xi32, #tpu.memory_space<hbm>>
          %dma_start3A_543 = tpu.memref_squeeze %dma_start3A_542 : memref<1x2x128xi32, #tpu.memory_space<hbm>> -> memref<2x128xi32, #tpu.memory_space<hbm>>
          %dma_start3A_544 = tpu.memref_slice %arg13[%dma_start3A_535] : memref<4x!tpu.dma_semaphore, #tpu.memory_space<semaphore_mem>> -> memref<1x!tpu.dma_semaphore, #tpu.memory_space<semaphore_mem>>
          %dma_start3A_545 = tpu.memref_squeeze %dma_start3A_544 : memref<1x!tpu.dma_semaphore, #tpu.memory_space<semaphore_mem>> -> memref<!tpu.dma_semaphore, #tpu.memory_space<semaphore_mem>>
          %dma_start3A_546 = arith.constant 0 : i32
          %dma_start3A_547 = arith.constant 0 : i32
          %dma_start3A_548 = tpu.memref_slice %arg8[%dma_start3A_534, %dma_start3A_546, %dma_start3A_547] : memref<4x2x128xi32, #tpu.memory_space<vmem>> -> memref<1x2x128xi32, #tpu.memory_space<vmem>>
          %dma_start3A_549 = tpu.memref_squeeze %dma_start3A_548 : memref<1x2x128xi32, #tpu.memory_space<vmem>> -> memref<2x128xi32, #tpu.memory_space<vmem>>
          %dma_start3A_550 = arith.constant 0 : i32
          %dma_start3A_551 = arith.constant 0 : i32
          %dma_start3A_552 = tpu.memref_slice %arg3[%add3A_533, %dma_start3A_550, %dma_start3A_551] : memref<1280x2x128xi32, #tpu.memory_space<hbm>> -> memref<1x2x128xi32, #tpu.memory_space<hbm>>
          %dma_start3A_553 = tpu.memref_squeeze %dma_start3A_552 : memref<1x2x128xi32, #tpu.memory_space<hbm>> -> memref<2x128xi32, #tpu.memory_space<hbm>>
          tpu.enqueue_dma source(%dma_start3A_553 : memref<2x128xi32, #tpu.memory_space<hbm>>) target(%dma_start3A_549 : memref<2x128xi32, #tpu.memory_space<vmem>>) target_semaphore(%dma_start3A_545 : memref<!tpu.dma_semaphore, #tpu.memory_space<semaphore_mem>>)
        } else {
        }
      } else {
      }
      %dma_wait3A_191 = arith.constant 1 : i32
      %dma_wait3A_192 = arith.constant 1 : i32
      %dma_wait3A_193 = arith.constant 0 : i32
      %dma_wait3A_194 = arith.constant 0 : i32
      %dma_wait3A_195 = tpu.memref_slice %arg8[%dma_wait3A_191, %dma_wait3A_193, %dma_wait3A_194] : memref<4x2x128xi32, #tpu.memory_space<vmem>> -> memref<1x2x128xi32, #tpu.memory_space<vmem>>
      %dma_wait3A_196 = tpu.memref_squeeze %dma_wait3A_195 : memref<1x2x128xi32, #tpu.memory_space<vmem>> -> memref<2x128xi32, #tpu.memory_space<vmem>>
      %dma_wait3A_197 = arith.constant 0 : i32
      %dma_wait3A_198 = arith.constant 0 : i32
      %dma_wait3A_199 = tpu.memref_slice %arg3[%mul3A_2, %dma_wait3A_197, %dma_wait3A_198] : memref<1280x2x128xi32, #tpu.memory_space<hbm>> -> memref<1x2x128xi32, #tpu.memory_space<hbm>>
      %dma_wait3A_200 = tpu.memref_squeeze %dma_wait3A_199 : memref<1x2x128xi32, #tpu.memory_space<hbm>> -> memref<2x128xi32, #tpu.memory_space<hbm>>
      %dma_wait3A_201 = tpu.memref_slice %arg13[%dma_wait3A_192] : memref<4x!tpu.dma_semaphore, #tpu.memory_space<semaphore_mem>> -> memref<1x!tpu.dma_semaphore, #tpu.memory_space<semaphore_mem>>
      %dma_wait3A_202 = tpu.memref_squeeze %dma_wait3A_201 : memref<1x!tpu.dma_semaphore, #tpu.memory_space<semaphore_mem>> -> memref<!tpu.dma_semaphore, #tpu.memory_space<semaphore_mem>>
      %dma_wait3A_203 = arith.constant 0 : i32
      %dma_wait3A_204 = arith.constant 0 : i32
      %dma_wait3A_205 = tpu.memref_slice %arg8[%dma_wait3A_191, %dma_wait3A_203, %dma_wait3A_204] : memref<4x2x128xi32, #tpu.memory_space<vmem>> -> memref<1x2x128xi32, #tpu.memory_space<vmem>>
      %dma_wait3A_206 = tpu.memref_squeeze %dma_wait3A_205 : memref<1x2x128xi32, #tpu.memory_space<vmem>> -> memref<2x128xi32, #tpu.memory_space<vmem>>
      %dma_wait3A_207 = arith.constant 0 : i32
      %dma_wait3A_208 = arith.constant 0 : i32
      %dma_wait3A_209 = tpu.memref_slice %arg3[%mul3A_2, %dma_wait3A_207, %dma_wait3A_208] : memref<1280x2x128xi32, #tpu.memory_space<hbm>> -> memref<1x2x128xi32, #tpu.memory_space<hbm>>
      %dma_wait3A_210 = tpu.memref_squeeze %dma_wait3A_209 : memref<1x2x128xi32, #tpu.memory_space<hbm>> -> memref<2x128xi32, #tpu.memory_space<hbm>>
      tpu.wait_dma2 semaphore(%dma_wait3A_202 : memref<!tpu.dma_semaphore, #tpu.memory_space<semaphore_mem>>) src(%dma_wait3A_210 : memref<2x128xi32, #tpu.memory_space<hbm>>) dst(%dma_wait3A_206 : memref<2x128xi32, #tpu.memory_space<vmem>>)
      %dma_start3A_211 = arith.constant 1 : i32
      %dma_start3A_212 = arith.constant 0 : i32
      %dma_start3A_213 = arith.constant 1 : i32
      %dma_start3A_214 = arith.constant 1 : i32
      %dma_start3A_215 = arith.constant 0 : i32
      %dma_start3A_216 = arith.constant 0 : i32
      %dma_start3A_217 = tpu.memref_slice %arg9[%dma_start3A_213, %dma_start3A_215, %dma_start3A_216] : memref<2x128x128xf32, #tpu.memory_space<vmem>> -> memref<1x128x128xf32, #tpu.memory_space<vmem>>
      %dma_start3A_218 = tpu.memref_squeeze %dma_start3A_217 : memref<1x128x128xf32, #tpu.memory_space<vmem>> -> memref<128x128xf32, #tpu.memory_space<vmem>>
      %dma_start3A_219 = arith.constant 0 : i32
      %dma_start3A_220 = tpu.memref_slice %arg8[%dma_start3A_211, %dma_start3A_212, %dma_start3A_219] : memref<4x2x128xi32, #tpu.memory_space<vmem>> -> memref<1x1x128xi32, #tpu.memory_space<vmem>>
      %dma_start3A_221 = tpu.memref_squeeze %dma_start3A_220 : memref<1x1x128xi32, #tpu.memory_space<vmem>> -> memref<128xi32, #tpu.memory_space<vmem>>
      %dma_start3A_222 = arith.constant 0 : i32
      %dma_start3A_223 = arith.constant 0 : i32
      %dma_start3A_224 = tpu.memref_slice %arg2[%add3A_3, %dma_start3A_222, %dma_start3A_223] : memref<2x10240x128xf32, #tpu.memory_space<hbm>> -> memref<1x10240x128xf32, #tpu.memory_space<hbm>>
      %dma_start3A_225 = tpu.memref_squeeze %dma_start3A_224 : memref<1x10240x128xf32, #tpu.memory_space<hbm>> -> memref<10240x128xf32, #tpu.memory_space<hbm>>
      %dma_start3A_226 = arith.constant 0 : i32
      %dma_start3A_227 = arith.constant 0 : i32
      %dma_start3A_228 = tpu.memref_slice %dma_start3A_225[%dma_start3A_226, %dma_start3A_227] : memref<10240x128xf32, #tpu.memory_space<hbm>> -> memref<10240x128xf32, #tpu.memory_space<hbm>>
      %dma_start3A_229 = tpu.memref_slice %arg14[%dma_start3A_214] : memref<2x!tpu.dma_semaphore, #tpu.memory_space<semaphore_mem>> -> memref<1x!tpu.dma_semaphore, #tpu.memory_space<semaphore_mem>>
      %dma_start3A_230 = tpu.memref_squeeze %dma_start3A_229 : memref<1x!tpu.dma_semaphore, #tpu.memory_space<semaphore_mem>> -> memref<!tpu.dma_semaphore, #tpu.memory_space<semaphore_mem>>
      tpu.enqueue_indirect_dma source(%dma_start3A_228 : memref<10240x128xf32, #tpu.memory_space<hbm>>) target(%dma_start3A_218 : memref<128x128xf32, #tpu.memory_space<vmem>>) offsets(%dma_start3A_221 : memref<128xi32, #tpu.memory_space<vmem>>) semaphore(%dma_start3A_230 : memref<!tpu.dma_semaphore, #tpu.memory_space<semaphore_mem>>)
      %dma_wait3A_231 = arith.constant 0 : i32
      %dma_wait3A_232 = arith.constant 0 : i32
      %dma_wait3A_233 = arith.constant 0 : i32
      %dma_wait3A_234 = arith.constant 0 : i32
      %dma_wait3A_235 = arith.constant 0 : i32
      %dma_wait3A_236 = arith.constant 0 : i32
      %dma_wait3A_237 = tpu.memref_slice %arg9[%dma_wait3A_233, %dma_wait3A_235, %dma_wait3A_236] : memref<2x128x128xf32, #tpu.memory_space<vmem>> -> memref<1x128x128xf32, #tpu.memory_space<vmem>>
      %dma_wait3A_238 = tpu.memref_squeeze %dma_wait3A_237 : memref<1x128x128xf32, #tpu.memory_space<vmem>> -> memref<128x128xf32, #tpu.memory_space<vmem>>
      %dma_wait3A_239 = arith.constant 0 : i32
      %dma_wait3A_240 = tpu.memref_slice %arg8[%dma_wait3A_231, %dma_wait3A_232, %dma_wait3A_239] : memref<4x2x128xi32, #tpu.memory_space<vmem>> -> memref<1x1x128xi32, #tpu.memory_space<vmem>>
      %dma_wait3A_241 = tpu.memref_squeeze %dma_wait3A_240 : memref<1x1x128xi32, #tpu.memory_space<vmem>> -> memref<128xi32, #tpu.memory_space<vmem>>
      %dma_wait3A_242 = arith.constant 0 : i32
      %dma_wait3A_243 = arith.constant 0 : i32
      %dma_wait3A_244 = tpu.memref_slice %arg2[%add3A_3, %dma_wait3A_242, %dma_wait3A_243] : memref<2x10240x128xf32, #tpu.memory_space<hbm>> -> memref<1x10240x128xf32, #tpu.memory_space<hbm>>
      %dma_wait3A_245 = tpu.memref_squeeze %dma_wait3A_244 : memref<1x10240x128xf32, #tpu.memory_space<hbm>> -> memref<10240x128xf32, #tpu.memory_space<hbm>>
      %dma_wait3A_246 = arith.constant 0 : i32
      %dma_wait3A_247 = arith.constant 0 : i32
      %dma_wait3A_248 = tpu.memref_slice %dma_wait3A_245[%dma_wait3A_246, %dma_wait3A_247] : memref<10240x128xf32, #tpu.memory_space<hbm>> -> memref<10240x128xf32, #tpu.memory_space<hbm>>
      %dma_wait3A_249 = tpu.memref_slice %arg14[%dma_wait3A_234] : memref<2x!tpu.dma_semaphore, #tpu.memory_space<semaphore_mem>> -> memref<1x!tpu.dma_semaphore, #tpu.memory_space<semaphore_mem>>
      %dma_wait3A_250 = tpu.memref_squeeze %dma_wait3A_249 : memref<1x!tpu.dma_semaphore, #tpu.memory_space<semaphore_mem>> -> memref<!tpu.dma_semaphore, #tpu.memory_space<semaphore_mem>>
      tpu.wait_indirect_dma semaphore(%dma_wait3A_250 : memref<!tpu.dma_semaphore, #tpu.memory_space<semaphore_mem>>) src(%dma_wait3A_248 : memref<10240x128xf32, #tpu.memory_space<hbm>>) dst(%dma_wait3A_238 : memref<128x128xf32, #tpu.memory_space<vmem>>)
      %dma_start3A_251 = arith.constant 0 : i32
      %dma_start3A_252 = arith.constant 0 : i32
      %dma_start3A_253 = arith.constant 1 : i32
      %dma_start3A_254 = arith.constant 0 : i32
      %dma_start3A_255 = arith.constant 0 : i32
      %dma_start3A_256 = arith.constant 0 : i32
      %dma_start3A_257 = tpu.memref_slice %arg9[%dma_start3A_251, %dma_start3A_255, %dma_start3A_256] : memref<2x128x128xf32, #tpu.memory_space<vmem>> -> memref<1x128x128xf32, #tpu.memory_space<vmem>>
      %dma_start3A_258 = tpu.memref_squeeze %dma_start3A_257 : memref<1x128x128xf32, #tpu.memory_space<vmem>> -> memref<128x128xf32, #tpu.memory_space<vmem>>
      %dma_start3A_259 = arith.constant 0 : i32
      %dma_start3A_260 = tpu.memref_slice %arg8[%dma_start3A_252, %dma_start3A_253, %dma_start3A_259] : memref<4x2x128xi32, #tpu.memory_space<vmem>> -> memref<1x1x128xi32, #tpu.memory_space<vmem>>
      %dma_start3A_261 = tpu.memref_squeeze %dma_start3A_260 : memref<1x1x128xi32, #tpu.memory_space<vmem>> -> memref<128xi32, #tpu.memory_space<vmem>>
      %dma_start3A_262 = arith.constant 0 : i32
      %dma_start3A_263 = arith.constant 0 : i32
      %dma_start3A_264 = tpu.memref_slice %arg11[%dma_start3A_262, %dma_start3A_263] : memref<10240x128xf32, #tpu.memory_space<vmem_shared>> -> memref<10240x128xf32, #tpu.memory_space<vmem_shared>>
      %dma_start3A_265 = tpu.memref_slice %arg15[%dma_start3A_254] : memref<2x!tpu.dma_semaphore, #tpu.memory_space<semaphore_mem>> -> memref<1x!tpu.dma_semaphore, #tpu.memory_space<semaphore_mem>>
      %dma_start3A_266 = tpu.memref_squeeze %dma_start3A_265 : memref<1x!tpu.dma_semaphore, #tpu.memory_space<semaphore_mem>> -> memref<!tpu.dma_semaphore, #tpu.memory_space<semaphore_mem>>
      tpu.enqueue_indirect_dma source(%dma_start3A_258 : memref<128x128xf32, #tpu.memory_space<vmem>>) target(%dma_start3A_264 : memref<10240x128xf32, #tpu.memory_space<vmem_shared>>) offsets(%dma_start3A_261 : memref<128xi32, #tpu.memory_space<vmem>>) semaphore(%dma_start3A_266 : memref<!tpu.dma_semaphore, #tpu.memory_space<semaphore_mem>>) {add = true}
      %dma_wait3A_267 = arith.constant 1 : i32
      %dma_wait3A_268 = arith.constant 0 : i32
      %dma_wait3A_269 = arith.constant 1 : i32
      %dma_wait3A_270 = arith.constant 1 : i32
      %dma_wait3A_271 = arith.constant 0 : i32
      %dma_wait3A_272 = arith.constant 0 : i32
      %dma_wait3A_273 = tpu.memref_slice %arg9[%dma_wait3A_269, %dma_wait3A_271, %dma_wait3A_272] : memref<2x128x128xf32, #tpu.memory_space<vmem>> -> memref<1x128x128xf32, #tpu.memory_space<vmem>>
      %dma_wait3A_274 = tpu.memref_squeeze %dma_wait3A_273 : memref<1x128x128xf32, #tpu.memory_space<vmem>> -> memref<128x128xf32, #tpu.memory_space<vmem>>
      %dma_wait3A_275 = arith.constant 0 : i32
      %dma_wait3A_276 = tpu.memref_slice %arg8[%dma_wait3A_267, %dma_wait3A_268, %dma_wait3A_275] : memref<4x2x128xi32, #tpu.memory_space<vmem>> -> memref<1x1x128xi32, #tpu.memory_space<vmem>>
      %dma_wait3A_277 = tpu.memref_squeeze %dma_wait3A_276 : memref<1x1x128xi32, #tpu.memory_space<vmem>> -> memref<128xi32, #tpu.memory_space<vmem>>
      %dma_wait3A_278 = arith.constant 0 : i32
      %dma_wait3A_279 = arith.constant 0 : i32
      %dma_wait3A_280 = tpu.memref_slice %arg2[%add3A_3, %dma_wait3A_278, %dma_wait3A_279] : memref<2x10240x128xf32, #tpu.memory_space<hbm>> -> memref<1x10240x128xf32, #tpu.memory_space<hbm>>
      %dma_wait3A_281 = tpu.memref_squeeze %dma_wait3A_280 : memref<1x10240x128xf32, #tpu.memory_space<hbm>> -> memref<10240x128xf32, #tpu.memory_space<hbm>>
      %dma_wait3A_282 = arith.constant 0 : i32
      %dma_wait3A_283 = arith.constant 0 : i32
      %dma_wait3A_284 = tpu.memref_slice %dma_wait3A_281[%dma_wait3A_282, %dma_wait3A_283] : memref<10240x128xf32, #tpu.memory_space<hbm>> -> memref<10240x128xf32, #tpu.memory_space<hbm>>
      %dma_wait3A_285 = tpu.memref_slice %arg14[%dma_wait3A_270] : memref<2x!tpu.dma_semaphore, #tpu.memory_space<semaphore_mem>> -> memref<1x!tpu.dma_semaphore, #tpu.memory_space<semaphore_mem>>
      %dma_wait3A_286 = tpu.memref_squeeze %dma_wait3A_285 : memref<1x!tpu.dma_semaphore, #tpu.memory_space<semaphore_mem>> -> memref<!tpu.dma_semaphore, #tpu.memory_space<semaphore_mem>>
      tpu.wait_indirect_dma semaphore(%dma_wait3A_286 : memref<!tpu.dma_semaphore, #tpu.memory_space<semaphore_mem>>) src(%dma_wait3A_284 : memref<10240x128xf32, #tpu.memory_space<hbm>>) dst(%dma_wait3A_274 : memref<128x128xf32, #tpu.memory_space<vmem>>)
      %dma_start3A_287 = arith.constant 1 : i32
      %dma_start3A_288 = arith.constant 1 : i32
      %dma_start3A_289 = arith.constant 1 : i32
      %dma_start3A_290 = arith.constant 1 : i32
      %dma_start3A_291 = arith.constant 0 : i32
      %dma_start3A_292 = arith.constant 0 : i32
      %dma_start3A_293 = tpu.memref_slice %arg9[%dma_start3A_287, %dma_start3A_291, %dma_start3A_292] : memref<2x128x128xf32, #tpu.memory_space<vmem>> -> memref<1x128x128xf32, #tpu.memory_space<vmem>>
      %dma_start3A_294 = tpu.memref_squeeze %dma_start3A_293 : memref<1x128x128xf32, #tpu.memory_space<vmem>> -> memref<128x128xf32, #tpu.memory_space<vmem>>
      %dma_start3A_295 = arith.constant 0 : i32
      %dma_start3A_296 = tpu.memref_slice %arg8[%dma_start3A_288, %dma_start3A_289, %dma_start3A_295] : memref<4x2x128xi32, #tpu.memory_space<vmem>> -> memref<1x1x128xi32, #tpu.memory_space<vmem>>
      %dma_start3A_297 = tpu.memref_squeeze %dma_start3A_296 : memref<1x1x128xi32, #tpu.memory_space<vmem>> -> memref<128xi32, #tpu.memory_space<vmem>>
      %dma_start3A_298 = arith.constant 0 : i32
      %dma_start3A_299 = arith.constant 0 : i32
      %dma_start3A_300 = tpu.memref_slice %arg11[%dma_start3A_298, %dma_start3A_299] : memref<10240x128xf32, #tpu.memory_space<vmem_shared>> -> memref<10240x128xf32, #tpu.memory_space<vmem_shared>>
      %dma_start3A_301 = tpu.memref_slice %arg15[%dma_start3A_290] : memref<2x!tpu.dma_semaphore, #tpu.memory_space<semaphore_mem>> -> memref<1x!tpu.dma_semaphore, #tpu.memory_space<semaphore_mem>>
      %dma_start3A_302 = tpu.memref_squeeze %dma_start3A_301 : memref<1x!tpu.dma_semaphore, #tpu.memory_space<semaphore_mem>> -> memref<!tpu.dma_semaphore, #tpu.memory_space<semaphore_mem>>
      tpu.enqueue_indirect_dma source(%dma_start3A_294 : memref<128x128xf32, #tpu.memory_space<vmem>>) target(%dma_start3A_300 : memref<10240x128xf32, #tpu.memory_space<vmem_shared>>) offsets(%dma_start3A_297 : memref<128xi32, #tpu.memory_space<vmem>>) semaphore(%dma_start3A_302 : memref<!tpu.dma_semaphore, #tpu.memory_space<semaphore_mem>>) {add = true}
      %mul3A_303 = arith.constant 4 : i32
      %mul3A_304 = arith.muli %mul3A_303, %scan3A_127 : i32
      %add3A_305 = arith.constant 2 : i32
      %add3A_306 = arith.addi %mul3A_304, %add3A_305 : i32
      %add3A_307 = arith.constant 2 : i32
      %add3A_308 = arith.addi %add3A_306, %add3A_307 : i32
      %add3A_309 = arith.constant 0 : i32
      %add3A_310 = arith.addi %add3A_308, %add3A_309 : i32
      %dma_wait3A_311 = arith.constant 0 : i32
      %dma_wait3A_312 = arith.constant 2 : i32
      %dma_wait3A_313 = arith.constant 1 : i32
      %dma_wait3A_314 = arith.constant 0 : i32
      %dma_wait3A_315 = arith.constant 0 : i32
      %dma_wait3A_316 = arith.constant 0 : i32
      %dma_wait3A_317 = tpu.memref_slice %arg9[%dma_wait3A_311, %dma_wait3A_315, %dma_wait3A_316] : memref<2x128x128xf32, #tpu.memory_space<vmem>> -> memref<1x128x128xf32, #tpu.memory_space<vmem>>
      %dma_wait3A_318 = tpu.memref_squeeze %dma_wait3A_317 : memref<1x128x128xf32, #tpu.memory_space<vmem>> -> memref<128x128xf32, #tpu.memory_space<vmem>>
      %dma_wait3A_319 = arith.constant 0 : i32
      %dma_wait3A_320 = tpu.memref_slice %arg8[%dma_wait3A_312, %dma_wait3A_313, %dma_wait3A_319] : memref<4x2x128xi32, #tpu.memory_space<vmem>> -> memref<1x1x128xi32, #tpu.memory_space<vmem>>
      %dma_wait3A_321 = tpu.memref_squeeze %dma_wait3A_320 : memref<1x1x128xi32, #tpu.memory_space<vmem>> -> memref<128xi32, #tpu.memory_space<vmem>>
      %dma_wait3A_322 = arith.constant 0 : i32
      %dma_wait3A_323 = arith.constant 0 : i32
      %dma_wait3A_324 = tpu.memref_slice %arg11[%dma_wait3A_322, %dma_wait3A_323] : memref<10240x128xf32, #tpu.memory_space<vmem_shared>> -> memref<10240x128xf32, #tpu.memory_space<vmem_shared>>
      %dma_wait3A_325 = tpu.memref_slice %arg15[%dma_wait3A_314] : memref<2x!tpu.dma_semaphore, #tpu.memory_space<semaphore_mem>> -> memref<1x!tpu.dma_semaphore, #tpu.memory_space<semaphore_mem>>
      %dma_wait3A_326 = tpu.memref_squeeze %dma_wait3A_325 : memref<1x!tpu.dma_semaphore, #tpu.memory_space<semaphore_mem>> -> memref<!tpu.dma_semaphore, #tpu.memory_space<semaphore_mem>>
      tpu.wait_indirect_dma semaphore(%dma_wait3A_326 : memref<!tpu.dma_semaphore, #tpu.memory_space<semaphore_mem>>) src(%dma_wait3A_318 : memref<128x128xf32, #tpu.memory_space<vmem>>) dst(%dma_wait3A_324 : memref<10240x128xf32, #tpu.memory_space<vmem_shared>>)
      %lt3A = arith.constant 80 : i32
      %lt3A_327 = arith.cmpi slt, %add3A_310, %lt3A : i32
      %convert_element_type3A_328 = arith.extui %lt3A_327 : i1 to i32
      %cond3A_329 = arith.constant 0 : i32
      %cond3A_330 = arith.cmpi ne, %convert_element_type3A_328, %cond3A_329 : i32
      scf.if %cond3A_330 {
        %add3A_512 = arith.addi %mul3A_2, %add3A_310 : i32
        %dma_start3A_513 = arith.constant 0 : i32
        %dma_start3A_514 = arith.constant 0 : i32
        %dma_start3A_515 = arith.constant 0 : i32
        %dma_start3A_516 = arith.constant 0 : i32
        %dma_start3A_517 = tpu.memref_slice %arg8[%dma_start3A_513, %dma_start3A_515, %dma_start3A_516] : memref<4x2x128xi32, #tpu.memory_space<vmem>> -> memref<1x2x128xi32, #tpu.memory_space<vmem>>
        %dma_start3A_518 = tpu.memref_squeeze %dma_start3A_517 : memref<1x2x128xi32, #tpu.memory_space<vmem>> -> memref<2x128xi32, #tpu.memory_space<vmem>>
        %dma_start3A_519 = arith.constant 0 : i32
        %dma_start3A_520 = arith.constant 0 : i32
        %dma_start3A_521 = tpu.memref_slice %arg3[%add3A_512, %dma_start3A_519, %dma_start3A_520] : memref<1280x2x128xi32, #tpu.memory_space<hbm>> -> memref<1x2x128xi32, #tpu.memory_space<hbm>>
        %dma_start3A_522 = tpu.memref_squeeze %dma_start3A_521 : memref<1x2x128xi32, #tpu.memory_space<hbm>> -> memref<2x128xi32, #tpu.memory_space<hbm>>
        %dma_start3A_523 = tpu.memref_slice %arg13[%dma_start3A_514] : memref<4x!tpu.dma_semaphore, #tpu.memory_space<semaphore_mem>> -> memref<1x!tpu.dma_semaphore, #tpu.memory_space<semaphore_mem>>
        %dma_start3A_524 = tpu.memref_squeeze %dma_start3A_523 : memref<1x!tpu.dma_semaphore, #tpu.memory_space<semaphore_mem>> -> memref<!tpu.dma_semaphore, #tpu.memory_space<semaphore_mem>>
        %dma_start3A_525 = arith.constant 0 : i32
        %dma_start3A_526 = arith.constant 0 : i32
        %dma_start3A_527 = tpu.memref_slice %arg8[%dma_start3A_513, %dma_start3A_525, %dma_start3A_526] : memref<4x2x128xi32, #tpu.memory_space<vmem>> -> memref<1x2x128xi32, #tpu.memory_space<vmem>>
        %dma_start3A_528 = tpu.memref_squeeze %dma_start3A_527 : memref<1x2x128xi32, #tpu.memory_space<vmem>> -> memref<2x128xi32, #tpu.memory_space<vmem>>
        %dma_start3A_529 = arith.constant 0 : i32
        %dma_start3A_530 = arith.constant 0 : i32
        %dma_start3A_531 = tpu.memref_slice %arg3[%add3A_512, %dma_start3A_529, %dma_start3A_530] : memref<1280x2x128xi32, #tpu.memory_space<hbm>> -> memref<1x2x128xi32, #tpu.memory_space<hbm>>
        %dma_start3A_532 = tpu.memref_squeeze %dma_start3A_531 : memref<1x2x128xi32, #tpu.memory_space<hbm>> -> memref<2x128xi32, #tpu.memory_space<hbm>>
        tpu.enqueue_dma source(%dma_start3A_532 : memref<2x128xi32, #tpu.memory_space<hbm>>) target(%dma_start3A_528 : memref<2x128xi32, #tpu.memory_space<vmem>>) target_semaphore(%dma_start3A_524 : memref<!tpu.dma_semaphore, #tpu.memory_space<semaphore_mem>>)
      } else {
      }
      %dma_wait3A_331 = arith.constant 2 : i32
      %dma_wait3A_332 = arith.constant 2 : i32
      %dma_wait3A_333 = arith.constant 0 : i32
      %dma_wait3A_334 = arith.constant 0 : i32
      %dma_wait3A_335 = tpu.memref_slice %arg8[%dma_wait3A_331, %dma_wait3A_333, %dma_wait3A_334] : memref<4x2x128xi32, #tpu.memory_space<vmem>> -> memref<1x2x128xi32, #tpu.memory_space<vmem>>
      %dma_wait3A_336 = tpu.memref_squeeze %dma_wait3A_335 : memref<1x2x128xi32, #tpu.memory_space<vmem>> -> memref<2x128xi32, #tpu.memory_space<vmem>>
      %dma_wait3A_337 = arith.constant 0 : i32
      %dma_wait3A_338 = arith.constant 0 : i32
      %dma_wait3A_339 = tpu.memref_slice %arg3[%mul3A_2, %dma_wait3A_337, %dma_wait3A_338] : memref<1280x2x128xi32, #tpu.memory_space<hbm>> -> memref<1x2x128xi32, #tpu.memory_space<hbm>>
      %dma_wait3A_340 = tpu.memref_squeeze %dma_wait3A_339 : memref<1x2x128xi32, #tpu.memory_space<hbm>> -> memref<2x128xi32, #tpu.memory_space<hbm>>
      %dma_wait3A_341 = tpu.memref_slice %arg13[%dma_wait3A_332] : memref<4x!tpu.dma_semaphore, #tpu.memory_space<semaphore_mem>> -> memref<1x!tpu.dma_semaphore, #tpu.memory_space<semaphore_mem>>
      %dma_wait3A_342 = tpu.memref_squeeze %dma_wait3A_341 : memref<1x!tpu.dma_semaphore, #tpu.memory_space<semaphore_mem>> -> memref<!tpu.dma_semaphore, #tpu.memory_space<semaphore_mem>>
      %dma_wait3A_343 = arith.constant 0 : i32
      %dma_wait3A_344 = arith.constant 0 : i32
      %dma_wait3A_345 = tpu.memref_slice %arg8[%dma_wait3A_331, %dma_wait3A_343, %dma_wait3A_344] : memref<4x2x128xi32, #tpu.memory_space<vmem>> -> memref<1x2x128xi32, #tpu.memory_space<vmem>>
      %dma_wait3A_346 = tpu.memref_squeeze %dma_wait3A_345 : memref<1x2x128xi32, #tpu.memory_space<vmem>> -> memref<2x128xi32, #tpu.memory_space<vmem>>
      %dma_wait3A_347 = arith.constant 0 : i32
      %dma_wait3A_348 = arith.constant 0 : i32
      %dma_wait3A_349 = tpu.memref_slice %arg3[%mul3A_2, %dma_wait3A_347, %dma_wait3A_348] : memref<1280x2x128xi32, #tpu.memory_space<hbm>> -> memref<1x2x128xi32, #tpu.memory_space<hbm>>
      %dma_wait3A_350 = tpu.memref_squeeze %dma_wait3A_349 : memref<1x2x128xi32, #tpu.memory_space<hbm>> -> memref<2x128xi32, #tpu.memory_space<hbm>>
      tpu.wait_dma2 semaphore(%dma_wait3A_342 : memref<!tpu.dma_semaphore, #tpu.memory_space<semaphore_mem>>) src(%dma_wait3A_350 : memref<2x128xi32, #tpu.memory_space<hbm>>) dst(%dma_wait3A_346 : memref<2x128xi32, #tpu.memory_space<vmem>>)
      %dma_start3A_351 = arith.constant 2 : i32
      %dma_start3A_352 = arith.constant 0 : i32
      %dma_start3A_353 = arith.constant 0 : i32
      %dma_start3A_354 = arith.constant 0 : i32
      %dma_start3A_355 = arith.constant 0 : i32
      %dma_start3A_356 = arith.constant 0 : i32
      %dma_start3A_357 = tpu.memref_slice %arg9[%dma_start3A_353, %dma_start3A_355, %dma_start3A_356] : memref<2x128x128xf32, #tpu.memory_space<vmem>> -> memref<1x128x128xf32, #tpu.memory_space<vmem>>
      %dma_start3A_358 = tpu.memref_squeeze %dma_start3A_357 : memref<1x128x128xf32, #tpu.memory_space<vmem>> -> memref<128x128xf32, #tpu.memory_space<vmem>>
      %dma_start3A_359 = arith.constant 0 : i32
      %dma_start3A_360 = tpu.memref_slice %arg8[%dma_start3A_351, %dma_start3A_352, %dma_start3A_359] : memref<4x2x128xi32, #tpu.memory_space<vmem>> -> memref<1x1x128xi32, #tpu.memory_space<vmem>>
      %dma_start3A_361 = tpu.memref_squeeze %dma_start3A_360 : memref<1x1x128xi32, #tpu.memory_space<vmem>> -> memref<128xi32, #tpu.memory_space<vmem>>
      %dma_start3A_362 = arith.constant 0 : i32
      %dma_start3A_363 = arith.constant 0 : i32
      %dma_start3A_364 = tpu.memref_slice %arg2[%add3A_3, %dma_start3A_362, %dma_start3A_363] : memref<2x10240x128xf32, #tpu.memory_space<hbm>> -> memref<1x10240x128xf32, #tpu.memory_space<hbm>>
      %dma_start3A_365 = tpu.memref_squeeze %dma_start3A_364 : memref<1x10240x128xf32, #tpu.memory_space<hbm>> -> memref<10240x128xf32, #tpu.memory_space<hbm>>
      %dma_start3A_366 = arith.constant 0 : i32
      %dma_start3A_367 = arith.constant 0 : i32
      %dma_start3A_368 = tpu.memref_slice %dma_start3A_365[%dma_start3A_366, %dma_start3A_367] : memref<10240x128xf32, #tpu.memory_space<hbm>> -> memref<10240x128xf32, #tpu.memory_space<hbm>>
      %dma_start3A_369 = tpu.memref_slice %arg14[%dma_start3A_354] : memref<2x!tpu.dma_semaphore, #tpu.memory_space<semaphore_mem>> -> memref<1x!tpu.dma_semaphore, #tpu.memory_space<semaphore_mem>>
      %dma_start3A_370 = tpu.memref_squeeze %dma_start3A_369 : memref<1x!tpu.dma_semaphore, #tpu.memory_space<semaphore_mem>> -> memref<!tpu.dma_semaphore, #tpu.memory_space<semaphore_mem>>
      tpu.enqueue_indirect_dma source(%dma_start3A_368 : memref<10240x128xf32, #tpu.memory_space<hbm>>) target(%dma_start3A_358 : memref<128x128xf32, #tpu.memory_space<vmem>>) offsets(%dma_start3A_361 : memref<128xi32, #tpu.memory_space<vmem>>) semaphore(%dma_start3A_370 : memref<!tpu.dma_semaphore, #tpu.memory_space<semaphore_mem>>)
      %mul3A_371 = arith.constant 4 : i32
      %mul3A_372 = arith.muli %mul3A_371, %scan3A_127 : i32
      %add3A_373 = arith.constant 2 : i32
      %add3A_374 = arith.addi %mul3A_372, %add3A_373 : i32
      %add3A_375 = arith.constant 2 : i32
      %add3A_376 = arith.addi %add3A_374, %add3A_375 : i32
      %add3A_377 = arith.constant 1 : i32
      %add3A_378 = arith.addi %add3A_376, %add3A_377 : i32
      %dma_wait3A_379 = arith.constant 1 : i32
      %dma_wait3A_380 = arith.constant 3 : i32
      %dma_wait3A_381 = arith.constant 1 : i32
      %dma_wait3A_382 = arith.constant 1 : i32
      %dma_wait3A_383 = arith.constant 0 : i32
      %dma_wait3A_384 = arith.constant 0 : i32
      %dma_wait3A_385 = tpu.memref_slice %arg9[%dma_wait3A_379, %dma_wait3A_383, %dma_wait3A_384] : memref<2x128x128xf32, #tpu.memory_space<vmem>> -> memref<1x128x128xf32, #tpu.memory_space<vmem>>
      %dma_wait3A_386 = tpu.memref_squeeze %dma_wait3A_385 : memref<1x128x128xf32, #tpu.memory_space<vmem>> -> memref<128x128xf32, #tpu.memory_space<vmem>>
      %dma_wait3A_387 = arith.constant 0 : i32
      %dma_wait3A_388 = tpu.memref_slice %arg8[%dma_wait3A_380, %dma_wait3A_381, %dma_wait3A_387] : memref<4x2x128xi32, #tpu.memory_space<vmem>> -> memref<1x1x128xi32, #tpu.memory_space<vmem>>
      %dma_wait3A_389 = tpu.memref_squeeze %dma_wait3A_388 : memref<1x1x128xi32, #tpu.memory_space<vmem>> -> memref<128xi32, #tpu.memory_space<vmem>>
      %dma_wait3A_390 = arith.constant 0 : i32
      %dma_wait3A_391 = arith.constant 0 : i32
      %dma_wait3A_392 = tpu.memref_slice %arg11[%dma_wait3A_390, %dma_wait3A_391] : memref<10240x128xf32, #tpu.memory_space<vmem_shared>> -> memref<10240x128xf32, #tpu.memory_space<vmem_shared>>
      %dma_wait3A_393 = tpu.memref_slice %arg15[%dma_wait3A_382] : memref<2x!tpu.dma_semaphore, #tpu.memory_space<semaphore_mem>> -> memref<1x!tpu.dma_semaphore, #tpu.memory_space<semaphore_mem>>
      %dma_wait3A_394 = tpu.memref_squeeze %dma_wait3A_393 : memref<1x!tpu.dma_semaphore, #tpu.memory_space<semaphore_mem>> -> memref<!tpu.dma_semaphore, #tpu.memory_space<semaphore_mem>>
      tpu.wait_indirect_dma semaphore(%dma_wait3A_394 : memref<!tpu.dma_semaphore, #tpu.memory_space<semaphore_mem>>) src(%dma_wait3A_386 : memref<128x128xf32, #tpu.memory_space<vmem>>) dst(%dma_wait3A_392 : memref<10240x128xf32, #tpu.memory_space<vmem_shared>>)
      %lt3A_395 = arith.constant 80 : i32
      %lt3A_396 = arith.cmpi slt, %add3A_378, %lt3A_395 : i32
      %convert_element_type3A_397 = arith.extui %lt3A_396 : i1 to i32
      %cond3A_398 = arith.constant 0 : i32
      %cond3A_399 = arith.cmpi ne, %convert_element_type3A_397, %cond3A_398 : i32
      scf.if %cond3A_399 {
        %add3A_512 = arith.addi %mul3A_2, %add3A_378 : i32
        %dma_start3A_513 = arith.constant 1 : i32
        %dma_start3A_514 = arith.constant 1 : i32
        %dma_start3A_515 = arith.constant 0 : i32
        %dma_start3A_516 = arith.constant 0 : i32
        %dma_start3A_517 = tpu.memref_slice %arg8[%dma_start3A_513, %dma_start3A_515, %dma_start3A_516] : memref<4x2x128xi32, #tpu.memory_space<vmem>> -> memref<1x2x128xi32, #tpu.memory_space<vmem>>
        %dma_start3A_518 = tpu.memref_squeeze %dma_start3A_517 : memref<1x2x128xi32, #tpu.memory_space<vmem>> -> memref<2x128xi32, #tpu.memory_space<vmem>>
        %dma_start3A_519 = arith.constant 0 : i32
        %dma_start3A_520 = arith.constant 0 : i32
        %dma_start3A_521 = tpu.memref_slice %arg3[%add3A_512, %dma_start3A_519, %dma_start3A_520] : memref<1280x2x128xi32, #tpu.memory_space<hbm>> -> memref<1x2x128xi32, #tpu.memory_space<hbm>>
        %dma_start3A_522 = tpu.memref_squeeze %dma_start3A_521 : memref<1x2x128xi32, #tpu.memory_space<hbm>> -> memref<2x128xi32, #tpu.memory_space<hbm>>
        %dma_start3A_523 = tpu.memref_slice %arg13[%dma_start3A_514] : memref<4x!tpu.dma_semaphore, #tpu.memory_space<semaphore_mem>> -> memref<1x!tpu.dma_semaphore, #tpu.memory_space<semaphore_mem>>
        %dma_start3A_524 = tpu.memref_squeeze %dma_start3A_523 : memref<1x!tpu.dma_semaphore, #tpu.memory_space<semaphore_mem>> -> memref<!tpu.dma_semaphore, #tpu.memory_space<semaphore_mem>>
        %dma_start3A_525 = arith.constant 0 : i32
        %dma_start3A_526 = arith.constant 0 : i32
        %dma_start3A_527 = tpu.memref_slice %arg8[%dma_start3A_513, %dma_start3A_525, %dma_start3A_526] : memref<4x2x128xi32, #tpu.memory_space<vmem>> -> memref<1x2x128xi32, #tpu.memory_space<vmem>>
        %dma_start3A_528 = tpu.memref_squeeze %dma_start3A_527 : memref<1x2x128xi32, #tpu.memory_space<vmem>> -> memref<2x128xi32, #tpu.memory_space<vmem>>
        %dma_start3A_529 = arith.constant 0 : i32
        %dma_start3A_530 = arith.constant 0 : i32
        %dma_start3A_531 = tpu.memref_slice %arg3[%add3A_512, %dma_start3A_529, %dma_start3A_530] : memref<1280x2x128xi32, #tpu.memory_space<hbm>> -> memref<1x2x128xi32, #tpu.memory_space<hbm>>
        %dma_start3A_532 = tpu.memref_squeeze %dma_start3A_531 : memref<1x2x128xi32, #tpu.memory_space<hbm>> -> memref<2x128xi32, #tpu.memory_space<hbm>>
        tpu.enqueue_dma source(%dma_start3A_532 : memref<2x128xi32, #tpu.memory_space<hbm>>) target(%dma_start3A_528 : memref<2x128xi32, #tpu.memory_space<vmem>>) target_semaphore(%dma_start3A_524 : memref<!tpu.dma_semaphore, #tpu.memory_space<semaphore_mem>>)
      } else {
      }
      %dma_wait3A_400 = arith.constant 3 : i32
      %dma_wait3A_401 = arith.constant 3 : i32
      %dma_wait3A_402 = arith.constant 0 : i32
      %dma_wait3A_403 = arith.constant 0 : i32
      %dma_wait3A_404 = tpu.memref_slice %arg8[%dma_wait3A_400, %dma_wait3A_402, %dma_wait3A_403] : memref<4x2x128xi32, #tpu.memory_space<vmem>> -> memref<1x2x128xi32, #tpu.memory_space<vmem>>
      %dma_wait3A_405 = tpu.memref_squeeze %dma_wait3A_404 : memref<1x2x128xi32, #tpu.memory_space<vmem>> -> memref<2x128xi32, #tpu.memory_space<vmem>>
      %dma_wait3A_406 = arith.constant 0 : i32
      %dma_wait3A_407 = arith.constant 0 : i32
      %dma_wait3A_408 = tpu.memref_slice %arg3[%mul3A_2, %dma_wait3A_406, %dma_wait3A_407] : memref<1280x2x128xi32, #tpu.memory_space<hbm>> -> memref<1x2x128xi32, #tpu.memory_space<hbm>>
      %dma_wait3A_409 = tpu.memref_squeeze %dma_wait3A_408 : memref<1x2x128xi32, #tpu.memory_space<hbm>> -> memref<2x128xi32, #tpu.memory_space<hbm>>
      %dma_wait3A_410 = tpu.memref_slice %arg13[%dma_wait3A_401] : memref<4x!tpu.dma_semaphore, #tpu.memory_space<semaphore_mem>> -> memref<1x!tpu.dma_semaphore, #tpu.memory_space<semaphore_mem>>
      %dma_wait3A_411 = tpu.memref_squeeze %dma_wait3A_410 : memref<1x!tpu.dma_semaphore, #tpu.memory_space<semaphore_mem>> -> memref<!tpu.dma_semaphore, #tpu.memory_space<semaphore_mem>>
      %dma_wait3A_412 = arith.constant 0 : i32
      %dma_wait3A_413 = arith.constant 0 : i32
      %dma_wait3A_414 = tpu.memref_slice %arg8[%dma_wait3A_400, %dma_wait3A_412, %dma_wait3A_413] : memref<4x2x128xi32, #tpu.memory_space<vmem>> -> memref<1x2x128xi32, #tpu.memory_space<vmem>>
      %dma_wait3A_415 = tpu.memref_squeeze %dma_wait3A_414 : memref<1x2x128xi32, #tpu.memory_space<vmem>> -> memref<2x128xi32, #tpu.memory_space<vmem>>
      %dma_wait3A_416 = arith.constant 0 : i32
      %dma_wait3A_417 = arith.constant 0 : i32
      %dma_wait3A_418 = tpu.memref_slice %arg3[%mul3A_2, %dma_wait3A_416, %dma_wait3A_417] : memref<1280x2x128xi32, #tpu.memory_space<hbm>> -> memref<1x2x128xi32, #tpu.memory_space<hbm>>
      %dma_wait3A_419 = tpu.memref_squeeze %dma_wait3A_418 : memref<1x2x128xi32, #tpu.memory_space<hbm>> -> memref<2x128xi32, #tpu.memory_space<hbm>>
      tpu.wait_dma2 semaphore(%dma_wait3A_411 : memref<!tpu.dma_semaphore, #tpu.memory_space<semaphore_mem>>) src(%dma_wait3A_419 : memref<2x128xi32, #tpu.memory_space<hbm>>) dst(%dma_wait3A_415 : memref<2x128xi32, #tpu.memory_space<vmem>>)
      %dma_start3A_420 = arith.constant 3 : i32
      %dma_start3A_421 = arith.constant 0 : i32
      %dma_start3A_422 = arith.constant 1 : i32
      %dma_start3A_423 = arith.constant 1 : i32
      %dma_start3A_424 = arith.constant 0 : i32
      %dma_start3A_425 = arith.constant 0 : i32
      %dma_start3A_426 = tpu.memref_slice %arg9[%dma_start3A_422, %dma_start3A_424, %dma_start3A_425] : memref<2x128x128xf32, #tpu.memory_space<vmem>> -> memref<1x128x128xf32, #tpu.memory_space<vmem>>
      %dma_start3A_427 = tpu.memref_squeeze %dma_start3A_426 : memref<1x128x128xf32, #tpu.memory_space<vmem>> -> memref<128x128xf32, #tpu.memory_space<vmem>>
      %dma_start3A_428 = arith.constant 0 : i32
      %dma_start3A_429 = tpu.memref_slice %arg8[%dma_start3A_420, %dma_start3A_421, %dma_start3A_428] : memref<4x2x128xi32, #tpu.memory_space<vmem>> -> memref<1x1x128xi32, #tpu.memory_space<vmem>>
      %dma_start3A_430 = tpu.memref_squeeze %dma_start3A_429 : memref<1x1x128xi32, #tpu.memory_space<vmem>> -> memref<128xi32, #tpu.memory_space<vmem>>
      %dma_start3A_431 = arith.constant 0 : i32
      %dma_start3A_432 = arith.constant 0 : i32
      %dma_start3A_433 = tpu.memref_slice %arg2[%add3A_3, %dma_start3A_431, %dma_start3A_432] : memref<2x10240x128xf32, #tpu.memory_space<hbm>> -> memref<1x10240x128xf32, #tpu.memory_space<hbm>>
      %dma_start3A_434 = tpu.memref_squeeze %dma_start3A_433 : memref<1x10240x128xf32, #tpu.memory_space<hbm>> -> memref<10240x128xf32, #tpu.memory_space<hbm>>
      %dma_start3A_435 = arith.constant 0 : i32
      %dma_start3A_436 = arith.constant 0 : i32
      %dma_start3A_437 = tpu.memref_slice %dma_start3A_434[%dma_start3A_435, %dma_start3A_436] : memref<10240x128xf32, #tpu.memory_space<hbm>> -> memref<10240x128xf32, #tpu.memory_space<hbm>>
      %dma_start3A_438 = tpu.memref_slice %arg14[%dma_start3A_423] : memref<2x!tpu.dma_semaphore, #tpu.memory_space<semaphore_mem>> -> memref<1x!tpu.dma_semaphore, #tpu.memory_space<semaphore_mem>>
      %dma_start3A_439 = tpu.memref_squeeze %dma_start3A_438 : memref<1x!tpu.dma_semaphore, #tpu.memory_space<semaphore_mem>> -> memref<!tpu.dma_semaphore, #tpu.memory_space<semaphore_mem>>
      tpu.enqueue_indirect_dma source(%dma_start3A_437 : memref<10240x128xf32, #tpu.memory_space<hbm>>) target(%dma_start3A_427 : memref<128x128xf32, #tpu.memory_space<vmem>>) offsets(%dma_start3A_430 : memref<128xi32, #tpu.memory_space<vmem>>) semaphore(%dma_start3A_439 : memref<!tpu.dma_semaphore, #tpu.memory_space<semaphore_mem>>)
      %dma_wait3A_440 = arith.constant 2 : i32
      %dma_wait3A_441 = arith.constant 0 : i32
      %dma_wait3A_442 = arith.constant 0 : i32
      %dma_wait3A_443 = arith.constant 0 : i32
      %dma_wait3A_444 = arith.constant 0 : i32
      %dma_wait3A_445 = arith.constant 0 : i32
      %dma_wait3A_446 = tpu.memref_slice %arg9[%dma_wait3A_442, %dma_wait3A_444, %dma_wait3A_445] : memref<2x128x128xf32, #tpu.memory_space<vmem>> -> memref<1x128x128xf32, #tpu.memory_space<vmem>>
      %dma_wait3A_447 = tpu.memref_squeeze %dma_wait3A_446 : memref<1x128x128xf32, #tpu.memory_space<vmem>> -> memref<128x128xf32, #tpu.memory_space<vmem>>
      %dma_wait3A_448 = arith.constant 0 : i32
      %dma_wait3A_449 = tpu.memref_slice %arg8[%dma_wait3A_440, %dma_wait3A_441, %dma_wait3A_448] : memref<4x2x128xi32, #tpu.memory_space<vmem>> -> memref<1x1x128xi32, #tpu.memory_space<vmem>>
      %dma_wait3A_450 = tpu.memref_squeeze %dma_wait3A_449 : memref<1x1x128xi32, #tpu.memory_space<vmem>> -> memref<128xi32, #tpu.memory_space<vmem>>
      %dma_wait3A_451 = arith.constant 0 : i32
      %dma_wait3A_452 = arith.constant 0 : i32
      %dma_wait3A_453 = tpu.memref_slice %arg2[%add3A_3, %dma_wait3A_451, %dma_wait3A_452] : memref<2x10240x128xf32, #tpu.memory_space<hbm>> -> memref<1x10240x128xf32, #tpu.memory_space<hbm>>
      %dma_wait3A_454 = tpu.memref_squeeze %dma_wait3A_453 : memref<1x10240x128xf32, #tpu.memory_space<hbm>> -> memref<10240x128xf32, #tpu.memory_space<hbm>>
      %dma_wait3A_455 = arith.constant 0 : i32
      %dma_wait3A_456 = arith.constant 0 : i32
      %dma_wait3A_457 = tpu.memref_slice %dma_wait3A_454[%dma_wait3A_455, %dma_wait3A_456] : memref<10240x128xf32, #tpu.memory_space<hbm>> -> memref<10240x128xf32, #tpu.memory_space<hbm>>
      %dma_wait3A_458 = tpu.memref_slice %arg14[%dma_wait3A_443] : memref<2x!tpu.dma_semaphore, #tpu.memory_space<semaphore_mem>> -> memref<1x!tpu.dma_semaphore, #tpu.memory_space<semaphore_mem>>
      %dma_wait3A_459 = tpu.memref_squeeze %dma_wait3A_458 : memref<1x!tpu.dma_semaphore, #tpu.memory_space<semaphore_mem>> -> memref<!tpu.dma_semaphore, #tpu.memory_space<semaphore_mem>>
      tpu.wait_indirect_dma semaphore(%dma_wait3A_459 : memref<!tpu.dma_semaphore, #tpu.memory_space<semaphore_mem>>) src(%dma_wait3A_457 : memref<10240x128xf32, #tpu.memory_space<hbm>>) dst(%dma_wait3A_447 : memref<128x128xf32, #tpu.memory_space<vmem>>)
      %dma_start3A_460 = arith.constant 0 : i32
      %dma_start3A_461 = arith.constant 2 : i32
      %dma_start3A_462 = arith.constant 1 : i32
      %dma_start3A_463 = arith.constant 0 : i32
      %dma_start3A_464 = arith.constant 0 : i32
      %dma_start3A_465 = arith.constant 0 : i32
      %dma_start3A_466 = tpu.memref_slice %arg9[%dma_start3A_460, %dma_start3A_464, %dma_start3A_465] : memref<2x128x128xf32, #tpu.memory_space<vmem>> -> memref<1x128x128xf32, #tpu.memory_space<vmem>>
      %dma_start3A_467 = tpu.memref_squeeze %dma_start3A_466 : memref<1x128x128xf32, #tpu.memory_space<vmem>> -> memref<128x128xf32, #tpu.memory_space<vmem>>
      %dma_start3A_468 = arith.constant 0 : i32
      %dma_start3A_469 = tpu.memref_slice %arg8[%dma_start3A_461, %dma_start3A_462, %dma_start3A_468] : memref<4x2x128xi32, #tpu.memory_space<vmem>> -> memref<1x1x128xi32, #tpu.memory_space<vmem>>
      %dma_start3A_470 = tpu.memref_squeeze %dma_start3A_469 : memref<1x1x128xi32, #tpu.memory_space<vmem>> -> memref<128xi32, #tpu.memory_space<vmem>>
      %dma_start3A_471 = arith.constant 0 : i32
      %dma_start3A_472 = arith.constant 0 : i32
      %dma_start3A_473 = tpu.memref_slice %arg11[%dma_start3A_471, %dma_start3A_472] : memref<10240x128xf32, #tpu.memory_space<vmem_shared>> -> memref<10240x128xf32, #tpu.memory_space<vmem_shared>>
      %dma_start3A_474 = tpu.memref_slice %arg15[%dma_start3A_463] : memref<2x!tpu.dma_semaphore, #tpu.memory_space<semaphore_mem>> -> memref<1x!tpu.dma_semaphore, #tpu.memory_space<semaphore_mem>>
      %dma_start3A_475 = tpu.memref_squeeze %dma_start3A_474 : memref<1x!tpu.dma_semaphore, #tpu.memory_space<semaphore_mem>> -> memref<!tpu.dma_semaphore, #tpu.memory_space<semaphore_mem>>
      tpu.enqueue_indirect_dma source(%dma_start3A_467 : memref<128x128xf32, #tpu.memory_space<vmem>>) target(%dma_start3A_473 : memref<10240x128xf32, #tpu.memory_space<vmem_shared>>) offsets(%dma_start3A_470 : memref<128xi32, #tpu.memory_space<vmem>>) semaphore(%dma_start3A_475 : memref<!tpu.dma_semaphore, #tpu.memory_space<semaphore_mem>>) {add = true}
      %dma_wait3A_476 = arith.constant 3 : i32
      %dma_wait3A_477 = arith.constant 0 : i32
      %dma_wait3A_478 = arith.constant 1 : i32
      %dma_wait3A_479 = arith.constant 1 : i32
      %dma_wait3A_480 = arith.constant 0 : i32
      %dma_wait3A_481 = arith.constant 0 : i32
      %dma_wait3A_482 = tpu.memref_slice %arg9[%dma_wait3A_478, %dma_wait3A_480, %dma_wait3A_481] : memref<2x128x128xf32, #tpu.memory_space<vmem>> -> memref<1x128x128xf32, #tpu.memory_space<vmem>>
      %dma_wait3A_483 = tpu.memref_squeeze %dma_wait3A_482 : memref<1x128x128xf32, #tpu.memory_space<vmem>> -> memref<128x128xf32, #tpu.memory_space<vmem>>
      %dma_wait3A_484 = arith.constant 0 : i32
      %dma_wait3A_485 = tpu.memref_slice %arg8[%dma_wait3A_476, %dma_wait3A_477, %dma_wait3A_484] : memref<4x2x128xi32, #tpu.memory_space<vmem>> -> memref<1x1x128xi32, #tpu.memory_space<vmem>>
      %dma_wait3A_486 = tpu.memref_squeeze %dma_wait3A_485 : memref<1x1x128xi32, #tpu.memory_space<vmem>> -> memref<128xi32, #tpu.memory_space<vmem>>
      %dma_wait3A_487 = arith.constant 0 : i32
      %dma_wait3A_488 = arith.constant 0 : i32
      %dma_wait3A_489 = tpu.memref_slice %arg2[%add3A_3, %dma_wait3A_487, %dma_wait3A_488] : memref<2x10240x128xf32, #tpu.memory_space<hbm>> -> memref<1x10240x128xf32, #tpu.memory_space<hbm>>
      %dma_wait3A_490 = tpu.memref_squeeze %dma_wait3A_489 : memref<1x10240x128xf32, #tpu.memory_space<hbm>> -> memref<10240x128xf32, #tpu.memory_space<hbm>>
      %dma_wait3A_491 = arith.constant 0 : i32
      %dma_wait3A_492 = arith.constant 0 : i32
      %dma_wait3A_493 = tpu.memref_slice %dma_wait3A_490[%dma_wait3A_491, %dma_wait3A_492] : memref<10240x128xf32, #tpu.memory_space<hbm>> -> memref<10240x128xf32, #tpu.memory_space<hbm>>
      %dma_wait3A_494 = tpu.memref_slice %arg14[%dma_wait3A_479] : memref<2x!tpu.dma_semaphore, #tpu.memory_space<semaphore_mem>> -> memref<1x!tpu.dma_semaphore, #tpu.memory_space<semaphore_mem>>
      %dma_wait3A_495 = tpu.memref_squeeze %dma_wait3A_494 : memref<1x!tpu.dma_semaphore, #tpu.memory_space<semaphore_mem>> -> memref<!tpu.dma_semaphore, #tpu.memory_space<semaphore_mem>>
      tpu.wait_indirect_dma semaphore(%dma_wait3A_495 : memref<!tpu.dma_semaphore, #tpu.memory_space<semaphore_mem>>) src(%dma_wait3A_493 : memref<10240x128xf32, #tpu.memory_space<hbm>>) dst(%dma_wait3A_483 : memref<128x128xf32, #tpu.memory_space<vmem>>)
      %dma_start3A_496 = arith.constant 1 : i32
      %dma_start3A_497 = arith.constant 3 : i32
      %dma_start3A_498 = arith.constant 1 : i32
      %dma_start3A_499 = arith.constant 1 : i32
      %dma_start3A_500 = arith.constant 0 : i32
      %dma_start3A_501 = arith.constant 0 : i32
      %dma_start3A_502 = tpu.memref_slice %arg9[%dma_start3A_496, %dma_start3A_500, %dma_start3A_501] : memref<2x128x128xf32, #tpu.memory_space<vmem>> -> memref<1x128x128xf32, #tpu.memory_space<vmem>>
      %dma_start3A_503 = tpu.memref_squeeze %dma_start3A_502 : memref<1x128x128xf32, #tpu.memory_space<vmem>> -> memref<128x128xf32, #tpu.memory_space<vmem>>
      %dma_start3A_504 = arith.constant 0 : i32
      %dma_start3A_505 = tpu.memref_slice %arg8[%dma_start3A_497, %dma_start3A_498, %dma_start3A_504] : memref<4x2x128xi32, #tpu.memory_space<vmem>> -> memref<1x1x128xi32, #tpu.memory_space<vmem>>
      %dma_start3A_506 = tpu.memref_squeeze %dma_start3A_505 : memref<1x1x128xi32, #tpu.memory_space<vmem>> -> memref<128xi32, #tpu.memory_space<vmem>>
      %dma_start3A_507 = arith.constant 0 : i32
      %dma_start3A_508 = arith.constant 0 : i32
      %dma_start3A_509 = tpu.memref_slice %arg11[%dma_start3A_507, %dma_start3A_508] : memref<10240x128xf32, #tpu.memory_space<vmem_shared>> -> memref<10240x128xf32, #tpu.memory_space<vmem_shared>>
      %dma_start3A_510 = tpu.memref_slice %arg15[%dma_start3A_499] : memref<2x!tpu.dma_semaphore, #tpu.memory_space<semaphore_mem>> -> memref<1x!tpu.dma_semaphore, #tpu.memory_space<semaphore_mem>>
      %dma_start3A_511 = tpu.memref_squeeze %dma_start3A_510 : memref<1x!tpu.dma_semaphore, #tpu.memory_space<semaphore_mem>> -> memref<!tpu.dma_semaphore, #tpu.memory_space<semaphore_mem>>
      tpu.enqueue_indirect_dma source(%dma_start3A_503 : memref<128x128xf32, #tpu.memory_space<vmem>>) target(%dma_start3A_509 : memref<10240x128xf32, #tpu.memory_space<vmem_shared>>) offsets(%dma_start3A_506 : memref<128xi32, #tpu.memory_space<vmem>>) semaphore(%dma_start3A_511 : memref<!tpu.dma_semaphore, #tpu.memory_space<semaphore_mem>>) {add = true}
    }
    %scan3A_94 = arith.constant 20 : i32
    %dma_wait3A = arith.constant 0 : i32
    %dma_wait3A_95 = arith.constant 2 : i32
    %dma_wait3A_96 = arith.constant 1 : i32
    %dma_wait3A_97 = arith.constant 0 : i32
    %dma_wait3A_98 = arith.constant 0 : i32
    %dma_wait3A_99 = arith.constant 0 : i32
    %dma_wait3A_100 = tpu.memref_slice %arg9[%dma_wait3A, %dma_wait3A_98, %dma_wait3A_99] : memref<2x128x128xf32, #tpu.memory_space<vmem>> -> memref<1x128x128xf32, #tpu.memory_space<vmem>>
    %dma_wait3A_101 = tpu.memref_squeeze %dma_wait3A_100 : memref<1x128x128xf32, #tpu.memory_space<vmem>> -> memref<128x128xf32, #tpu.memory_space<vmem>>
    %dma_wait3A_102 = arith.constant 0 : i32
    %dma_wait3A_103 = tpu.memref_slice %arg8[%dma_wait3A_95, %dma_wait3A_96, %dma_wait3A_102] : memref<4x2x128xi32, #tpu.memory_space<vmem>> -> memref<1x1x128xi32, #tpu.memory_space<vmem>>
    %dma_wait3A_104 = tpu.memref_squeeze %dma_wait3A_103 : memref<1x1x128xi32, #tpu.memory_space<vmem>> -> memref<128xi32, #tpu.memory_space<vmem>>
    %dma_wait3A_105 = arith.constant 0 : i32
    %dma_wait3A_106 = arith.constant 0 : i32
    %dma_wait3A_107 = tpu.memref_slice %arg11[%dma_wait3A_105, %dma_wait3A_106] : memref<10240x128xf32, #tpu.memory_space<vmem_shared>> -> memref<10240x128xf32, #tpu.memory_space<vmem_shared>>
    %dma_wait3A_108 = tpu.memref_slice %arg15[%dma_wait3A_97] : memref<2x!tpu.dma_semaphore, #tpu.memory_space<semaphore_mem>> -> memref<1x!tpu.dma_semaphore, #tpu.memory_space<semaphore_mem>>
    %dma_wait3A_109 = tpu.memref_squeeze %dma_wait3A_108 : memref<1x!tpu.dma_semaphore, #tpu.memory_space<semaphore_mem>> -> memref<!tpu.dma_semaphore, #tpu.memory_space<semaphore_mem>>
    tpu.wait_indirect_dma semaphore(%dma_wait3A_109 : memref<!tpu.dma_semaphore, #tpu.memory_space<semaphore_mem>>) src(%dma_wait3A_101 : memref<128x128xf32, #tpu.memory_space<vmem>>) dst(%dma_wait3A_107 : memref<10240x128xf32, #tpu.memory_space<vmem_shared>>)
    %dma_wait3A_110 = arith.constant 1 : i32
    %dma_wait3A_111 = arith.constant 3 : i32
    %dma_wait3A_112 = arith.constant 1 : i32
    %dma_wait3A_113 = arith.constant 1 : i32
    %dma_wait3A_114 = arith.constant 0 : i32
    %dma_wait3A_115 = arith.constant 0 : i32
    %dma_wait3A_116 = tpu.memref_slice %arg9[%dma_wait3A_110, %dma_wait3A_114, %dma_wait3A_115] : memref<2x128x128xf32, #tpu.memory_space<vmem>> -> memref<1x128x128xf32, #tpu.memory_space<vmem>>
    %dma_wait3A_117 = tpu.memref_squeeze %dma_wait3A_116 : memref<1x128x128xf32, #tpu.memory_space<vmem>> -> memref<128x128xf32, #tpu.memory_space<vmem>>
    %dma_wait3A_118 = arith.constant 0 : i32
    %dma_wait3A_119 = tpu.memref_slice %arg8[%dma_wait3A_111, %dma_wait3A_112, %dma_wait3A_118] : memref<4x2x128xi32, #tpu.memory_space<vmem>> -> memref<1x1x128xi32, #tpu.memory_space<vmem>>
    %dma_wait3A_120 = tpu.memref_squeeze %dma_wait3A_119 : memref<1x1x128xi32, #tpu.memory_space<vmem>> -> memref<128xi32, #tpu.memory_space<vmem>>
    %dma_wait3A_121 = arith.constant 0 : i32
    %dma_wait3A_122 = arith.constant 0 : i32
    %dma_wait3A_123 = tpu.memref_slice %arg11[%dma_wait3A_121, %dma_wait3A_122] : memref<10240x128xf32, #tpu.memory_space<vmem_shared>> -> memref<10240x128xf32, #tpu.memory_space<vmem_shared>>
    %dma_wait3A_124 = tpu.memref_slice %arg15[%dma_wait3A_113] : memref<2x!tpu.dma_semaphore, #tpu.memory_space<semaphore_mem>> -> memref<1x!tpu.dma_semaphore, #tpu.memory_space<semaphore_mem>>
    %dma_wait3A_125 = tpu.memref_squeeze %dma_wait3A_124 : memref<1x!tpu.dma_semaphore, #tpu.memory_space<semaphore_mem>> -> memref<!tpu.dma_semaphore, #tpu.memory_space<semaphore_mem>>
    tpu.wait_indirect_dma semaphore(%dma_wait3A_125 : memref<!tpu.dma_semaphore, #tpu.memory_space<semaphore_mem>>) src(%dma_wait3A_117 : memref<128x128xf32, #tpu.memory_space<vmem>>) dst(%dma_wait3A_123 : memref<10240x128xf32, #tpu.memory_space<vmem_shared>>)
    %barrier3A_126 = arith.constant 0 : index
    tpu.barrier barrier_id(%barrier3A_126)
    "tpu.region"() ({
      %run_scoped3A = tpu.sem_alloc : memref<!tpu.dma_semaphore, #tpu.memory_space<semaphore_mem>>
      %dma_start3A_127 = arith.constant 0 : i32
      %dma_start3A_128 = tpu.memref_slice %arg7[%add3A_3, %mul3A_0, %dma_start3A_127] : memref<2x10240x128xf32, #tpu.memory_space<hbm>> -> memref<1x640x128xf32, #tpu.memory_space<hbm>>
      %dma_start3A_129 = tpu.memref_squeeze %dma_start3A_128 : memref<1x640x128xf32, #tpu.memory_space<hbm>> -> memref<640x128xf32, #tpu.memory_space<hbm>>
      %dma_start3A_130 = arith.constant 0 : i32
      %dma_start3A_131 = tpu.memref_slice %arg11[%mul3A_0, %dma_start3A_130] : memref<10240x128xf32, #tpu.memory_space<vmem_shared>> -> memref<640x128xf32, #tpu.memory_space<vmem_shared>>
      tpu.enqueue_dma source(%dma_start3A_131 : memref<640x128xf32, #tpu.memory_space<vmem_shared>>) target(%dma_start3A_129 : memref<640x128xf32, #tpu.memory_space<hbm>>) target_semaphore(%run_scoped3A : memref<!tpu.dma_semaphore, #tpu.memory_space<semaphore_mem>>)
      %dma_wait3A_132 = arith.constant 0 : i32
      %dma_wait3A_133 = tpu.memref_slice %arg7[%add3A_3, %mul3A_0, %dma_wait3A_132] : memref<2x10240x128xf32, #tpu.memory_space<hbm>> -> memref<1x640x128xf32, #tpu.memory_space<hbm>>
      %dma_wait3A_134 = tpu.memref_squeeze %dma_wait3A_133 : memref<1x640x128xf32, #tpu.memory_space<hbm>> -> memref<640x128xf32, #tpu.memory_space<hbm>>
      %dma_wait3A_135 = arith.constant 0 : i32
      %dma_wait3A_136 = tpu.memref_slice %arg11[%mul3A_0, %dma_wait3A_135] : memref<10240x128xf32, #tpu.memory_space<vmem_shared>> -> memref<640x128xf32, #tpu.memory_space<vmem_shared>>
      tpu.wait_dma2 semaphore(%run_scoped3A : memref<!tpu.dma_semaphore, #tpu.memory_space<semaphore_mem>>) src(%dma_wait3A_136 : memref<640x128xf32, #tpu.memory_space<vmem_shared>>) dst(%dma_wait3A_134 : memref<640x128xf32, #tpu.memory_space<hbm>>)
      tpu.yield
    }) : () -> ()
    return
  }
}

module attributes {stable_mosaic.version = 14 : i64} {
  func.func @_tc1_body(%arg0: i32, %arg1: memref<2x1024x128xf32, #tpu.memory_space<vmem>>, %arg2: memref<1024x2xf32, #tpu.memory_space<vmem>>, %arg3: memref<1024x256xf32, #tpu.memory_space<vmem>>, %arg4: memref<512x256xf32, #tpu.memory_space<vmem>>, %arg5: memref<512x256xf32, #tpu.memory_space<vmem>>, %arg6: memref<1x512xf32, #tpu.memory_space<vmem>>, %arg7: memref<256x512xf32, #tpu.memory_space<vmem>>, %arg8: memref<256x512xf32, #tpu.memory_space<vmem>>, %arg9: memref<1x256xf32, #tpu.memory_space<vmem>>, %arg10: memref<2x1024x128xf32, #tpu.memory_space<vmem>>, %arg11: memref<1024x256xf32, #tpu.memory_space<vmem>>) attributes {dimension_semantics = [#tpu.dimension_semantics<arbitrary>], iteration_bounds = array<i64: 10>, scalar_prefetch = 0 : i64, scratch_operands = 0 : i64, tpu.core_type = #tpu.core_type<tc>, window_params = [{transform_indices = @transform_0, window_bounds = array<i64: 2, 1024, 128>}, {transform_indices = @transform_1, window_bounds = array<i64: 1024, 2>}, {transform_indices = @transform_2, window_bounds = array<i64: 1024, 256>}, {pipeline_mode = #tpu.pipeline_mode<synchronous>, transform_indices = @transform_3, window_bounds = array<i64: 512, 256>}, {pipeline_mode = #tpu.pipeline_mode<synchronous>, transform_indices = @transform_4, window_bounds = array<i64: 512, 256>}, {pipeline_mode = #tpu.pipeline_mode<synchronous>, transform_indices = @transform_5, window_bounds = array<i64: 1, 512>}, {pipeline_mode = #tpu.pipeline_mode<synchronous>, transform_indices = @transform_6, window_bounds = array<i64: 256, 512>}, {pipeline_mode = #tpu.pipeline_mode<synchronous>, transform_indices = @transform_7, window_bounds = array<i64: 256, 512>}, {pipeline_mode = #tpu.pipeline_mode<synchronous>, transform_indices = @transform_8, window_bounds = array<i64: 1, 256>}, {transform_indices = @transform_9, window_bounds = array<i64: 2, 1024, 128>}, {transform_indices = @transform_10, window_bounds = array<i64: 1024, 256>}]} {
    %get3A = arith.constant 0 : index
    %get3A_0 = arith.constant 0 : index
    %get3A_1 = arith.constant 0 : index
    %get3A_2 = vector.load %arg1[%get3A, %get3A_0, %get3A_1] : memref<2x1024x128xf32, #tpu.memory_space<vmem>>, vector<1x1024x128xf32>
    %get3A_3 = vector.shape_cast %get3A_2 : vector<1x1024x128xf32> to vector<1024x128xf32>
    %get3A_4 = arith.constant 1 : index
    %get3A_5 = arith.constant 0 : index
    %get3A_6 = arith.constant 0 : index
    %get3A_7 = vector.load %arg1[%get3A_4, %get3A_5, %get3A_6] : memref<2x1024x128xf32, #tpu.memory_space<vmem>>, vector<1x1024x128xf32>
    %get3A_8 = vector.shape_cast %get3A_7 : vector<1x1024x128xf32> to vector<1024x128xf32>
    %concatenate3A = tpu.concatenate %get3A_3, %get3A_8 in 1 : vector<1024x128xf32>, vector<1024x128xf32> -> vector<1024x256xf32>
    %get3A_9 = arith.constant 0 : index
    %get3A_10 = arith.constant 0 : index
    %get3A_11 = vector.load %arg2[%get3A_9, %get3A_10] : memref<1024x2xf32, #tpu.memory_space<vmem>>, vector<1024x2xf32>
    %slice3A = vector.extract_strided_slice %get3A_11 {offsets = [0, 0], sizes = [1024, 1], strides = [1, 1]} : vector<1024x2xf32> to vector<1024x1xf32>
    %slice3A_12 = vector.extract_strided_slice %get3A_11 {offsets = [0, 1], sizes = [1024, 1], strides = [1, 1]} : vector<1024x2xf32> to vector<1024x1xf32>
    %add3A = arith.addf %slice3A, %slice3A_12 : vector<1024x1xf32>
    %max3A = arith.constant 1.000000e+00 : f32
    %max3A_13 = vector.broadcast %max3A : f32 to vector<1024x1xf32>
    %max3A_14 = arith.maximumf %add3A, %max3A_13 : vector<1024x1xf32>
    %div3A = vector.broadcast %max3A_14 : vector<1024x1xf32> to vector<1024x256xf32>
    %div3A_15 = arith.divf %concatenate3A, %div3A : vector<1024x256xf32>
    %get3A_16 = arith.constant 0 : index
    %get3A_17 = arith.constant 0 : index
    %get3A_18 = vector.load %arg4[%get3A_16, %get3A_17] : memref<512x256xf32, #tpu.memory_space<vmem>>, vector<512x256xf32>
    %dot_general3A = arith.constant dense<0.000000e+00> : vector<1024x512xf32>
    %dot_general3A_19 = tpu.matmul %div3A_15, %get3A_18, %dot_general3A {dimension_numbers = #tpu.dot_dimension_numbers<[1], [1], [0], [0], [0, 0, 1, 0], [], []>, transpose_lhs_hint = false} : vector<1024x256xf32>, vector<512x256xf32>, vector<1024x512xf32> -> vector<1024x512xf32>
    %get3A_20 = arith.constant 0 : index
    %get3A_21 = arith.constant 0 : index
    %get3A_22 = vector.load %arg3[%get3A_20, %get3A_21] : memref<1024x256xf32, #tpu.memory_space<vmem>>, vector<1024x256xf32>
    %get3A_23 = arith.constant 0 : index
    %get3A_24 = arith.constant 0 : index
    %get3A_25 = vector.load %arg5[%get3A_23, %get3A_24] : memref<512x256xf32, #tpu.memory_space<vmem>>, vector<512x256xf32>
    %dot_general3A_26 = arith.constant dense<0.000000e+00> : vector<1024x512xf32>
    %dot_general3A_27 = tpu.matmul %get3A_22, %get3A_25, %dot_general3A_26 {dimension_numbers = #tpu.dot_dimension_numbers<[1], [1], [0], [0], [0, 0, 1, 0], [], []>, transpose_lhs_hint = false} : vector<1024x256xf32>, vector<512x256xf32>, vector<1024x512xf32> -> vector<1024x512xf32>
    %add3A_28 = arith.addf %dot_general3A_19, %dot_general3A_27 : vector<1024x512xf32>
    %get3A_29 = arith.constant 0 : index
    %get3A_30 = arith.constant 0 : index
    %get3A_31 = vector.load %arg6[%get3A_29, %get3A_30] : memref<1x512xf32, #tpu.memory_space<vmem>>, vector<1x512xf32>
    %add3A_32 = vector.broadcast %get3A_31 : vector<1x512xf32> to vector<1024x512xf32>
    %add3A_33 = arith.addf %add3A_28, %add3A_32 : vector<1024x512xf32>
    %max3A_34 = arith.constant 0.000000e+00 : f32
    %max3A_35 = vector.broadcast %max3A_34 : f32 to vector<1024x512xf32>
    %max3A_36 = arith.maximumf %add3A_33, %max3A_35 : vector<1024x512xf32>
    %get3A_37 = arith.constant 0 : index
    %get3A_38 = arith.constant 0 : index
    %get3A_39 = vector.load %arg7[%get3A_37, %get3A_38] : memref<256x512xf32, #tpu.memory_space<vmem>>, vector<256x512xf32>
    %dot_general3A_40 = arith.constant dense<0.000000e+00> : vector<1024x256xf32>
    %dot_general3A_41 = tpu.matmul %max3A_36, %get3A_39, %dot_general3A_40 {dimension_numbers = #tpu.dot_dimension_numbers<[1], [1], [0], [0], [0, 0, 1, 0], [], []>, transpose_lhs_hint = false} : vector<1024x512xf32>, vector<256x512xf32>, vector<1024x256xf32> -> vector<1024x256xf32>
    %get3A_42 = arith.constant 0 : index
    %get3A_43 = arith.constant 0 : index
    %get3A_44 = vector.load %arg8[%get3A_42, %get3A_43] : memref<256x512xf32, #tpu.memory_space<vmem>>, vector<256x512xf32>
    %dot_general3A_45 = arith.constant dense<0.000000e+00> : vector<1024x256xf32>
    %dot_general3A_46 = tpu.matmul %max3A_36, %get3A_44, %dot_general3A_45 {dimension_numbers = #tpu.dot_dimension_numbers<[1], [1], [0], [0], [0, 0, 1, 0], [], []>, transpose_lhs_hint = false} : vector<1024x512xf32>, vector<256x512xf32>, vector<1024x256xf32> -> vector<1024x256xf32>
    %slice3A_47 = vector.extract_strided_slice %dot_general3A_41 {offsets = [0, 0], sizes = [1024, 128], strides = [1, 1]} : vector<1024x256xf32> to vector<1024x128xf32>
    %swap3A = arith.constant 0 : index
    %swap3A_48 = arith.constant 0 : index
    %swap3A_49 = arith.constant 0 : index
    %swap3A_50 = vector.load %arg10[%swap3A, %swap3A_48, %swap3A_49] : memref<2x1024x128xf32, #tpu.memory_space<vmem>>, vector<1x1024x128xf32>
    %swap3A_51 = vector.shape_cast %swap3A_50 : vector<1x1024x128xf32> to vector<1024x128xf32>
    %swap3A_52 = vector.shape_cast %slice3A_47 : vector<1024x128xf32> to vector<1x1024x128xf32>
    tpu.vector_store %arg10[%swap3A, %swap3A_48, %swap3A_49], %swap3A_52 {strides = array<i32>} : memref<2x1024x128xf32, #tpu.memory_space<vmem>>, vector<1x1024x128xf32>,
    %slice3A_53 = vector.extract_strided_slice %dot_general3A_41 {offsets = [0, 128], sizes = [1024, 128], strides = [1, 1]} : vector<1024x256xf32> to vector<1024x128xf32>
    %swap3A_54 = arith.constant 1 : index
    %swap3A_55 = arith.constant 0 : index
    %swap3A_56 = arith.constant 0 : index
    %swap3A_57 = vector.load %arg10[%swap3A_54, %swap3A_55, %swap3A_56] : memref<2x1024x128xf32, #tpu.memory_space<vmem>>, vector<1x1024x128xf32>
    %swap3A_58 = vector.shape_cast %swap3A_57 : vector<1x1024x128xf32> to vector<1024x128xf32>
    %swap3A_59 = vector.shape_cast %slice3A_53 : vector<1024x128xf32> to vector<1x1024x128xf32>
    tpu.vector_store %arg10[%swap3A_54, %swap3A_55, %swap3A_56], %swap3A_59 {strides = array<i32>} : memref<2x1024x128xf32, #tpu.memory_space<vmem>>, vector<1x1024x128xf32>,
    %get3A_60 = arith.constant 0 : index
    %get3A_61 = arith.constant 0 : index
    %get3A_62 = vector.load %arg9[%get3A_60, %get3A_61] : memref<1x256xf32, #tpu.memory_space<vmem>>, vector<1x256xf32>
    %add3A_63 = vector.broadcast %get3A_62 : vector<1x256xf32> to vector<1024x256xf32>
    %add3A_64 = arith.addf %dot_general3A_46, %add3A_63 : vector<1024x256xf32>
    %swap3A_65 = arith.constant 0 : index
    %swap3A_66 = arith.constant 0 : index
    %swap3A_67 = vector.load %arg11[%swap3A_65, %swap3A_66] : memref<1024x256xf32, #tpu.memory_space<vmem>>, vector<1024x256xf32>
    tpu.vector_store %arg11[%swap3A_65, %swap3A_66], %add3A_64 {strides = array<i32>} : memref<1024x256xf32, #tpu.memory_space<vmem>>, vector<1024x256xf32>,
    return
  }
  func.func @transform_0(%arg0: i32) -> (i32, i32, i32) {
    %c0_i32 = arith.constant 0 : i32
    %c0_i32_0 = arith.constant 0 : i32
    %c0_i32_1 = arith.constant 0 : i32
    return %c0_i32, %arg0, %c0_i32_0 : i32, i32, i32
  }
  func.func @transform_1(%arg0: i32) -> (i32, i32) {
    %c0_i32 = arith.constant 0 : i32
    %c0_i32_0 = arith.constant 0 : i32
    return %arg0, %c0_i32 : i32, i32
  }
  func.func @transform_2(%arg0: i32) -> (i32, i32) {
    %c0_i32 = arith.constant 0 : i32
    %c0_i32_0 = arith.constant 0 : i32
    return %arg0, %c0_i32 : i32, i32
  }
  func.func @transform_3(%arg0: i32) -> (i32, i32) {
    %c0_i32 = arith.constant 0 : i32
    %c0_i32_0 = arith.constant 0 : i32
    %c0_i32_1 = arith.constant 0 : i32
    return %c0_i32, %c0_i32_0 : i32, i32
  }
  func.func @transform_4(%arg0: i32) -> (i32, i32) {
    %c0_i32 = arith.constant 0 : i32
    %c0_i32_0 = arith.constant 0 : i32
    %c0_i32_1 = arith.constant 0 : i32
    return %c0_i32, %c0_i32_0 : i32, i32
  }
  func.func @transform_5(%arg0: i32) -> (i32, i32) {
    %c0_i32 = arith.constant 0 : i32
    %c0_i32_0 = arith.constant 0 : i32
    %c0_i32_1 = arith.constant 0 : i32
    return %c0_i32, %c0_i32_0 : i32, i32
  }
  func.func @transform_6(%arg0: i32) -> (i32, i32) {
    %c0_i32 = arith.constant 0 : i32
    %c0_i32_0 = arith.constant 0 : i32
    %c0_i32_1 = arith.constant 0 : i32
    return %c0_i32, %c0_i32_0 : i32, i32
  }
  func.func @transform_7(%arg0: i32) -> (i32, i32) {
    %c0_i32 = arith.constant 0 : i32
    %c0_i32_0 = arith.constant 0 : i32
    %c0_i32_1 = arith.constant 0 : i32
    return %c0_i32, %c0_i32_0 : i32, i32
  }
  func.func @transform_8(%arg0: i32) -> (i32, i32) {
    %c0_i32 = arith.constant 0 : i32
    %c0_i32_0 = arith.constant 0 : i32
    %c0_i32_1 = arith.constant 0 : i32
    return %c0_i32, %c0_i32_0 : i32, i32
  }
  func.func @transform_9(%arg0: i32) -> (i32, i32, i32) {
    %c0_i32 = arith.constant 0 : i32
    %c0_i32_0 = arith.constant 0 : i32
    %c0_i32_1 = arith.constant 0 : i32
    return %c0_i32, %arg0, %c0_i32_0 : i32, i32, i32
  }
  func.func @transform_10(%arg0: i32) -> (i32, i32) {
    %c0_i32 = arith.constant 0 : i32
    %c0_i32_0 = arith.constant 0 : i32
    return %arg0, %c0_i32 : i32, i32
  }
}

module attributes {stable_mosaic.version = 14 : i64} {
  func.func @_tc2_body(%arg0: i32, %arg1: memref<2x1024x128xf32, #tpu.memory_space<vmem>>, %arg2: memref<1024x2xf32, #tpu.memory_space<vmem>>, %arg3: memref<1024x256xf32, #tpu.memory_space<vmem>>, %arg4: memref<1024x256xf32, #tpu.memory_space<vmem>>) attributes {dimension_semantics = [#tpu.dimension_semantics<arbitrary>], iteration_bounds = array<i64: 10>, scalar_prefetch = 0 : i64, scratch_operands = 0 : i64, tpu.core_type = #tpu.core_type<tc>, window_params = [{transform_indices = @transform_0, window_bounds = array<i64: 2, 1024, 128>}, {transform_indices = @transform_1, window_bounds = array<i64: 1024, 2>}, {transform_indices = @transform_2, window_bounds = array<i64: 1024, 256>}, {transform_indices = @transform_3, window_bounds = array<i64: 1024, 256>}]} {
    %get3A = arith.constant 0 : index
    %get3A_0 = arith.constant 0 : index
    %get3A_1 = arith.constant 0 : index
    %get3A_2 = vector.load %arg1[%get3A, %get3A_0, %get3A_1] : memref<2x1024x128xf32, #tpu.memory_space<vmem>>, vector<1x1024x128xf32>
    %get3A_3 = vector.shape_cast %get3A_2 : vector<1x1024x128xf32> to vector<1024x128xf32>
    %get3A_4 = arith.constant 1 : index
    %get3A_5 = arith.constant 0 : index
    %get3A_6 = arith.constant 0 : index
    %get3A_7 = vector.load %arg1[%get3A_4, %get3A_5, %get3A_6] : memref<2x1024x128xf32, #tpu.memory_space<vmem>>, vector<1x1024x128xf32>
    %get3A_8 = vector.shape_cast %get3A_7 : vector<1x1024x128xf32> to vector<1024x128xf32>
    %concatenate3A = tpu.concatenate %get3A_3, %get3A_8 in 1 : vector<1024x128xf32>, vector<1024x128xf32> -> vector<1024x256xf32>
    %get3A_9 = arith.constant 0 : index
    %get3A_10 = arith.constant 0 : index
    %get3A_11 = vector.load %arg2[%get3A_9, %get3A_10] : memref<1024x2xf32, #tpu.memory_space<vmem>>, vector<1024x2xf32>
    %slice3A = vector.extract_strided_slice %get3A_11 {offsets = [0, 0], sizes = [1024, 1], strides = [1, 1]} : vector<1024x2xf32> to vector<1024x1xf32>
    %slice3A_12 = vector.extract_strided_slice %get3A_11 {offsets = [0, 1], sizes = [1024, 1], strides = [1, 1]} : vector<1024x2xf32> to vector<1024x1xf32>
    %add3A = arith.addf %slice3A, %slice3A_12 : vector<1024x1xf32>
    %max3A = arith.constant 1.000000e+00 : f32
    %max3A_13 = vector.broadcast %max3A : f32 to vector<1024x1xf32>
    %max3A_14 = arith.maximumf %add3A, %max3A_13 : vector<1024x1xf32>
    %div3A = vector.broadcast %max3A_14 : vector<1024x1xf32> to vector<1024x256xf32>
    %div3A_15 = arith.divf %concatenate3A, %div3A : vector<1024x256xf32>
    %get3A_16 = arith.constant 0 : index
    %get3A_17 = arith.constant 0 : index
    %get3A_18 = vector.load %arg3[%get3A_16, %get3A_17] : memref<1024x256xf32, #tpu.memory_space<vmem>>, vector<1024x256xf32>
    %add3A_19 = arith.addf %div3A_15, %get3A_18 : vector<1024x256xf32>
    %reduce_max3A = arith.constant dense<0xFF800000> : vector<1024xf32>
    %reduce_max3A_20 = vector.multi_reduction <maximumf>, %add3A_19, %reduce_max3A [1] : vector<1024x256xf32> to vector<1024xf32>
    %broadcast_in_dim3A = vector.shape_cast %reduce_max3A_20 : vector<1024xf32> to vector<1024x1xf32>
    %sub3A = vector.broadcast %broadcast_in_dim3A : vector<1024x1xf32> to vector<1024x256xf32>
    %sub3A_21 = arith.subf %add3A_19, %sub3A : vector<1024x256xf32>
    %exp3A = math.exp %sub3A_21 : vector<1024x256xf32>
    %reduce_sum3A = arith.constant dense<0.000000e+00> : vector<1024xf32>
    %reduce_sum3A_22 = vector.multi_reduction <add>, %exp3A, %reduce_sum3A [1] : vector<1024x256xf32> to vector<1024xf32>
    %broadcast_in_dim3A_23 = vector.shape_cast %reduce_sum3A_22 : vector<1024xf32> to vector<1024x1xf32>
    %log3A = math.log %broadcast_in_dim3A_23 : vector<1024x1xf32>
    %sub3A_24 = vector.broadcast %log3A : vector<1024x1xf32> to vector<1024x256xf32>
    %sub3A_25 = arith.subf %sub3A_21, %sub3A_24 : vector<1024x256xf32>
    %swap3A = arith.constant 0 : index
    %swap3A_26 = arith.constant 0 : index
    %swap3A_27 = vector.load %arg4[%swap3A, %swap3A_26] : memref<1024x256xf32, #tpu.memory_space<vmem>>, vector<1024x256xf32>
    tpu.vector_store %arg4[%swap3A, %swap3A_26], %sub3A_25 {strides = array<i32>} : memref<1024x256xf32, #tpu.memory_space<vmem>>, vector<1024x256xf32>,
    return
  }
  func.func @transform_0(%arg0: i32) -> (i32, i32, i32) {
    %c0_i32 = arith.constant 0 : i32
    %c0_i32_0 = arith.constant 0 : i32
    %c0_i32_1 = arith.constant 0 : i32
    return %c0_i32, %arg0, %c0_i32_0 : i32, i32, i32
  }
  func.func @transform_1(%arg0: i32) -> (i32, i32) {
    %c0_i32 = arith.constant 0 : i32
    %c0_i32_0 = arith.constant 0 : i32
    return %arg0, %c0_i32 : i32, i32
  }
  func.func @transform_2(%arg0: i32) -> (i32, i32) {
    %c0_i32 = arith.constant 0 : i32
    %c0_i32_0 = arith.constant 0 : i32
    return %arg0, %c0_i32 : i32, i32
  }
  func.func @transform_3(%arg0: i32) -> (i32, i32) {
    %c0_i32 = arith.constant 0 : i32
    %c0_i32_0 = arith.constant 0 : i32
    return %arg0, %c0_i32 : i32, i32
  }
}

</mosaic_0001>

<sc_bundles>
// kernel: kernel.6.cloned.1.call-start
scs
__scs_entry_jumppad:
0x0: {  	(pc) =	sbr.rel $0x88, $3  }
0x1: {  	(tag) =	ssettag $0x0;
	lr =	simm.s32 $0x1  }
0x2: {  	[smem:$0x3F99] =	sst lr;
	_ =	strace $0xD0000000  }
0x3: {  	_ = 	snop  }
0x4: {  	_ = 	snop  }
0x5: {  	_ = 	snop  }
0x6: {  	_ = 	snop  }
0x7: {  	_ = 	snop  }
__scs_overlays_trampoline_lowered:
0x8: {  	[smem:$0x3FA8] =	sst s0  }
0x9: {  	[smem:$0x3FA9] =	sst s1  }
0xa: {  	[smem:$0x3FAA] =	sst s2  }
0xb: {  	[smem:$0x3FAB] =	sst s3  }
0xc: {  	[smem:$0x3FAC] =	sst s4  }
0xd: {  	[smem:$0x3FAD] =	sst s5  }
0xe: {  	[smem:$0x3FAE] =	sst s6  }
0xf: {  	[smem:$0x3FAF] =	sst s7  }
0x10: {  	[smem:$0x3FB0] =	sst s8  }
0x11: {  	[smem:$0x3FB1] =	sst s9;
	s0 =	simm.s32 @!p0 $0x0  }
0x12: {  	s1 =	sld [smem:$0x3F97];
	s0 =	simm.s32 @p0 $0x1  }
0x13: {  	[smem:$0x3FB2] =	sst s0;
	s0 =	simm.s32 @!p1 $0x0  }
0x14: {  	s2 =	sld [smem:$0x3F96];
	s0 =	simm.s32 @p1 $0x1  }
0x15: {  	[smem:$0x3FB3] =	sst s0;
	s0 =	simm.s32 @!p2 $0x0  }
0x16: {  	s3 =	sld [smem:$0x3FDB];
	s0 =	simm.s32 @p2 $0x1  }
0x17: {  	s4 =	simm.s32 $0x1BF5;
	[smem:$0x3FB5] =	sst s0  }
0x18: {  	s0 =	sld [smem:$0x3F98];
	_ =	swait.ge [sflag:s4], $0x0  }
0x19: {  	s7 =	sld [smem:$0x3F99]  }
0x1a: {  	s8 =	sadd.s32 $0xFFFFE003, lr  }
0x1b: {  	s9 =	sadd.s32 $0xFFFFFEF7, lr;
	s5 =	simm.s32 $0xFFFFFFFF;
	p2 =	slt.u32 s8, $0xFFFFF086  }
0x1c: {  	p1 =	slt.u32 s9, $0xF7A;
	s5 =	simm.s32 @!p2 $0x0  }
0x1d: {  	s5 =	simm.s32 @p1 $0x1;
	p0 =	seq.s32 s7, s2  }
0x1e: {  	s7 =	smul.u32 @!p0 $0xF7A, s2;
	p2 =	seq.s32 @!p0 s5, $0x0  }
0x1f: {  	s9 =	smul.u32 $0xF7A, s1;
	s8 =	simm.s32 @!p0 $0x1BF5;
	p2 =	por !p2, p0  }
0x20: {  	[sflag:s8] =	ssyncset.s32 @!p0 $0xFFFFF086;
	s6 =	sadd.s32 @!p0 s3, s7;
	s7 =	simm.s32 @!p0 $0x108  }
0x21: {  	s3 =	sadd.s32 s3, s9;
	s6 =	sadd.s32 @!p0 $0x88, s6;
	s7 =	simm.s32 @p2 $0x1082  }
0x22: {  	[simem:s7], [sflag:s8] =	dma.local @!p0 [hbm:s6], $0xF7A  }
0x23: {  	s9 =	sor.u32 $0xD0000000, s2;
	s6 =	simm.s32 $0x108;
	_ =	swait.ge @!p0 [sflag:s8], $0x0  }
0x24: {  	s3 =	sadd.s32 $0x88, s3;
	s6 =	simm.s32 @!p1 $0x1082;
	[sflag:s4] =	ssyncset.s32 $0xFFFFF086  }
0x25: {  	[simem:s6], [sflag:s4] =	dma.local [hbm:s3], $0xF7A  }
0x26: {  	[smem:$0x3F99] =	sst s1;
	(tag) =	ssettag s2;
	_ =	strace s9  }
0x27: {  	s1 =	sld [smem:$0x3FA9]  }
0x28: {  	s2 =	sld [smem:$0x3FAA]  }
0x29: {  	s4 =	sld [smem:$0x3FAC]  }
0x2a: {  	p0 =	seq.s32 s5, $0x0;
	s5 =	sld [smem:$0x3FAD]  }
0x2b: {  	s6 =	sld [smem:$0x3FAE]  }
0x2c: {  	s7 =	sld [smem:$0x3FAF]  }
0x2d: {  	s3 =	simm.s32 $0x108;
	s8 =	sld [smem:$0x3FB0]  }
0x2e: {  	s3 =	simm.s32 @!p0 $0x1082;
	s9 =	sld [smem:$0x3FB1]  }
0x2f: {  	lr =	sadd.s32 s0, s3;
	s0 =	sld [smem:$0x3FA8]  }
0x30: {  	s3 =	sld [smem:$0x3FAB]  }
0x31: {  	[smem:$0x3FB4] =	sst s10  }
0x32: {  	s10 =	sld [smem:$0x3FB2];
	_ =	sdelay $0x3  }
0x33: {  	p0 =	seq.s32 s10, $0x1;
	s10 =	sld [smem:$0x3FB4];
	_ =	sdelay $0x3  }
0x34: {  	[smem:$0x3FB4] =	sst s10  }
0x35: {  	s10 =	sld [smem:$0x3FB3];
	_ =	sdelay $0x3  }
0x36: {  	p1 =	seq.s32 s10, $0x1;
	s10 =	sld [smem:$0x3FB4];
	_ =	sdelay $0x3  }
0x37: {  	[smem:$0x3FB4] =	sst s10  }
0x38: {  	s10 =	sld [smem:$0x3FB5]  }
0x39: {  	_ = 	snop;
	(pc) =	sbr.ind lr, $3  }
0x3a: {  	_ = 	snop  }
0x3b: {  	_ = 	snop  }
0x3c: {  	p2 =	seq.s32 s10, $0x1;
	s10 =	sld [smem:$0x3FB4]  }
0x3d: {  	_ =	shalt  }
0x3e: {  	_ =	shalt  }
0x3f: {  	_ =	shalt  }
0x40: {  	_ =	shalt  }
0x41: {  	_ =	shalt  }
0x42: {  	_ =	shalt  }
0x43: {  	_ =	shalt  }
0x44: {  	_ =	shalt  }
0x45: {  	_ =	shalt  }
0x46: {  	_ =	shalt  }
0x47: {  	_ =	shalt  }
0x48: {  	_ =	shalt  }
0x49: {  	_ =	shalt  }
0x4a: {  	_ =	shalt  }
0x4b: {  	_ =	shalt  }
0x4c: {  	_ =	shalt  }
0x4d: {  	_ =	shalt  }
0x4e: {  	_ =	shalt  }
0x4f: {  	_ =	shalt  }
0x50: {  	_ =	shalt  }
0x51: {  	_ =	shalt  }
0x52: {  	_ =	shalt  }
0x53: {  	_ =	shalt  }
0x54: {  	_ =	shalt  }
0x55: {  	_ =	shalt  }
0x56: {  	_ =	shalt  }
0x57: {  	_ =	shalt  }
0x58: {  	_ =	shalt  }
0x59: {  	_ =	shalt  }
0x5a: {  	_ =	shalt  }
0x5b: {  	_ =	shalt  }
0x5c: {  	_ =	shalt  }
0x5d: {  	_ =	shalt  }
0x5e: {  	_ =	shalt  }
0x5f: {  	_ =	shalt  }
0x60: {  	_ =	shalt  }
0x61: {  	_ =	shalt  }
0x62: {  	_ =	shalt  }
0x63: {  	_ =	shalt  }
0x64: {  	_ =	shalt  }
0x65: {  	_ =	shalt  }
0x66: {  	_ =	shalt  }
0x67: {  	_ =	shalt  }
0x68: {  	_ =	shalt  }
0x69: {  	_ =	shalt  }
0x6a: {  	_ =	shalt  }
0x6b: {  	_ =	shalt  }
0x6c: {  	_ =	shalt  }
0x6d: {  	_ =	shalt  }
0x6e: {  	_ =	shalt  }
0x6f: {  	_ =	shalt  }
0x70: {  	_ =	shalt  }
0x71: {  	_ =	shalt  }
0x72: {  	_ =	shalt  }
0x73: {  	_ =	shalt  }
0x74: {  	_ =	shalt  }
0x75: {  	_ =	shalt  }
0x76: {  	_ =	shalt  }
0x77: {  	_ =	shalt  }
0x78: {  	_ =	shalt  }
0x79: {  	_ =	shalt  }
0x7a: {  	_ =	shalt  }
0x7b: {  	_ =	shalt  }
0x7c: {  	_ =	shalt  }
0x7d: {  	_ =	shalt  }
0x7e: {  	_ =	shalt  }
0x7f: {  	_ =	shalt  }
0x80: {  	_ =	shalt  }
0x81: {  	_ =	shalt  }
0x82: {  	_ =	shalt  }
0x83: {  	_ =	shalt  }
0x84: {  	_ =	shalt  }
0x85: {  	_ =	shalt  }
0x86: {  	_ =	shalt  }
0x87: {  	_ =	shalt  }
.Lfunc_end0:
.L_simem_size_0:
called_computation_lowered:
.L_overlay_start_0:
0x88: {  	s2 =	sld [smem:$0x3FD9]  }
0x89: {  	s3 =	sld [smem:$0x3FFE];
	_ =	sdelay $0x1  }
0x8a: {  	s1 =	srdreg.scid  }
0x8b: {  	s0 =	sand.u32 $0x1, s1  }
0x8c: {  	s17 =	sshll.u32 s0, $0xA;
	s2 =	sadd.s32 s3, s2  }
0x8d: {  	s2 =	sadd.s32 s2, s17  }
0x8e: {  	[smem:$0x3FC0] =	sst s2  }
0x8f: {  	_ = 	snop  }
0x90: {  	s2 =	sld [smem:$0x3FD0];
	(tm) =	ssettm $0x1  }
0x91: {  	s18 =	sld [smem:$0x3FFB];
	_ =	sdelay $0x3  }
0x92: {  	_ =	strace s18  }
0x93: {  	s3 =	sld [smem:$0x3FFC];
	_ =	sdelay $0x3  }
0x94: {  	_ =	strace s3  }
0x95: {  	s3 =	sld [smem:$0x3FFD];
	_ =	sdelay $0x3  }
0x96: {  	_ =	strace s3  }
0x97: {  	_ =	strace $0x8FFFFFFF  }
0x98: {  	s19 =	sld [smem:$0x3FDB];
	_ =	sdelay $0x1  }
0x99: {  	s4 =	simm.s32 $_scs_section_size  }
0x9a: {  	s5 =	simm.s32 $_size__tile_overlayer_lowered;
	s6 =	simm.s32 $_tile_overlayer_lowered  }
0x9b: {  	s22 =	simm.s32 $0x1BFF;
	s21 =	sshll.u32 s6, $0x1;
	s3 =	sadd.s32 s4, s19  }
0x9c: {  	s7 =	simm.s32 $0x0;
	s20 =	sshll.u32 s5, $0x1;
	s5 =	sadd.s32 s21, s3  }
0x9d: {  	[timem:s7], [sflag:s22] =	dma.local [hbm:s5], s20  }
0x9e: {  	_ =	swait.ge [sflag:s22], s20  }
0x9f: {  	s4 =	ssub.s32 $0x0, s20;
	[sflag:s22] =	ssyncset.done $0x0  }
0xa0: {  	[sflag:s22] =	ssyncadd.s32 s4;
	_ =	sdelay $0x1  }
0xa1: {  	s23 =	simm.s32 $0x1B8B  }
0xa2: {  	_ =	swait.ge [sflag:s23], $0x1  }
0xa3: {  	[sflag:s23] =	ssyncset.done $0x0  }
0xa4: {  	s25 =	simm.s32 $0x1B8E;
	s24 =	sld [smem:$0x3FFE];
	[sflag:s23] =	ssyncadd.s32 $0xFFFFFFFF  }
0xa5: {  	s26 =	simm.s32 $execute0_lowered;
	[smem:$0x3FD2] =	sst s25  }
0xa6: {  	s5 =	sshll.u32 s26, $0x1;
	_ =	strace $0x80000046;
	[dreg:$0x1] =	wrdreg $0xFFFFFFFF  }
0xa7: {  	s28 =	simm.s32 $_size_execute0_lowered;
	s3 =	sadd.s32 s3, s5;
	[dreg:$0x0] =	wrdreg $0x0  }
0xa8: {  	s5 =	sshll.u32 s28, $0x1;
	[dreg:$0x2] =	wrdreg s3  }
0xa9: {  	[dreg:$0x3] =	wrdreg s5  }
0xaa: {  	[dreg:$0x4] =	wrdreg $0xC0  }
0xab: {  	_ =	task [dreg:s7], $0x5FFFF  }
0xac: {  	[dreg:$0x1] =	wrdreg $0xFFFFFFFF  }
0xad: {  	[dreg:$0x0] =	wrdreg $0x60  }
0xae: {  	[dreg:$0x2] =	wrdreg s24  }
0xaf: {  	[dreg:$0x3] =	wrdreg s2  }
0xb0: {  	[dreg:$0x4] =	wrdreg $0x84800  }
0xb1: {  	[dreg:$0x5] =	wrdreg $0x1C4800  }
0xb2: {  	[dreg:$0x6] =	wrdreg $0x9  }
0xb3: {  	_ =	task.clear_ibuf [dreg:s7], $0x7FFFF;
	_ =	strace $0x90000046  }
0xb4: {  	s29 =	simm.s32 $0x9;
	_ =	strace $0x80000048  }
0xb5: {  	_ =	swait.ge [sflag:s29], $0x1  }
0xb6: {  	[sflag:s29] =	ssyncadd.s32 $0xFFFFFFFF  }
0xb7: {  	_ =	strace $0x90000048  }
0xb8: {  	_ =	sfence  }
0xb9: {  	s30 =	sld [smem:$0x0];
	_ =	sdelay $0x2  }
0xba: {  	s31 =	sshll.u32 s1, $0xD;
	s1 =	sshrl.u32 s1, $0x2  }
0xbb: {  	s3 =	sand.u32 $0x4000, s31;
	s1 =	sadd.s32 s1, s30  }
0xbc: {  	s0 =	sor.u32 s3, s0;
	s1 =	sshll.u32 s1, $0x11  }
0xbd: {  	s0 =	sor.u32 s1, s0  }
0xbe: {  	s0 =	sadd.s32 $0x8F2B, s0  }
0xbf: {  	[sflag:s0] =	ssyncadd.remote.s32 $0x1  }
0xc0: {  	_ =	sfence.sel $0xFFFF  }
0xc1: {  	[dreg:$0x0] =	wrdreg $0xFFFFFFFF;
	(pc) =	sbr.abs _section_cstart, $3  }
0xc2: {  	[dreg:$0x1] =	wrdreg $0xFFFFFFFF  }
0xc3: {  	_ =	task.clear_ibuf [dreg:s7], $0x2FFFF;
	_ =	strace $0x9FFFFFFF  }
0xc4: {  	(tm) =	ssettm $0x7FFFFFFF  }
0xc5: {  	_ =	shalt  }
tec
execute0_lowered:
.L_overlay_start_1:
0x0: {  	(tag) =	ssettag $0x1  }
0x1: {  	s0 =	rddreg [dreg:$0x0]  }
0x2: {  	s3 =	rddreg [dreg:$0x1]  }
0x3: {  	s1 =	rddreg [dreg:$0x2]  }
0x4: {  	s4 =	srdreg.scid;
	s2 =	rddreg [dreg:$0x3];
	s5 =	simm.s32 $0x0  }
0x5: {  	s14 =	stileid.u32;
	s26 =	simm.s32 $0x280;
	s28 =	simm.s32 $0x400  }
0x6: {  	s29 =	simm.s32 $0x2;
	s30 =	simm.s32 $0x4400;
	s31 =	simm.s32 $0x5  }
0x7: {  	s4 =	sand.u32 $0x1, s4;
	[smem:$0x7FF] =	sst s5;
	s8 =	smul.u32 $0x14000, s14  }
0x8: {  	s9 =	sadd.s32 $0x51600, s0;
	s10 =	sadd.s32 $0x51400, s0;
	s11 =	smul.u32 $0x500, s14  }
0x9: {  	s6 =	smul.u32 $0x28000, s4;
	_ =	strace $0x80000047;
	[dreg:$0x6] =	wrdreg s9  }
0xa: {  	s12 =	sadd.s32 $0x51200, s0;
	s7 =	smul.u32 $0x140000, s4;
	[dreg:$0x7] =	wrdreg s10  }
0xb: {  	s25 =	sshll.u32 s14, $0x6;
	[dreg:$0x8] =	wrdreg s12;
	s10 =	smul.u32 $0x50000, s14  }
0xc: {  	s13 =	sshll.u32 s4, $0x7;
	s15 =	ssub.s32 $0x2, s4;
	s12 =	smul.u32 $0xA00, s14  }
0xd: {  	[dreg:$0x5] =	wrdreg s26;
	p0 =	seq.s32 s4, $0x0;
	s26 =	simm.s32 $0x80  }
0xe: {  	s6 =	sadd.s32 s6, s0;
	s7 =	sadd.s32 s8, s7;
	s8 =	sor.u32 s13, s11  }
0xf: {  	s11 =	sshrl.u32 s15, $0x1;
	s17 =	sshrl.u32 s10, $0x2;
	s18 =	sshrl.u32 s12, $0x2  }
0x10: {  	s9 =	sadd.s32 s3, s12;
	s3 =	simm.s32 $0x8;
	s7 =	sshrl.u32 s7, $0x3  }
0x11: {  	s8 =	sshrl.u32 s8, $0x3;
	s16 =	ssub.s32 s15, s11;
	s10 =	sadd.s32 s17, s1  }
0x12: {  	s19 =	sadd.s32 s18, s2;
	s20 =	sadd.s32 $0x20, s9;
	s21 =	sadd.s32 $0x40, s9  }
0x13: {  	s22 =	sadd.s32 $0x60, s9;
	s13 =	sadd.s32 $0x1200, s6;
	[dreg:$0x9] =	wrdreg s20  }
0x14: {  	s11 =	sor.u32 $0x1C0B, s25;
	s25 =	simm.s32 $0x1;
	[dreg:$0xa] =	wrdreg s21  }
0x15: {  	s17 =	simm.s32 $0x4;
	s7 =	sadd.s32 s7, s0;
	[dreg:$0xb] =	wrdreg s22  }
0x16: {  	s0 =	sadd.s32 s8, s0;
	s24 =	smax.u32 s16, $0x1;
	[dreg:$0xf] =	wrdreg s11  }
0x17: {  	s8 =	simm.s32 $0xB;
	s10 =	sshrl.u32 s10, $0x3;
	[dreg:$0xe] =	wrdreg s24  }
0x18: {  	s12 =	sshrl.u32 s19, $0x3;
	s22 =	simm.s32 $0x100;
	[dreg:$0x10] =	wrdreg s10  }
0x19: {  	s23 =	sadd.s32 $0x54800, s7;
	s0 =	sadd.s32 $0x53E00, s0;
	[dreg:$0x11] =	wrdreg s12  }
0x1a: {  	s24 =	simm.s32 $0x300;
	s7 =	simm.s32 $0x0;
	[dreg:$0xc] =	wrdreg s23  }
0x1b: {  	[dreg:$0xd] =	wrdreg s0;
	s23 =	simm.s32 $0x200;
	s0 =	simm.s32 $0x3  }
.LBB2_1:
0x1c: {  	[dreg:$0x12] =	wrdreg s7  }
0x1d: {  	s6 =	rddreg [dreg:$0x8];
	s14 =	simm.s32 $0x8400  }
0x1e: {  	[tilespmem:s14], [sflag:$0xB] =	stream.linear.gather [hbm4b:s6+s5], $0x80, $0x38;
	[tilespmem:$0x1C700] =	vst v63  }
0x1f: {  	_ =	swait.ge [sflag:s8], $0x80  }
0x20: {  	[sflag:s8] =	ssyncset.done $0x0  }
0x21: {  	s15 =	rddreg [dreg:$0x6];
	[sflag:s8] =	ssyncadd.s32 $0xFFFFFF80  }
0x22: {  	[spmem:s10], [sflag:s11] =	dma.local [hbm:s15], $0x2800  }
0x23: {  	_ =	swait.ge [sflag:s8], $0x2800  }
0x24: {  	[sflag:s8] =	ssyncset.done $0x0  }
0x25: {  	s16 =	rddreg [dreg:$0x7];
	[sflag:s8] =	ssyncadd.s32 $0xFFFFD800  }
0x26: {  	[spmem:s12], [sflag:s11] =	dma.local [hbm:s16], $0x50  }
0x27: {  	_ =	swait.ge [sflag:s8], $0x50  }
0x28: {  	p1 =	por $0x1, $0x1;
	[sflag:s8] =	ssyncset.done $0x0  }
0x29: {  	p2 =	seq.s32 @!p1 s4, $0x0;
	[sflag:s8] =	ssyncadd.s32 $0xFFFFFFB0  }
0x2a: {  	[tilespmem:s5], [sflag:$0x1] =	stream.linear.gather [hbm4b:s9+s5], $0x100, $0x38;
	[tilespmem:$0x1C700] =	vst v63  }
0x2b: {  	p3 =	por @!p1 $0x0, $0x0;
	s6 =	simm.s32 @!p1 $0x1;
	s18 =	rddreg [dreg:$0x9]  }
0x2c: {  	[tilespmem:s22], [sflag:$0x2] =	stream.linear.gather [hbm4b:s18+s5], $0x100, $0x38;
	[tilespmem:$0x1C700] =	vst v63  }
0x2d: {  	p3 =	por !p3, p1;
	p2 =	por !p2, p1;
	s19 =	rddreg [dreg:$0xa]  }
0x2e: {  	[tilespmem:s23], [sflag:$0x3] =	stream.linear.gather [hbm4b:s19+s5], $0x100, $0x38;
	[tilespmem:$0x1C700] =	vst v63  }
0x2f: {  	s6 =	simm.s32 @p2 $0x0;
	s20 =	rddreg [dreg:$0xb];
	s8 =	simm.s32 @!p1 $0x1  }
0x30: {  	[tilespmem:s24], [sflag:$0x4] =	stream.linear.gather [hbm4b:s20+s5], $0x100, $0x38;
	[tilespmem:$0x1C700] =	vst v63  }
0x31: {  	s10 =	simm.s32 @!p1 $0x7;
	s8 =	simm.s32 @p3 $0x0;
	[bflag:$0x0] =	sbarrier.arrive $0xFFFF  }
0x32: {  	p2 =	seq.s32 @!p1 s6, s8;
	_ =	swait.ge @!p1 [sflag:s10], $0x4000  }
0x33: {  	p2 =	por p2, p1;
	[sflag:s10] =	ssyncset.done @!p1 $0x0  }
0x34: {  	s6 =	simm.s32 @!p2 $0x9;
	[sflag:s10] =	ssyncadd.s32 @!p1 $0xFFFFC000  }
0x35: {  	_ =	swait.ge @!p2 [sflag:s6], $0x80  }
0x36: {  	s11 =	simm.s32 @!p1 $0x0;
	s8 =	sadd.s32 @!p1 $0x0, s9;
	[sflag:s6] =	ssyncset.done @!p2 $0x0  }
0x37: {  	s12 =	simm.s32 @!p1 $0x200;
	s10 =	sadd.s32 @!p1 $0x40, s8;
	[sflag:s6] =	ssyncadd.s32 @!p2 $0xFFFFFF80  }
0x38: {  	[tilespmem:s12], [sflag:$0x3] =	stream.linear.gather @!p1 [hbm4b:s10+s11], $0x100, $0x38;
	[tilespmem:$0x1C700] =	vst v63  }
0x39: {  	_ =	swait.ge [sflag:s25], $0x100  }
0x3a: {  	[sflag:s25] =	ssyncset.done $0x0  }
0x3b: {  	s6 =	simm.s32 @!p1 $0x8;
	[sflag:s25] =	ssyncadd.s32 $0xFFFFFF00  }
0x3c: {  	[tilespmem:s28], [sflag:$0x5] =	stream.indirect.gather [hbm4b:s13+s26], $0x80, s5, s26, $0xb8;
	[tilespmem:$0x1C700] =	vst v63  }
0x3d: {  	_ =	swait.ge @!p1 [sflag:s6], $0x4000  }
0x3e: {  	[sflag:s6] =	ssyncset.done @!p1 $0x0  }
0x3f: {  	s10 =	simm.s32 @!p2 $0xA;
	[sflag:s6] =	ssyncadd.s32 @!p1 $0xFFFFC000  }
0x40: {  	_ =	swait.ge @!p2 [sflag:s10], $0x80  }
0x41: {  	[sflag:s10] =	ssyncset.done @!p2 $0x0  }
0x42: {  	s6 =	sadd.s32 @!p1 $0x60, s8;
	s8 =	simm.s32 @!p1 $0x300;
	[sflag:s10] =	ssyncadd.s32 @!p2 $0xFFFFFF80  }
0x43: {  	[tilespmem:s8], [sflag:$0x4] =	stream.linear.gather @!p1 [hbm4b:s6+s11], $0x100, $0x38;
	[tilespmem:$0x1C700] =	vst v63  }
0x44: {  	_ =	swait.ge [sflag:s29], $0x100  }
0x45: {  	[sflag:s29] =	ssyncset.done $0x0  }
0x46: {  	[sflag:s29] =	ssyncadd.s32 $0xFFFFFF00  }
0x47: {  	[tilespmem:s30], [sflag:$0x6] =	stream.indirect.gather [hbm4b:s13+s26], $0x80, s22, s26, $0xb8;
	[tilespmem:$0x1C700] =	vst v63  }
0x48: {  	p2 =	por $0x0, $0x0;
	_ =	swait.ge [sflag:s31], $0x4000  }
0x49: {  	p1 =	por !p2, !p2;
	[sflag:s31] =	ssyncset.done $0x0  }
0x4a: {  	p1 =	por @!p0 p2, p2;
	[sflag:s31] =	ssyncadd.s32 $0xFFFFC000  }
0x4b: {  	[spmem:s1] =	stream.indirect.scatter.add.f32 [tilespmem:s28], [sflag:$0x7], $0x80, s26, s26, $0xb8;
	[tilespmem:$0x1C700] =	vst v63  }
0x4c: {  	s11 =	simm.s32 @p1 $0x80;
	s12 =	simm.s32 @p1 $0x8400;
	s15 =	simm.s32 @p1 $0x6  }
0x4d: {  	[spmem:s2] =	stream.indirect.scatter.add.f32 @p1 [tilespmem:s12], [sflag:$0x9], $0x1, s11, s11, $0xb8;
	[tilespmem:$0x1C700] =	vst v63  }
0x4e: {  	_ =	swait.ge @p1 [sflag:s15], $0x4000  }
0x4f: {  	[sflag:s15] =	ssyncset.done @p1 $0x0  }
0x50: {  	s6 =	simm.s32 @p1 $0x180;
	s16 =	simm.s32 @p1 $0x4400;
	[sflag:s15] =	ssyncadd.s32 @p1 $0xFFFFC000  }
0x51: {  	[spmem:s1] =	stream.indirect.scatter.add.f32 @p1 [tilespmem:s16], [sflag:$0x8], $0x80, s6, s11, $0xb8;
	[tilespmem:$0x1C700] =	vst v63  }
0x52: {  	s8 =	simm.s32 @p1 $0x7  }
0x53: {  	[spmem:s2] =	stream.indirect.scatter.add.f32 @p1 [tilespmem:s12], [sflag:$0xA], $0x1, s6, s11, $0xb8;
	[tilespmem:$0x1C700] =	vst v63  }
0x54: {  	_ =	swait.ge @p1 [sflag:s8], $0x4000  }
0x55: {  	[sflag:s8] =	ssyncset.done @p1 $0x0  }
0x56: {  	s6 =	simm.s32 @p1 $0x9;
	[sflag:s8] =	ssyncadd.s32 @p1 $0xFFFFC000  }
0x57: {  	_ =	swait.ge @p1 [sflag:s6], $0x80  }
0x58: {  	[sflag:s6] =	ssyncset.done @p1 $0x0  }
0x59: {  	[sflag:s6] =	ssyncadd.s32 @p1 $0xFFFFFF80;
	s6 =	simm.s32 @!p1 $0x6  }
0x5a: {  	_ =	swait.ge @!p1 [sflag:s6], $0x4000  }
0x5b: {  	s10 =	simm.s32 @!p1 $0x7;
	s14 =	simm.s32 @!p1 $0x80;
	[sflag:s6] =	ssyncset.done @!p1 $0x0  }
0x5c: {  	s19 =	simm.s32 @!p1 $0x180;
	s8 =	simm.s32 @!p1 $0x4400;
	[sflag:s6] =	ssyncadd.s32 @!p1 $0xFFFFC000  }
0x5d: {  	[spmem:s1] =	stream.indirect.scatter.add.f32 @!p1 [tilespmem:s8], [sflag:$0x8], $0x80, s19, s14, $0xb8;
	[tilespmem:$0x1C700] =	vst v63  }
0x5e: {  	p2 =	por $0x0, $0x0;
	_ =	swait.ge @!p1 [sflag:s10], $0x4000  }
0x5f: {  	s19 =	sadd.s32 @!p2 $0x0, s9;
	[sflag:s10] =	ssyncset.done @!p1 $0x0  }
0x60: {  	s20 =	simm.s32 @!p2 $0x0;
	[sflag:s10] =	ssyncadd.s32 @!p1 $0xFFFFC000;
	s10 =	sadd.s32 @!p2 $0x80, s19  }
0x61: {  	[tilespmem:s20], [sflag:$0x1] =	stream.linear.gather @!p2 [hbm4b:s10+s20], $0x100, $0x38;
	[tilespmem:$0x1C700] =	vst v63  }
0x62: {  	_ =	swait.ge [sflag:s0], $0x100  }
0x63: {  	[sflag:s0] =	ssyncset.done $0x0  }
0x64: {  	[sflag:s0] =	ssyncadd.s32 $0xFFFFFF00  }
0x65: {  	[tilespmem:s28], [sflag:$0x5] =	stream.indirect.gather [hbm4b:s13+s26], $0x80, s23, s26, $0xb8;
	[tilespmem:$0x1C700] =	vst v63  }
0x66: {  	_ =	swait.ge [sflag:s3], $0x4000  }
0x67: {  	[sflag:s3] =	ssyncset.done $0x0  }
0x68: {  	s10 =	simm.s32 @p1 $0xA;
	[sflag:s3] =	ssyncadd.s32 $0xFFFFC000  }
0x69: {  	_ =	swait.ge @p1 [sflag:s10], $0x80  }
0x6a: {  	[sflag:s10] =	ssyncset.done @p1 $0x0  }
0x6b: {  	s19 =	sadd.s32 @!p2 $0xA0, s19;
	[sflag:s10] =	ssyncadd.s32 @p1 $0xFFFFFF80;
	s10 =	simm.s32 @!p2 $0x100  }
0x6c: {  	[tilespmem:s10], [sflag:$0x2] =	stream.linear.gather @!p2 [hbm4b:s19+s20], $0x100, $0x38;
	[tilespmem:$0x1C700] =	vst v63  }
0x6d: {  	_ =	swait.ge [sflag:s17], $0x100  }
0x6e: {  	[sflag:s17] =	ssyncset.done $0x0  }
0x6f: {  	[sflag:s17] =	ssyncadd.s32 $0xFFFFFF00  }
0x70: {  	[tilespmem:s30], [sflag:$0x6] =	stream.indirect.gather [hbm4b:s13+s26], $0x80, s24, s26, $0xb8;
	[tilespmem:$0x1C700] =	vst v63  }
0x71: {  	_ =	swait.ge [sflag:s31], $0x4000  }
0x72: {  	[sflag:s31] =	ssyncset.done $0x0  }
0x73: {  	s21 =	rddreg [dreg:$0x5];
	[sflag:s31] =	ssyncadd.s32 $0xFFFFC000  }
0x74: {  	[spmem:s1] =	stream.indirect.scatter.add.f32 [tilespmem:s28], [sflag:$0x7], $0x80, s21, s26, $0xb8;
	[tilespmem:$0x1C700] =	vst v63  }
0x75: {  	p3 =	por $0x0, $0x0;
	_ =	swait.ge @!p1 [sflag:s6], $0x4000  }
0x76: {  	p4 =	seq.s32 @!p3 s4, $0x0;
	[sflag:s6] =	ssyncset.done @!p1 $0x0  }
0x77: {  	p5 =	por @!p3 $0x0, $0x0;
	[sflag:s6] =	ssyncadd.s32 @!p1 $0xFFFFC000;
	s6 =	simm.s32 @!p1 $0x380  }
0x78: {  	[spmem:s1] =	stream.indirect.scatter.add.f32 @!p1 [tilespmem:s8], [sflag:$0x8], $0x80, s6, s14, $0xb8;
	[tilespmem:$0x1C700] =	vst v63  }
0x79: {  	s10 =	simm.s32 $0x1;
	s19 =	simm.s32 @p1 $0x380;
	s6 =	simm.s32 @p1 $0x280  }
0x7a: {  	[spmem:s2] =	stream.indirect.scatter.add.f32 @p1 [tilespmem:s12], [sflag:$0x9], $0x1, s6, s11, $0xb8;
	[tilespmem:$0x1C700] =	vst v63  }
0x7b: {  	s8 =	simm.s32 $0x80;
	s14 =	simm.s32 $0x100;
	_ =	swait.ge @p1 [sflag:s15], $0x4000  }
.LBB2_2:
0x7c: {  	s20 =	simm.s32 @!p3 $0x1;
	p2 =	por !p5, p3;
	[sflag:s15] =	ssyncset.done @p1 $0x0  }
0x7d: {  	p4 =	por !p4, p3;
	s21 =	simm.s32 @!p3 $0x1;
	[sflag:s15] =	ssyncadd.s32 @p1 $0xFFFFC000  }
0x7e: {  	[spmem:s1] =	stream.indirect.scatter.add.f32 @p1 [tilespmem:s16], [sflag:$0x8], $0x80, s19, s11, $0xb8;
	[tilespmem:$0x1C700] =	vst v63  }
0x7f: {  	s21 =	simm.s32 @p2 $0x0;
	s20 =	simm.s32 @p4 $0x0;
	s15 =	simm.s32 @!p3 $0x7  }
0x80: {  	[spmem:s2] =	stream.indirect.scatter.add.f32 @p1 [tilespmem:s12], [sflag:$0xA], $0x1, s19, s11, $0xb8;
	[tilespmem:$0x1C700] =	vst v63  }
0x81: {  	p2 =	seq.s32 @!p3 s20, s21;
	_ =	swait.ge @!p3 [sflag:s15], $0x4000  }
0x82: {  	p1 =	por p2, p3;
	[sflag:s15] =	ssyncset.done @!p3 $0x0  }
0x83: {  	s11 =	simm.s32 @!p1 $0x9;
	[sflag:s15] =	ssyncadd.s32 @!p3 $0xFFFFC000  }
0x84: {  	s20 =	sadd.s32 @!p3 s8, s9;
	_ =	swait.ge @!p1 [sflag:s11], $0x80  }
0x85: {  	s16 =	sadd.s32 @!p3 $0x40, s20;
	[sflag:s11] =	ssyncset.done @!p1 $0x0  }
0x86: {  	s12 =	simm.s32 @!p3 $0x0;
	s15 =	simm.s32 @!p3 $0x200;
	[sflag:s11] =	ssyncadd.s32 @!p1 $0xFFFFFF80  }
0x87: {  	[tilespmem:s15], [sflag:$0x3] =	stream.linear.gather @!p3 [hbm4b:s16+s12], $0x100, $0x38;
	[tilespmem:$0x1C700] =	vst v63  }
0x88: {  	_ =	swait.ge [sflag:s25], $0x100  }
0x89: {  	[sflag:s25] =	ssyncset.done $0x0  }
0x8a: {  	s11 =	simm.s32 @!p3 $0x8;
	[sflag:s25] =	ssyncadd.s32 $0xFFFFFF00  }
0x8b: {  	[tilespmem:s28], [sflag:$0x5] =	stream.indirect.gather [hbm4b:s13+s26], $0x80, s5, s26, $0xb8;
	[tilespmem:$0x1C700] =	vst v63  }
0x8c: {  	_ =	swait.ge @!p3 [sflag:s11], $0x4000  }
0x8d: {  	[sflag:s11] =	ssyncset.done @!p3 $0x0  }
0x8e: {  	s15 =	simm.s32 @!p1 $0xA;
	[sflag:s11] =	ssyncadd.s32 @!p3 $0xFFFFC000  }
0x8f: {  	_ =	swait.ge @!p1 [sflag:s15], $0x80  }
0x90: {  	[sflag:s15] =	ssyncset.done @!p1 $0x0  }
0x91: {  	s20 =	sadd.s32 @!p3 $0x60, s20;
	s11 =	simm.s32 @!p3 $0x300;
	[sflag:s15] =	ssyncadd.s32 @!p1 $0xFFFFFF80  }
0x92: {  	[tilespmem:s11], [sflag:$0x4] =	stream.linear.gather @!p3 [hbm4b:s20+s12], $0x100, $0x38;
	[tilespmem:$0x1C700] =	vst v63  }
0x93: {  	_ =	swait.ge [sflag:s29], $0x100  }
0x94: {  	[sflag:s29] =	ssyncset.done $0x0  }
0x95: {  	[sflag:s29] =	ssyncadd.s32 $0xFFFFFF00  }
0x96: {  	[tilespmem:s30], [sflag:$0x6] =	stream.indirect.gather [hbm4b:s13+s26], $0x80, s22, s26, $0xb8;
	[tilespmem:$0x1C700] =	vst v63  }
0x97: {  	p3 =	sgt.u32 s10, $0x9;
	_ =	swait.ge [sflag:s31], $0x4000  }
0x98: {  	p1 =	por !p3, !p3;
	[sflag:s31] =	ssyncset.done $0x0  }
0x99: {  	p1 =	por @!p0 p3, p3;
	[sflag:s31] =	ssyncadd.s32 $0xFFFFC000  }
0x9a: {  	[spmem:s1] =	stream.indirect.scatter.add.f32 [tilespmem:s28], [sflag:$0x7], $0x80, s26, s26, $0xb8;
	[tilespmem:$0x1C700] =	vst v63  }
0x9b: {  	s11 =	simm.s32 @p1 $0x80;
	s12 =	simm.s32 @p1 $0x8400;
	s15 =	simm.s32 @p1 $0x6  }
0x9c: {  	[spmem:s2] =	stream.indirect.scatter.add.f32 @p1 [tilespmem:s12], [sflag:$0x9], $0x1, s11, s11, $0xb8;
	[tilespmem:$0x1C700] =	vst v63  }
0x9d: {  	_ =	swait.ge @p1 [sflag:s15], $0x4000  }
0x9e: {  	[sflag:s15] =	ssyncset.done @p1 $0x0  }
0x9f: {  	s19 =	simm.s32 @p1 $0x180;
	s16 =	simm.s32 @p1 $0x4400;
	[sflag:s15] =	ssyncadd.s32 @p1 $0xFFFFC000  }
0xa0: {  	[spmem:s1] =	stream.indirect.scatter.add.f32 @p1 [tilespmem:s16], [sflag:$0x8], $0x80, s19, s11, $0xb8;
	[tilespmem:$0x1C700] =	vst v63  }
0xa1: {  	s20 =	simm.s32 @p1 $0x7  }
0xa2: {  	[spmem:s2] =	stream.indirect.scatter.add.f32 @p1 [tilespmem:s12], [sflag:$0xA], $0x1, s19, s11, $0xb8;
	[tilespmem:$0x1C700] =	vst v63  }
0xa3: {  	_ =	swait.ge @p1 [sflag:s20], $0x4000  }
0xa4: {  	[sflag:s20] =	ssyncset.done @p1 $0x0  }
0xa5: {  	s19 =	simm.s32 @p1 $0x9;
	[sflag:s20] =	ssyncadd.s32 @p1 $0xFFFFC000  }
0xa6: {  	_ =	swait.ge @p1 [sflag:s19], $0x80  }
0xa7: {  	[sflag:s19] =	ssyncset.done @p1 $0x0  }
0xa8: {  	s20 =	simm.s32 @!p1 $0x6;
	[sflag:s19] =	ssyncadd.s32 @p1 $0xFFFFFF80  }
0xa9: {  	_ =	swait.ge @!p1 [sflag:s20], $0x4000  }
0xaa: {  	s21 =	simm.s32 @!p1 $0x4400;
	s7 =	simm.s32 @!p1 $0x7;
	[sflag:s20] =	ssyncset.done @!p1 $0x0  }
0xab: {  	s18 =	simm.s32 @!p1 $0x180;
	s19 =	simm.s32 @!p1 $0x80;
	[sflag:s20] =	ssyncadd.s32 @!p1 $0xFFFFC000  }
0xac: {  	[spmem:s1] =	stream.indirect.scatter.add.f32 @!p1 [tilespmem:s21], [sflag:$0x8], $0x80, s18, s19, $0xb8;
	[tilespmem:$0x1C700] =	vst v63  }
0xad: {  	s6 =	smov.u32 s14;
	p3 =	seq.s32 s8, $0x980;
	_ =	swait.ge @!p1 [sflag:s7], $0x4000  }
0xae: {  	s18 =	sadd.s32 @!p3 s8, s9;
	s8 =	smov.u32 s6;
	[sflag:s7] =	ssyncset.done @!p1 $0x0  }
0xaf: {  	s6 =	sadd.s32 @!p3 $0x80, s18;
	[sflag:s7] =	ssyncadd.s32 @!p1 $0xFFFFC000;
	s7 =	simm.s32 @!p3 $0x0  }
0xb0: {  	[tilespmem:s7], [sflag:$0x1] =	stream.linear.gather @!p3 [hbm4b:s6+s7], $0x100, $0x38;
	[tilespmem:$0x1C700] =	vst v63  }
0xb1: {  	_ =	swait.ge [sflag:s0], $0x100  }
0xb2: {  	[sflag:s0] =	ssyncset.done $0x0  }
0xb3: {  	[sflag:s0] =	ssyncadd.s32 $0xFFFFFF00  }
0xb4: {  	[tilespmem:s28], [sflag:$0x5] =	stream.indirect.gather [hbm4b:s13+s26], $0x80, s23, s26, $0xb8;
	[tilespmem:$0x1C700] =	vst v63  }
0xb5: {  	_ =	swait.ge [sflag:s3], $0x4000  }
0xb6: {  	[sflag:s3] =	ssyncset.done $0x0  }
0xb7: {  	s6 =	sadd.s32 @!p3 $0xA0, s18;
	s18 =	simm.s32 @p1 $0xA;
	[sflag:s3] =	ssyncadd.s32 $0xFFFFC000  }
0xb8: {  	_ =	swait.ge @p1 [sflag:s18], $0x80  }
0xb9: {  	[sflag:s18] =	ssyncset.done @p1 $0x0  }
0xba: {  	[sflag:s18] =	ssyncadd.s32 @p1 $0xFFFFFF80;
	s18 =	simm.s32 @!p3 $0x100  }
0xbb: {  	[tilespmem:s18], [sflag:$0x2] =	stream.linear.gather @!p3 [hbm4b:s6+s7], $0x100, $0x38;
	[tilespmem:$0x1C700] =	vst v63  }
0xbc: {  	_ =	swait.ge [sflag:s17], $0x100  }
0xbd: {  	[sflag:s17] =	ssyncset.done $0x0  }
0xbe: {  	[sflag:s17] =	ssyncadd.s32 $0xFFFFFF00  }
0xbf: {  	[tilespmem:s30], [sflag:$0x6] =	stream.indirect.gather [hbm4b:s13+s26], $0x80, s24, s26, $0xb8;
	[tilespmem:$0x1C700] =	vst v63  }
0xc0: {  	_ =	swait.ge [sflag:s31], $0x4000  }
0xc1: {  	[sflag:s31] =	ssyncset.done $0x0  }
0xc2: {  	s18 =	rddreg [dreg:$0x5];
	[sflag:s31] =	ssyncadd.s32 $0xFFFFC000  }
0xc3: {  	[spmem:s1] =	stream.indirect.scatter.add.f32 [tilespmem:s28], [sflag:$0x7], $0x80, s18, s26, $0xb8;
	[tilespmem:$0x1C700] =	vst v63  }
0xc4: {  	s14 =	sadd.s32 $0x80, s14;
	_ =	swait.ge @!p1 [sflag:s20], $0x4000  }
0xc5: {  	p2 =	sne.s32 s14, $0xA00;
	s6 =	simm.s32 @!p1 $0x380;
	[sflag:s20] =	ssyncset.done @!p1 $0x0  }
.Ltmp0:
0xc6: {  	p3 =	seq.s32 s8, $0x0;
	[sflag:s20] =	ssyncadd.s32 @!p1 $0xFFFFC000;
	(pc) =	sbr.rel @p2 .LBB2_2-.Ltmp0, $4  }
0xc7: {  	[spmem:s1] =	stream.indirect.scatter.add.f32 @!p1 [tilespmem:s21], [sflag:$0x8], $0x80, s6, s19, $0xb8;
	[tilespmem:$0x1C700] =	vst v63  }
0xc8: {  	s10 =	sadd.s32 $0x1, s10;
	p4 =	seq.s32 @!p3 s4, $0x0;
	s6 =	simm.s32 @p1 $0x280  }
0xc9: {  	[spmem:s2] =	stream.indirect.scatter.add.f32 @p1 [tilespmem:s12], [sflag:$0x9], $0x1, s6, s11, $0xb8;
	[tilespmem:$0x1C700] =	vst v63  }
0xca: {  	p5 =	sgt.u32 @!p3 s10, $0xA;
	s19 =	simm.s32 @p1 $0x380;
	_ =	swait.ge @p1 [sflag:s15], $0x4000  }
0xcb: {  	s6 =	simm.s32 @!p3 $0x1;
	p2 =	por !p5, p3;
	[sflag:s15] =	ssyncset.done @p1 $0x0  }
0xcc: {  	p4 =	por !p4, p3;
	s7 =	simm.s32 @!p3 $0x1;
	[sflag:s15] =	ssyncadd.s32 @p1 $0xFFFFC000  }
0xcd: {  	[spmem:s1] =	stream.indirect.scatter.add.f32 @p1 [tilespmem:s16], [sflag:$0x8], $0x80, s19, s11, $0xb8;
	[tilespmem:$0x1C700] =	vst v63  }
0xce: {  	s14 =	simm.s32 @!p3 $0x7;
	s7 =	simm.s32 @p2 $0x0;
	s6 =	simm.s32 @p4 $0x0  }
0xcf: {  	[spmem:s2] =	stream.indirect.scatter.add.f32 @p1 [tilespmem:s12], [sflag:$0xA], $0x1, s19, s11, $0xb8;
	[tilespmem:$0x1C700] =	vst v63  }
0xd0: {  	p1 =	seq.s32 @!p3 s6, s7;
	_ =	swait.ge @!p3 [sflag:s14], $0x4000  }
0xd1: {  	p1 =	por p1, p3;
	[sflag:s14] =	ssyncset.done @!p3 $0x0  }
0xd2: {  	s6 =	simm.s32 @!p1 $0x9;
	[sflag:s14] =	ssyncadd.s32 @!p3 $0xFFFFC000  }
0xd3: {  	_ =	swait.ge @!p1 [sflag:s6], $0x80  }
0xd4: {  	s7 =	sadd.s32 @!p3 s8, s9;
	s12 =	simm.s32 @!p3 $0x0;
	[sflag:s6] =	ssyncset.done @!p1 $0x0  }
0xd5: {  	s11 =	sadd.s32 @!p3 $0x40, s7;
	s14 =	simm.s32 @!p3 $0x200;
	[sflag:s6] =	ssyncadd.s32 @!p1 $0xFFFFFF80  }
0xd6: {  	[tilespmem:s14], [sflag:$0x3] =	stream.linear.gather @!p3 [hbm4b:s11+s12], $0x100, $0x38;
	[tilespmem:$0x1C700] =	vst v63  }
0xd7: {  	_ =	swait.ge [sflag:s25], $0x100  }
0xd8: {  	[sflag:s25] =	ssyncset.done $0x0  }
0xd9: {  	s6 =	simm.s32 @!p3 $0x8;
	[sflag:s25] =	ssyncadd.s32 $0xFFFFFF00  }
0xda: {  	[tilespmem:s28], [sflag:$0x5] =	stream.indirect.gather [hbm4b:s13+s26], $0x80, s5, s26, $0xb8;
	[tilespmem:$0x1C700] =	vst v63  }
0xdb: {  	_ =	swait.ge @!p3 [sflag:s6], $0x4000  }
0xdc: {  	[sflag:s6] =	ssyncset.done @!p3 $0x0  }
0xdd: {  	s11 =	simm.s32 @!p1 $0xA;
	[sflag:s6] =	ssyncadd.s32 @!p3 $0xFFFFC000  }
0xde: {  	_ =	swait.ge @!p1 [sflag:s11], $0x80  }
0xdf: {  	[sflag:s11] =	ssyncset.done @!p1 $0x0  }
0xe0: {  	s6 =	sadd.s32 @!p3 $0x60, s7;
	s7 =	simm.s32 @!p3 $0x300;
	[sflag:s11] =	ssyncadd.s32 @!p1 $0xFFFFFF80  }
0xe1: {  	[tilespmem:s7], [sflag:$0x4] =	stream.linear.gather @!p3 [hbm4b:s6+s12], $0x100, $0x38;
	[tilespmem:$0x1C700] =	vst v63  }
0xe2: {  	_ =	swait.ge [sflag:s29], $0x100  }
0xe3: {  	[sflag:s29] =	ssyncset.done $0x0  }
0xe4: {  	[sflag:s29] =	ssyncadd.s32 $0xFFFFFF00  }
0xe5: {  	[tilespmem:s30], [sflag:$0x6] =	stream.indirect.gather [hbm4b:s13+s26], $0x80, s22, s26, $0xb8;
	[tilespmem:$0x1C700] =	vst v63  }
0xe6: {  	p2 =	sgt.u32 s10, $0x9;
	_ =	swait.ge [sflag:s31], $0x4000  }
0xe7: {  	p1 =	por !p2, !p2;
	[sflag:s31] =	ssyncset.done $0x0  }
0xe8: {  	p1 =	por @!p0 p2, p2;
	[sflag:s31] =	ssyncadd.s32 $0xFFFFC000  }
0xe9: {  	[spmem:s1] =	stream.indirect.scatter.add.f32 [tilespmem:s28], [sflag:$0x7], $0x80, s26, s26, $0xb8;
	[tilespmem:$0x1C700] =	vst v63  }
0xea: {  	s6 =	simm.s32 @p1 $0x80;
	s10 =	simm.s32 @p1 $0x8400;
	s11 =	simm.s32 @p1 $0x6  }
0xeb: {  	[spmem:s2] =	stream.indirect.scatter.add.f32 @p1 [tilespmem:s10], [sflag:$0x9], $0x1, s6, s6, $0xb8;
	[tilespmem:$0x1C700] =	vst v63  }
0xec: {  	_ =	swait.ge @p1 [sflag:s11], $0x4000  }
0xed: {  	[sflag:s11] =	ssyncset.done @p1 $0x0  }
0xee: {  	s7 =	simm.s32 @p1 $0x180;
	s12 =	simm.s32 @p1 $0x4400;
	[sflag:s11] =	ssyncadd.s32 @p1 $0xFFFFC000  }
0xef: {  	[spmem:s1] =	stream.indirect.scatter.add.f32 @p1 [tilespmem:s12], [sflag:$0x8], $0x80, s7, s6, $0xb8;
	[tilespmem:$0x1C700] =	vst v63  }
0xf0: {  	s14 =	simm.s32 @p1 $0x7  }
0xf1: {  	[spmem:s2] =	stream.indirect.scatter.add.f32 @p1 [tilespmem:s10], [sflag:$0xA], $0x1, s7, s6, $0xb8;
	[tilespmem:$0x1C700] =	vst v63  }
0xf2: {  	_ =	swait.ge @p1 [sflag:s14], $0x4000  }
0xf3: {  	[sflag:s14] =	ssyncset.done @p1 $0x0  }
0xf4: {  	s7 =	simm.s32 @p1 $0x9;
	[sflag:s14] =	ssyncadd.s32 @p1 $0xFFFFC000  }
0xf5: {  	_ =	swait.ge @p1 [sflag:s7], $0x80  }
0xf6: {  	[sflag:s7] =	ssyncset.done @p1 $0x0  }
0xf7: {  	[sflag:s7] =	ssyncadd.s32 @p1 $0xFFFFFF80;
	s7 =	simm.s32 @!p1 $0x6  }
0xf8: {  	_ =	swait.ge @!p1 [sflag:s7], $0x4000  }
0xf9: {  	s15 =	simm.s32 @!p1 $0x7;
	s16 =	simm.s32 @!p1 $0x80;
	[sflag:s7] =	ssyncset.done @!p1 $0x0  }
0xfa: {  	s18 =	simm.s32 @!p1 $0x180;
	s14 =	simm.s32 @!p1 $0x4400;
	[sflag:s7] =	ssyncadd.s32 @!p1 $0xFFFFC000  }
0xfb: {  	[spmem:s1] =	stream.indirect.scatter.add.f32 @!p1 [tilespmem:s14], [sflag:$0x8], $0x80, s18, s16, $0xb8;
	[tilespmem:$0x1C700] =	vst v63  }
0xfc: {  	p2 =	seq.s32 s8, $0x980;
	_ =	swait.ge @!p1 [sflag:s15], $0x4000  }
0xfd: {  	s8 =	sadd.s32 @!p2 s8, s9;
	[sflag:s15] =	ssyncset.done @!p1 $0x0  }
0xfe: {  	s18 =	simm.s32 @!p2 $0x0;
	[sflag:s15] =	ssyncadd.s32 @!p1 $0xFFFFC000;
	s15 =	sadd.s32 @!p2 $0x80, s8  }
0xff: {  	[tilespmem:s18], [sflag:$0x1] =	stream.linear.gather @!p2 [hbm4b:s15+s18], $0x100, $0x38;
	[tilespmem:$0x1C700] =	vst v63  }
0x100: {  	_ =	swait.ge [sflag:s0], $0x100  }
0x101: {  	[sflag:s0] =	ssyncset.done $0x0  }
0x102: {  	[sflag:s0] =	ssyncadd.s32 $0xFFFFFF00  }
0x103: {  	[tilespmem:s28], [sflag:$0x5] =	stream.indirect.gather [hbm4b:s13+s26], $0x80, s23, s26, $0xb8;
	[tilespmem:$0x1C700] =	vst v63  }
0x104: {  	_ =	swait.ge [sflag:s3], $0x4000  }
0x105: {  	[sflag:s3] =	ssyncset.done $0x0  }
0x106: {  	s15 =	simm.s32 @p1 $0xA;
	[sflag:s3] =	ssyncadd.s32 $0xFFFFC000  }
0x107: {  	_ =	swait.ge @p1 [sflag:s15], $0x80  }
0x108: {  	[sflag:s15] =	ssyncset.done @p1 $0x0  }
0x109: {  	s8 =	sadd.s32 @!p2 $0xA0, s8;
	[sflag:s15] =	ssyncadd.s32 @p1 $0xFFFFFF80;
	s15 =	simm.s32 @!p2 $0x100  }
0x10a: {  	[tilespmem:s15], [sflag:$0x2] =	stream.linear.gather @!p2 [hbm4b:s8+s18], $0x100, $0x38;
	[tilespmem:$0x1C700] =	vst v63  }
0x10b: {  	_ =	swait.ge [sflag:s17], $0x100  }
0x10c: {  	[sflag:s17] =	ssyncset.done $0x0  }
0x10d: {  	[sflag:s17] =	ssyncadd.s32 $0xFFFFFF00  }
0x10e: {  	[tilespmem:s30], [sflag:$0x6] =	stream.indirect.gather [hbm4b:s13+s26], $0x80, s24, s26, $0xb8;
	[tilespmem:$0x1C700] =	vst v63  }
0x10f: {  	_ =	swait.ge [sflag:s31], $0x4000  }
0x110: {  	[sflag:s31] =	ssyncset.done $0x0  }
0x111: {  	s21 =	rddreg [dreg:$0x5];
	[sflag:s31] =	ssyncadd.s32 $0xFFFFC000  }
0x112: {  	[spmem:s1] =	stream.indirect.scatter.add.f32 [tilespmem:s28], [sflag:$0x7], $0x80, s21, s26, $0xb8;
	[tilespmem:$0x1C700] =	vst v63  }
0x113: {  	_ =	swait.ge @!p1 [sflag:s7], $0x4000  }
0x114: {  	[sflag:s7] =	ssyncset.done @!p1 $0x0  }
0x115: {  	[sflag:s7] =	ssyncadd.s32 @!p1 $0xFFFFC000;
	s7 =	simm.s32 @!p1 $0x380  }
0x116: {  	[spmem:s1] =	stream.indirect.scatter.add.f32 @!p1 [tilespmem:s14], [sflag:$0x8], $0x80, s7, s16, $0xb8;
	[tilespmem:$0x1C700] =	vst v63  }
0x117: {  	s7 =	simm.s32 @p1 $0x280  }
0x118: {  	[spmem:s2] =	stream.indirect.scatter.add.f32 @p1 [tilespmem:s10], [sflag:$0x9], $0x1, s7, s6, $0xb8;
	[tilespmem:$0x1C700] =	vst v63  }
0x119: {  	_ =	swait.ge @p1 [sflag:s11], $0x4000  }
0x11a: {  	[sflag:s11] =	ssyncset.done @p1 $0x0  }
0x11b: {  	s7 =	simm.s32 @p1 $0x380;
	[sflag:s11] =	ssyncadd.s32 @p1 $0xFFFFC000  }
0x11c: {  	[spmem:s1] =	stream.indirect.scatter.add.f32 @p1 [tilespmem:s12], [sflag:$0x8], $0x80, s7, s6, $0xb8;
	[tilespmem:$0x1C700] =	vst v63  }
0x11d: {  	s14 =	simm.s32 $0x7  }
0x11e: {  	[spmem:s2] =	stream.indirect.scatter.add.f32 @p1 [tilespmem:s10], [sflag:$0xA], $0x1, s7, s6, $0xb8;
	[tilespmem:$0x1C700] =	vst v63  }
0x11f: {  	_ =	swait.ge [sflag:s14], $0x4000  }
0x120: {  	[sflag:s14] =	ssyncset.done $0x0  }
0x121: {  	s6 =	simm.s32 @p0 $0x8;
	[sflag:s14] =	ssyncadd.s32 $0xFFFFC000  }
0x122: {  	_ =	swait.ge @p0 [sflag:s6], $0x4000  }
0x123: {  	[sflag:s6] =	ssyncset.done @p0 $0x0  }
0x124: {  	[sflag:s6] =	ssyncadd.s32 @p0 $0xFFFFC000;
	s6 =	simm.s32 @!p0 $0x9  }
0x125: {  	_ =	swait.ge @!p0 [sflag:s6], $0x80  }
0x126: {  	[sflag:s6] =	ssyncset.done @!p0 $0x0  }
0x127: {  	[sflag:s6] =	ssyncadd.s32 @!p0 $0xFFFFFF80;
	s6 =	simm.s32 @!p0 $0x8  }
0x128: {  	_ =	swait.ge @!p0 [sflag:s6], $0x4000  }
0x129: {  	[sflag:s6] =	ssyncset.done @!p0 $0x0  }
0x12a: {  	[sflag:s6] =	ssyncadd.s32 @!p0 $0xFFFFC000;
	s6 =	simm.s32 @!p0 $0xA  }
0x12b: {  	_ =	swait.ge @!p0 [sflag:s6], $0x80  }
0x12c: {  	[sflag:s6] =	ssyncset.done @!p0 $0x0  }
0x12d: {  	[sflag:s6] =	ssyncadd.s32 @!p0 $0xFFFFFF80  }
0x12e: {  	[bflag:$0x0] =	sbarrier.arrive $0xFFFF  }
0x12f: {  	s15 =	rddreg [dreg:$0xc]  }
0x130: {  	s11 =	rddreg [dreg:$0xf]  }
0x131: {  	s8 =	simm.s32 $0xB;
	s10 =	rddreg [dreg:$0x10]  }
0x132: {  	[hbm:s15], [sflag:s11] =	dma.local [spmem:s10], $0x2800  }
0x133: {  	_ =	swait.ge [sflag:s8], $0x2800  }
0x134: {  	s19 =	simm.s32 $0x10;
	[sflag:s8] =	ssyncset.done $0x0;
	s16 =	rddreg [dreg:$0xd]  }
0x135: {  	s18 =	simm.s32 $0x20;
	s12 =	rddreg [dreg:$0x11];
	[sflag:s8] =	ssyncadd.s32 $0xFFFFD800  }
0x136: {  	[hbm:s16@s18], [sflag:s11] =	dma.strided [spmem:s12@s19], $0x50, s25, $0x10   }
0x137: {  	_ =	swait.ge [sflag:s8], $0x50  }
0x138: {  	s20 =	rddreg [dreg:$0x12]  }
0x139: {  	s21 =	rddreg [dreg:$0xe];
	s7 =	sadd.s32 $0x1, s20  }
0x13a: {  	p1 =	sne.s32 s7, s21  }
.Ltmp1:
0x13b: {  	_ = 	snop;
	(pc) =	sbr.rel @p1 .LBB2_1-.Ltmp1, $3  }
0x13c: {  	_ =	sdelay $0x1  }
0x13d: {  	[sflag:s8] =	ssyncset.done $0x0  }
0x13e: {  	[sflag:s8] =	ssyncadd.s32 $0xFFFFFFB0  }
0x13f: {  	_ =	sfence.sel $0x180000  }
0x140: {  	[bflag:$0x0] =	sbarrier.arrive $0xFFFF  }
0x141: {  	_ =	strace $0x90000047  }
0x142: {  	s0 =	stileid.u32;
	[bflag:$0x2] =	sbarrier.arrive $0xFFFF  }
0x143: {  	p0 =	sne.s32 s0, $0x0;
	s0 =	rddreg [dreg:$0x4]  }
0x144: {  	s0 =	sadd.s32 @!p0 $0x100000, s0  }
0x145: {  	[sflag:s0] =	ssyncadd.tile.s32 @!p0 $0x1;
	_ =	shalt  }
.Lfunc_end2:
_tile_overlayer_lowered:
.L_overlay_start_2:
0x146: {  	(tag) =	ssettag $0x2  }
0x147: {  	s0 =	rddreg [dreg:$0x0];
	s2 =	stileid.u32  }
0x148: {  	s1 =	rddreg [dreg:$0x1];
	p0 =	sne.s32 s2, $0x0  }
0x149: {  	s3 =	rddreg [dreg:$0x2];
	[bflag:$0x3] =	sbarrier.arrive $0xFFFF;
	s2 =	simm.s32 @!p0 $0x1C0B  }
0x14a: {  	[timem:s3], [sflag:s2] =	dma.local @!p0 [hbm:s0], s1  }
0x14b: {  	s0 =	simm.s32 @!p0 $0xB  }
0x14c: {  	_ =	swait.ge @!p0 [sflag:s0], s1  }
0x14d: {  	s1 =	ssub.s32 @!p0 $0x0, s1;
	[sflag:s0] =	ssyncset.done @!p0 $0x0  }
0x14e: {  	[sflag:s0] =	ssyncadd.s32 @!p0 s1  }
0x14f: {  	[bflag:$0x3] =	sbarrier.arrive $0xFFFF  }
0x150: {  	_ =	shalt  }

// kernel: kernel.9.cloned.1.call-start
scs
__scs_entry_jumppad:
0x0: {  	(pc) =	sbr.rel $0x88, $3  }
0x1: {  	(tag) =	ssettag $0x0;
	lr =	simm.s32 $0x1  }
0x2: {  	[smem:$0x3F99] =	sst lr;
	_ =	strace $0xD0000000  }
0x3: {  	_ = 	snop  }
0x4: {  	_ = 	snop  }
0x5: {  	_ = 	snop  }
0x6: {  	_ = 	snop  }
0x7: {  	_ = 	snop  }
__scs_overlays_trampoline_lowered:
0x8: {  	[smem:$0x3FA8] =	sst s0  }
0x9: {  	[smem:$0x3FA9] =	sst s1  }
0xa: {  	[smem:$0x3FAA] =	sst s2  }
0xb: {  	[smem:$0x3FAB] =	sst s3  }
0xc: {  	[smem:$0x3FAC] =	sst s4  }
0xd: {  	[smem:$0x3FAD] =	sst s5  }
0xe: {  	[smem:$0x3FAE] =	sst s6  }
0xf: {  	[smem:$0x3FAF] =	sst s7  }
0x10: {  	[smem:$0x3FB0] =	sst s8  }
0x11: {  	[smem:$0x3FB1] =	sst s9;
	s0 =	simm.s32 @!p0 $0x0  }
0x12: {  	s1 =	sld [smem:$0x3F97];
	s0 =	simm.s32 @p0 $0x1  }
0x13: {  	[smem:$0x3FB2] =	sst s0;
	s0 =	simm.s32 @!p1 $0x0  }
0x14: {  	s2 =	sld [smem:$0x3F96];
	s0 =	simm.s32 @p1 $0x1  }
0x15: {  	[smem:$0x3FB3] =	sst s0;
	s0 =	simm.s32 @!p2 $0x0  }
0x16: {  	s3 =	sld [smem:$0x3FDB];
	s0 =	simm.s32 @p2 $0x1  }
0x17: {  	s4 =	simm.s32 $0x1BF5;
	[smem:$0x3FB5] =	sst s0  }
0x18: {  	s0 =	sld [smem:$0x3F98];
	_ =	swait.ge [sflag:s4], $0x0  }
0x19: {  	s7 =	sld [smem:$0x3F99]  }
0x1a: {  	s8 =	sadd.s32 $0xFFFFE003, lr  }
0x1b: {  	s9 =	sadd.s32 $0xFFFFFEF7, lr;
	s5 =	simm.s32 $0xFFFFFFFF;
	p2 =	slt.u32 s8, $0xFFFFF086  }
0x1c: {  	p1 =	slt.u32 s9, $0xF7A;
	s5 =	simm.s32 @!p2 $0x0  }
0x1d: {  	s5 =	simm.s32 @p1 $0x1;
	p0 =	seq.s32 s7, s2  }
0x1e: {  	s7 =	smul.u32 @!p0 $0xF7A, s2;
	p2 =	seq.s32 @!p0 s5, $0x0  }
0x1f: {  	s9 =	smul.u32 $0xF7A, s1;
	s8 =	simm.s32 @!p0 $0x1BF5;
	p2 =	por !p2, p0  }
0x20: {  	[sflag:s8] =	ssyncset.s32 @!p0 $0xFFFFF086;
	s6 =	sadd.s32 @!p0 s3, s7;
	s7 =	simm.s32 @!p0 $0x108  }
0x21: {  	s3 =	sadd.s32 s3, s9;
	s6 =	sadd.s32 @!p0 $0x88, s6;
	s7 =	simm.s32 @p2 $0x1082  }
0x22: {  	[simem:s7], [sflag:s8] =	dma.local @!p0 [hbm:s6], $0xF7A  }
0x23: {  	s9 =	sor.u32 $0xD0000000, s2;
	s6 =	simm.s32 $0x108;
	_ =	swait.ge @!p0 [sflag:s8], $0x0  }
0x24: {  	s3 =	sadd.s32 $0x88, s3;
	s6 =	simm.s32 @!p1 $0x1082;
	[sflag:s4] =	ssyncset.s32 $0xFFFFF086  }
0x25: {  	[simem:s6], [sflag:s4] =	dma.local [hbm:s3], $0xF7A  }
0x26: {  	[smem:$0x3F99] =	sst s1;
	(tag) =	ssettag s2;
	_ =	strace s9  }
0x27: {  	s1 =	sld [smem:$0x3FA9]  }
0x28: {  	s2 =	sld [smem:$0x3FAA]  }
0x29: {  	s4 =	sld [smem:$0x3FAC]  }
0x2a: {  	p0 =	seq.s32 s5, $0x0;
	s5 =	sld [smem:$0x3FAD]  }
0x2b: {  	s6 =	sld [smem:$0x3FAE]  }
0x2c: {  	s7 =	sld [smem:$0x3FAF]  }
0x2d: {  	s3 =	simm.s32 $0x108;
	s8 =	sld [smem:$0x3FB0]  }
0x2e: {  	s3 =	simm.s32 @!p0 $0x1082;
	s9 =	sld [smem:$0x3FB1]  }
0x2f: {  	lr =	sadd.s32 s0, s3;
	s0 =	sld [smem:$0x3FA8]  }
0x30: {  	s3 =	sld [smem:$0x3FAB]  }
0x31: {  	[smem:$0x3FB4] =	sst s10  }
0x32: {  	s10 =	sld [smem:$0x3FB2];
	_ =	sdelay $0x3  }
0x33: {  	p0 =	seq.s32 s10, $0x1;
	s10 =	sld [smem:$0x3FB4];
	_ =	sdelay $0x3  }
0x34: {  	[smem:$0x3FB4] =	sst s10  }
0x35: {  	s10 =	sld [smem:$0x3FB3];
	_ =	sdelay $0x3  }
0x36: {  	p1 =	seq.s32 s10, $0x1;
	s10 =	sld [smem:$0x3FB4];
	_ =	sdelay $0x3  }
0x37: {  	[smem:$0x3FB4] =	sst s10  }
0x38: {  	s10 =	sld [smem:$0x3FB5]  }
0x39: {  	_ = 	snop;
	(pc) =	sbr.ind lr, $3  }
0x3a: {  	_ = 	snop  }
0x3b: {  	_ = 	snop  }
0x3c: {  	p2 =	seq.s32 s10, $0x1;
	s10 =	sld [smem:$0x3FB4]  }
0x3d: {  	_ =	shalt  }
0x3e: {  	_ =	shalt  }
0x3f: {  	_ =	shalt  }
0x40: {  	_ =	shalt  }
0x41: {  	_ =	shalt  }
0x42: {  	_ =	shalt  }
0x43: {  	_ =	shalt  }
0x44: {  	_ =	shalt  }
0x45: {  	_ =	shalt  }
0x46: {  	_ =	shalt  }
0x47: {  	_ =	shalt  }
0x48: {  	_ =	shalt  }
0x49: {  	_ =	shalt  }
0x4a: {  	_ =	shalt  }
0x4b: {  	_ =	shalt  }
0x4c: {  	_ =	shalt  }
0x4d: {  	_ =	shalt  }
0x4e: {  	_ =	shalt  }
0x4f: {  	_ =	shalt  }
0x50: {  	_ =	shalt  }
0x51: {  	_ =	shalt  }
0x52: {  	_ =	shalt  }
0x53: {  	_ =	shalt  }
0x54: {  	_ =	shalt  }
0x55: {  	_ =	shalt  }
0x56: {  	_ =	shalt  }
0x57: {  	_ =	shalt  }
0x58: {  	_ =	shalt  }
0x59: {  	_ =	shalt  }
0x5a: {  	_ =	shalt  }
0x5b: {  	_ =	shalt  }
0x5c: {  	_ =	shalt  }
0x5d: {  	_ =	shalt  }
0x5e: {  	_ =	shalt  }
0x5f: {  	_ =	shalt  }
0x60: {  	_ =	shalt  }
0x61: {  	_ =	shalt  }
0x62: {  	_ =	shalt  }
0x63: {  	_ =	shalt  }
0x64: {  	_ =	shalt  }
0x65: {  	_ =	shalt  }
0x66: {  	_ =	shalt  }
0x67: {  	_ =	shalt  }
0x68: {  	_ =	shalt  }
0x69: {  	_ =	shalt  }
0x6a: {  	_ =	shalt  }
0x6b: {  	_ =	shalt  }
0x6c: {  	_ =	shalt  }
0x6d: {  	_ =	shalt  }
0x6e: {  	_ =	shalt  }
0x6f: {  	_ =	shalt  }
0x70: {  	_ =	shalt  }
0x71: {  	_ =	shalt  }
0x72: {  	_ =	shalt  }
0x73: {  	_ =	shalt  }
0x74: {  	_ =	shalt  }
0x75: {  	_ =	shalt  }
0x76: {  	_ =	shalt  }
0x77: {  	_ =	shalt  }
0x78: {  	_ =	shalt  }
0x79: {  	_ =	shalt  }
0x7a: {  	_ =	shalt  }
0x7b: {  	_ =	shalt  }
0x7c: {  	_ =	shalt  }
0x7d: {  	_ =	shalt  }
0x7e: {  	_ =	shalt  }
0x7f: {  	_ =	shalt  }
0x80: {  	_ =	shalt  }
0x81: {  	_ =	shalt  }
0x82: {  	_ =	shalt  }
0x83: {  	_ =	shalt  }
0x84: {  	_ =	shalt  }
0x85: {  	_ =	shalt  }
0x86: {  	_ =	shalt  }
0x87: {  	_ =	shalt  }
.Lfunc_end0:
.L_simem_size_0:
called_computation.1_lowered:
.L_overlay_start_0:
0x88: {  	s2 =	sld [smem:$0x3FD9]  }
0x89: {  	s3 =	sld [smem:$0x3FFE];
	_ =	sdelay $0x1  }
0x8a: {  	s1 =	srdreg.scid  }
0x8b: {  	s0 =	sand.u32 $0x1, s1  }
0x8c: {  	s17 =	sshll.u32 s0, $0xA;
	s2 =	sadd.s32 s3, s2  }
0x8d: {  	s2 =	sadd.s32 s2, s17  }
0x8e: {  	[smem:$0x3FC0] =	sst s2  }
0x8f: {  	_ = 	snop  }
0x90: {  	s2 =	sld [smem:$0x3FD0];
	(tm) =	ssettm $0x1  }
0x91: {  	s18 =	sld [smem:$0x3FFB];
	_ =	sdelay $0x3  }
0x92: {  	_ =	strace s18  }
0x93: {  	s3 =	sld [smem:$0x3FFC];
	_ =	sdelay $0x3  }
0x94: {  	_ =	strace s3  }
0x95: {  	s3 =	sld [smem:$0x3FFD];
	_ =	sdelay $0x3  }
0x96: {  	_ =	strace s3  }
0x97: {  	_ =	strace $0x8FFFFFFF  }
0x98: {  	s19 =	sld [smem:$0x3FDB];
	_ =	sdelay $0x1  }
0x99: {  	s4 =	simm.s32 $_scs_section_size  }
0x9a: {  	s5 =	simm.s32 $_size__tile_overlayer_lowered;
	s6 =	simm.s32 $_tile_overlayer_lowered  }
0x9b: {  	s22 =	simm.s32 $0x1BFF;
	s21 =	sshll.u32 s6, $0x1;
	s3 =	sadd.s32 s4, s19  }
0x9c: {  	s7 =	simm.s32 $0x0;
	s20 =	sshll.u32 s5, $0x1;
	s5 =	sadd.s32 s21, s3  }
0x9d: {  	[timem:s7], [sflag:s22] =	dma.local [hbm:s5], s20  }
0x9e: {  	_ =	swait.ge [sflag:s22], s20  }
0x9f: {  	s4 =	ssub.s32 $0x0, s20;
	[sflag:s22] =	ssyncset.done $0x0  }
0xa0: {  	[sflag:s22] =	ssyncadd.s32 s4;
	_ =	sdelay $0x1  }
0xa1: {  	s23 =	simm.s32 $0x1B8B  }
0xa2: {  	_ =	swait.ge [sflag:s23], $0x1  }
0xa3: {  	[sflag:s23] =	ssyncset.done $0x0  }
0xa4: {  	s25 =	simm.s32 $0x1B8E;
	s24 =	sld [smem:$0x3FFE];
	[sflag:s23] =	ssyncadd.s32 $0xFFFFFFFF  }
0xa5: {  	s26 =	simm.s32 $execute0_lowered;
	[smem:$0x3FD2] =	sst s25  }
0xa6: {  	s5 =	sshll.u32 s26, $0x1;
	_ =	strace $0x80000049;
	[dreg:$0x1] =	wrdreg $0xFFFFFFFF  }
0xa7: {  	s28 =	simm.s32 $_size_execute0_lowered;
	s3 =	sadd.s32 s3, s5;
	[dreg:$0x0] =	wrdreg $0x0  }
0xa8: {  	s5 =	sshll.u32 s28, $0x1;
	[dreg:$0x2] =	wrdreg s3  }
0xa9: {  	[dreg:$0x3] =	wrdreg s5  }
0xaa: {  	[dreg:$0x4] =	wrdreg $0xC0  }
0xab: {  	_ =	task [dreg:s7], $0x5FFFF  }
0xac: {  	[dreg:$0x1] =	wrdreg $0xFFFFFFFF  }
0xad: {  	[dreg:$0x0] =	wrdreg $0x60  }
0xae: {  	[dreg:$0x2] =	wrdreg s24  }
0xaf: {  	[dreg:$0x3] =	wrdreg s2  }
0xb0: {  	[dreg:$0x4] =	wrdreg $0x84000  }
0xb1: {  	[dreg:$0x5] =	wrdreg $0x9  }
0xb2: {  	_ =	task.clear_ibuf [dreg:s7], $0x6FFFF;
	_ =	strace $0x90000049  }
0xb3: {  	s29 =	simm.s32 $0x9;
	_ =	strace $0x8000004B  }
0xb4: {  	_ =	swait.ge [sflag:s29], $0x1  }
0xb5: {  	[sflag:s29] =	ssyncadd.s32 $0xFFFFFFFF  }
0xb6: {  	_ =	strace $0x9000004B  }
0xb7: {  	_ =	sfence  }
0xb8: {  	s30 =	sld [smem:$0x0];
	_ =	sdelay $0x2  }
0xb9: {  	s31 =	sshll.u32 s1, $0xD;
	s1 =	sshrl.u32 s1, $0x2  }
0xba: {  	s3 =	sand.u32 $0x4000, s31;
	s1 =	sadd.s32 s1, s30  }
0xbb: {  	s0 =	sor.u32 s3, s0;
	s1 =	sshll.u32 s1, $0x11  }
0xbc: {  	s0 =	sor.u32 s1, s0  }
0xbd: {  	s0 =	sadd.s32 $0x8F2B, s0  }
0xbe: {  	[sflag:s0] =	ssyncadd.remote.s32 $0x1  }
0xbf: {  	_ =	sfence.sel $0xFFFF  }
0xc0: {  	[dreg:$0x0] =	wrdreg $0xFFFFFFFF;
	(pc) =	sbr.abs _section_cstart, $3  }
0xc1: {  	[dreg:$0x1] =	wrdreg $0xFFFFFFFF  }
0xc2: {  	_ =	task.clear_ibuf [dreg:s7], $0x2FFFF;
	_ =	strace $0x9FFFFFFF  }
0xc3: {  	(tm) =	ssettm $0x7FFFFFFF  }
tec
execute0_lowered:
.L_overlay_start_1:
0x0: {  	(tag) =	ssettag $0x1  }
0x1: {  	s0 =	rddreg [dreg:$0x0]  }
0x2: {  	s2 =	rddreg [dreg:$0x1];
	s3 =	srdreg.scid  }
0x3: {  	s1 =	rddreg [dreg:$0x2];
	s11 =	stileid.u32  }
0x4: {  	s14 =	simm.s32 $0x9;
	s15 =	simm.s32 $0x100;
	s26 =	simm.s32 $0x180  }
0x5: {  	s30 =	simm.s32 $0x280;
	s31 =	simm.s32 $0x380;
	s7 =	smul.u32 $0x14000, s11  }
0x6: {  	s28 =	simm.s32 $0x8;
	s29 =	simm.s32 $0x0;
	s18 =	smul.u32 $0x50000, s11  }
0x7: {  	s4 =	sand.u32 $0x1, s3;
	s3 =	simm.s32 $0x0;
	s9 =	smul.u32 $0xA00, s11  }
0x8: {  	s19 =	sadd.s32 $0x51600, s0;
	s21 =	sshll.u32 s11, $0x6;
	[smem:$0x7FF] =	sst s3  }
0x9: {  	s5 =	smul.u32 $0x28000, s4;
	_ =	strace $0x8000004A;
	[dreg:$0x7] =	wrdreg s19  }
0xa: {  	s6 =	smul.u32 $0x140000, s4;
	s17 =	ssub.s32 $0x2, s4;
	[dreg:$0x4] =	wrdreg s26  }
0xb: {  	s8 =	sshrl.u32 s17, $0x1;
	s20 =	sshrl.u32 s18, $0x2;
	[dreg:$0x5] =	wrdreg s30  }
0xc: {  	s18 =	simm.s32 $0x1;
	s19 =	simm.s32 $0x80;
	[dreg:$0x6] =	wrdreg s31  }
0xd: {  	s26 =	simm.s32 $0x4;
	s10 =	sadd.s32 s5, s0;
	s16 =	sadd.s32 s7, s6  }
0xe: {  	s12 =	ssub.s32 s17, s8;
	s22 =	sadd.s32 s20, s1;
	s5 =	sshrl.u32 s16, $0x3  }
0xf: {  	s6 =	sor.u32 $0x1C09, s21;
	s0 =	sadd.s32 s5, s0;
	s5 =	sadd.s32 s2, s9  }
0x10: {  	s17 =	simm.s32 $0x300;
	s20 =	simm.s32 $0x400;
	s23 =	sadd.s32 $0x20, s5  }
0x11: {  	s21 =	simm.s32 $0x2;
	s24 =	sadd.s32 $0x40, s5;
	[dreg:$0x8] =	wrdreg s23  }
0x12: {  	s10 =	sadd.s32 $0x1200, s10;
	s25 =	sadd.s32 $0x60, s5;
	[dreg:$0x9] =	wrdreg s24  }
0x13: {  	s12 =	smax.u32 s12, $0x1;
	s0 =	sadd.s32 $0x53E00, s0;
	[dreg:$0xa] =	wrdreg s25  }
0x14: {  	s13 =	sshrl.u32 s22, $0x3;
	s22 =	simm.s32 $0x4400;
	[dreg:$0xb] =	wrdreg s0  }
0x15: {  	s23 =	simm.s32 $0x5;
	s24 =	simm.s32 $0x6;
	s25 =	simm.s32 $0x7  }
.LBB2_1:
0x16: {  	s0 =	rddreg [dreg:$0x7]  }
0x17: {  	[spmem:s13], [sflag:s6] =	dma.local [hbm:s0], $0x2800  }
0x18: {  	_ =	swait.ge [sflag:s14], $0x2800  }
0x19: {  	[sflag:s14] =	ssyncset.done $0x0  }
0x1a: {  	[sflag:s14] =	ssyncadd.s32 $0xFFFFD800  }
0x1b: {  	[tilespmem:s3], [sflag:$0x1] =	stream.linear.gather [hbm4b:s5+s3], $0x100, $0x38;
	[tilespmem:$0x1C400] =	vst v63  }
0x1c: {  	s7 =	rddreg [dreg:$0x8]  }
0x1d: {  	[tilespmem:s15], [sflag:$0x2] =	stream.linear.gather [hbm4b:s7+s3], $0x100, $0x38;
	[tilespmem:$0x1C400] =	vst v63  }
0x1e: {  	s2 =	simm.s32 $0x200;
	p1 =	por $0x1, $0x1;
	s8 =	rddreg [dreg:$0x9]  }
0x1f: {  	[tilespmem:s2], [sflag:$0x3] =	stream.linear.gather [hbm4b:s8+s3], $0x100, $0x38;
	[tilespmem:$0x1C400] =	vst v63  }
0x20: {  	p0 =	por p1, p1;
	s9 =	rddreg [dreg:$0xa]  }
0x21: {  	[tilespmem:s17], [sflag:$0x4] =	stream.linear.gather [hbm4b:s9+s3], $0x100, $0x38;
	[tilespmem:$0x1C400] =	vst v63  }
0x22: {  	s0 =	simm.s32 @!p0 $0x7;
	[bflag:$0x0] =	sbarrier.arrive $0xFFFF  }
0x23: {  	_ =	swait.ge @!p0 [sflag:s0], $0x4000  }
0x24: {  	s30 =	simm.s32 @!p0 $0x200;
	s2 =	sadd.s32 @!p1 $0x0, s5;
	[sflag:s0] =	ssyncset.done @!p0 $0x0  }
0x25: {  	s16 =	sadd.s32 @!p1 $0x40, s2;
	[sflag:s0] =	ssyncadd.s32 @!p0 $0xFFFFC000;
	s0 =	simm.s32 @!p0 $0x0  }
0x26: {  	[tilespmem:s30], [sflag:$0x3] =	stream.linear.gather @!p0 [hbm4b:s16+s0], $0x100, $0x38;
	[tilespmem:$0x1C400] =	vst v63  }
0x27: {  	_ =	swait.ge [sflag:s18], $0x100  }
0x28: {  	[sflag:s18] =	ssyncset.done $0x0  }
0x29: {  	s16 =	simm.s32 @!p0 $0x8;
	[sflag:s18] =	ssyncadd.s32 $0xFFFFFF00  }
0x2a: {  	[tilespmem:s20], [sflag:$0x5] =	stream.indirect.gather [hbm4b:s10+s19], $0x80, s3, s19, $0xb8;
	[tilespmem:$0x1C400] =	vst v63  }
0x2b: {  	_ =	swait.ge @!p0 [sflag:s16], $0x4000  }
0x2c: {  	[sflag:s16] =	ssyncset.done @!p0 $0x0  }
0x2d: {  	s2 =	sadd.s32 @!p1 $0x60, s2;
	[sflag:s16] =	ssyncadd.s32 @!p0 $0xFFFFC000;
	s16 =	simm.s32 @!p0 $0x300  }
0x2e: {  	[tilespmem:s16], [sflag:$0x4] =	stream.linear.gather @!p0 [hbm4b:s2+s0], $0x100, $0x38;
	[tilespmem:$0x1C400] =	vst v63  }
0x2f: {  	_ =	swait.ge [sflag:s21], $0x100  }
0x30: {  	[sflag:s21] =	ssyncset.done $0x0  }
0x31: {  	[sflag:s21] =	ssyncadd.s32 $0xFFFFFF00  }
0x32: {  	[tilespmem:s22], [sflag:$0x6] =	stream.indirect.gather [hbm4b:s10+s19], $0x80, s15, s19, $0xb8;
	[tilespmem:$0x1C400] =	vst v63  }
0x33: {  	_ =	swait.ge [sflag:s23], $0x4000  }
0x34: {  	[sflag:s23] =	ssyncset.done $0x0  }
0x35: {  	[sflag:s23] =	ssyncadd.s32 $0xFFFFC000  }
0x36: {  	[spmem:s1] =	stream.indirect.scatter.add.f32 [tilespmem:s20], [sflag:$0x7], $0x80, s19, s19, $0xb8;
	[tilespmem:$0x1C400] =	vst v63  }
0x37: {  	_ =	swait.ge [sflag:s24], $0x4000  }
0x38: {  	[sflag:s24] =	ssyncset.done $0x0  }
0x39: {  	s11 =	rddreg [dreg:$0x4];
	[sflag:s24] =	ssyncadd.s32 $0xFFFFC000  }
0x3a: {  	[spmem:s1] =	stream.indirect.scatter.add.f32 [tilespmem:s22], [sflag:$0x8], $0x80, s11, s19, $0xb8;
	[tilespmem:$0x1C400] =	vst v63  }
0x3b: {  	_ =	swait.ge [sflag:s25], $0x4000  }
0x3c: {  	p0 =	por $0x0, $0x0;
	[sflag:s25] =	ssyncset.done $0x0  }
0x3d: {  	s0 =	simm.s32 @p0 $0x3;
	[sflag:s25] =	ssyncadd.s32 $0xFFFFC000  }
0x3e: {  	_ =	swait.ge @p0 [sflag:s0], $0x100  }
0x3f: {  	s2 =	simm.s32 @p0 $0x400;
	s16 =	simm.s32 @p0 $0x8;
	[sflag:s0] =	ssyncset.done @p0 $0x0  }
0x40: {  	s30 =	simm.s32 @p0 $0x200;
	[sflag:s0] =	ssyncadd.s32 @p0 $0xFFFFFF00;
	s0 =	simm.s32 @p0 $0x80  }
0x41: {  	[tilespmem:s2], [sflag:$0x5] =	stream.indirect.gather @p0 [hbm4b:s10+s0], $0x80, s30, s0, $0xb8;
	[tilespmem:$0x1C400] =	vst v63  }
0x42: {  	_ =	swait.ge @p0 [sflag:s16], $0x4000  }
0x43: {  	s0 =	sadd.s32 @!p0 $0x0, s5;
	s30 =	simm.s32 @!p0 $0x3;
	[sflag:s16] =	ssyncset.done @p0 $0x0  }
0x44: {  	s2 =	sadd.s32 @!p0 $0x80, s0;
	[sflag:s16] =	ssyncadd.s32 @p0 $0xFFFFC000;
	s16 =	simm.s32 @!p0 $0x0  }
0x45: {  	[tilespmem:s16], [sflag:$0x1] =	stream.linear.gather @!p0 [hbm4b:s2+s16], $0x100, $0x38;
	[tilespmem:$0x1C400] =	vst v63  }
0x46: {  	_ =	swait.ge @!p0 [sflag:s30], $0x100  }
0x47: {  	s31 =	simm.s32 @!p0 $0x200;
	[sflag:s30] =	ssyncset.done @!p0 $0x0  }
0x48: {  	s2 =	simm.s32 @!p0 $0x400;
	[sflag:s30] =	ssyncadd.s32 @!p0 $0xFFFFFF00;
	s30 =	simm.s32 @!p0 $0x80  }
0x49: {  	[tilespmem:s2], [sflag:$0x5] =	stream.indirect.gather @!p0 [hbm4b:s10+s30], $0x80, s31, s30, $0xb8;
	[tilespmem:$0x1C400] =	vst v63  }
0x4a: {  	s2 =	simm.s32 @!p0 $0x8  }
0x4b: {  	_ =	swait.ge @!p0 [sflag:s2], $0x4000  }
0x4c: {  	[sflag:s2] =	ssyncset.done @!p0 $0x0  }
0x4d: {  	s0 =	sadd.s32 @!p0 $0xA0, s0;
	[sflag:s2] =	ssyncadd.s32 @!p0 $0xFFFFC000;
	s2 =	simm.s32 @!p0 $0x100  }
0x4e: {  	[tilespmem:s2], [sflag:$0x2] =	stream.linear.gather @!p0 [hbm4b:s0+s16], $0x100, $0x38;
	[tilespmem:$0x1C400] =	vst v63  }
0x4f: {  	_ =	swait.ge [sflag:s26], $0x100  }
0x50: {  	[sflag:s26] =	ssyncset.done $0x0  }
0x51: {  	[sflag:s26] =	ssyncadd.s32 $0xFFFFFF00  }
0x52: {  	[tilespmem:s22], [sflag:$0x6] =	stream.indirect.gather [hbm4b:s10+s19], $0x80, s17, s19, $0xb8;
	[tilespmem:$0x1C400] =	vst v63  }
0x53: {  	_ =	swait.ge [sflag:s23], $0x4000  }
0x54: {  	s30 =	simm.s32 $0x80;
	[sflag:s23] =	ssyncset.done $0x0  }
0x55: {  	p0 =	por $0x0, $0x0;
	s16 =	rddreg [dreg:$0x5];
	[sflag:s23] =	ssyncadd.s32 $0xFFFFC000  }
0x56: {  	[spmem:s1] =	stream.indirect.scatter.add.f32 [tilespmem:s20], [sflag:$0x7], $0x80, s16, s19, $0xb8;
	[tilespmem:$0x1C400] =	vst v63  }
0x57: {  	s2 =	simm.s32 $0x100;
	s16 =	sadd.s32 @!p0 $0x80, s5;
	_ =	swait.ge [sflag:s24], $0x4000  }
0x58: {  	s0 =	sadd.s32 @!p0 $0x40, s16;
	s31 =	sadd.s32 @!p0 $0x60, s16;
	[sflag:s24] =	ssyncset.done $0x0  }
0x59: {  	p0 =	por p0, p0;
	s16 =	rddreg [dreg:$0x6];
	[sflag:s24] =	ssyncadd.s32 $0xFFFFC000  }
.LBB2_2:
0x5a: {  	[spmem:s1] =	stream.indirect.scatter.add.f32 [tilespmem:s22], [sflag:$0x8], $0x80, s16, s19, $0xb8;
	[tilespmem:$0x1C400] =	vst v63  }
0x5b: {  	s4 =	simm.s32 @!p0 $0x7  }
0x5c: {  	_ =	swait.ge @!p0 [sflag:s4], $0x4000  }
0x5d: {  	s16 =	smov.u32 s2;
	s9 =	simm.s32 @!p0 $0x200;
	[sflag:s4] =	ssyncset.done @!p0 $0x0  }
0x5e: {  	p2 =	seq.s32 s16, $0x0;
	[sflag:s4] =	ssyncadd.s32 @!p0 $0xFFFFC000;
	s4 =	simm.s32 @!p0 $0x0  }
0x5f: {  	[tilespmem:s9], [sflag:$0x3] =	stream.linear.gather @!p0 [hbm4b:s0+s4], $0x100, $0x38;
	[tilespmem:$0x1C400] =	vst v63  }
0x60: {  	s7 =	sadd.s32 @!p2 s16, s5;
	_ =	swait.ge [sflag:s18], $0x100  }
0x61: {  	s8 =	sadd.s32 @!p2 $0x40, s7;
	[sflag:s18] =	ssyncset.done $0x0  }
0x62: {  	s0 =	smov.u32 s8;
	s8 =	simm.s32 @!p0 $0x8;
	[sflag:s18] =	ssyncadd.s32 $0xFFFFFF00  }
0x63: {  	[tilespmem:s20], [sflag:$0x5] =	stream.indirect.gather [hbm4b:s10+s19], $0x80, s3, s19, $0xb8;
	[tilespmem:$0x1C400] =	vst v63  }
0x64: {  	_ =	swait.ge @!p0 [sflag:s8], $0x4000  }
0x65: {  	[sflag:s8] =	ssyncset.done @!p0 $0x0  }
0x66: {  	[sflag:s8] =	ssyncadd.s32 @!p0 $0xFFFFC000;
	s8 =	simm.s32 @!p0 $0x300  }
0x67: {  	[tilespmem:s8], [sflag:$0x4] =	stream.linear.gather @!p0 [hbm4b:s31+s4], $0x100, $0x38;
	[tilespmem:$0x1C400] =	vst v63  }
0x68: {  	_ =	swait.ge [sflag:s21], $0x100  }
0x69: {  	[sflag:s21] =	ssyncset.done $0x0  }
0x6a: {  	[sflag:s21] =	ssyncadd.s32 $0xFFFFFF00  }
0x6b: {  	[tilespmem:s22], [sflag:$0x6] =	stream.indirect.gather [hbm4b:s10+s19], $0x80, s15, s19, $0xb8;
	[tilespmem:$0x1C400] =	vst v63  }
0x6c: {  	_ =	swait.ge [sflag:s23], $0x4000  }
0x6d: {  	[sflag:s23] =	ssyncset.done $0x0  }
0x6e: {  	[sflag:s23] =	ssyncadd.s32 $0xFFFFC000  }
0x6f: {  	[spmem:s1] =	stream.indirect.scatter.add.f32 [tilespmem:s20], [sflag:$0x7], $0x80, s19, s19, $0xb8;
	[tilespmem:$0x1C400] =	vst v63  }
0x70: {  	_ =	swait.ge [sflag:s24], $0x4000  }
0x71: {  	[sflag:s24] =	ssyncset.done $0x0  }
0x72: {  	s11 =	rddreg [dreg:$0x4];
	[sflag:s24] =	ssyncadd.s32 $0xFFFFC000  }
0x73: {  	[spmem:s1] =	stream.indirect.scatter.add.f32 [tilespmem:s22], [sflag:$0x8], $0x80, s11, s19, $0xb8;
	[tilespmem:$0x1C400] =	vst v63  }
0x74: {  	s7 =	sadd.s32 @!p2 $0x60, s7;
	_ =	swait.ge [sflag:s25], $0x4000  }
0x75: {  	p0 =	por p2, p2;
	p2 =	seq.s32 s30, $0x980;
	[sflag:s25] =	ssyncset.done $0x0  }
0x76: {  	s4 =	simm.s32 @p2 $0x3;
	[sflag:s25] =	ssyncadd.s32 $0xFFFFC000  }
0x77: {  	s31 =	smov.u32 s7;
	s7 =	sadd.s32 @!p2 s30, s5;
	_ =	swait.ge @p2 [sflag:s4], $0x100  }
0x78: {  	s9 =	simm.s32 @p2 $0x400;
	s30 =	simm.s32 @p2 $0x200;
	[sflag:s4] =	ssyncset.done @p2 $0x0  }
0x79: {  	s11 =	simm.s32 @p2 $0x8;
	[sflag:s4] =	ssyncadd.s32 @p2 $0xFFFFFF00;
	s4 =	simm.s32 @p2 $0x80  }
0x7a: {  	[tilespmem:s9], [sflag:$0x5] =	stream.indirect.gather @p2 [hbm4b:s10+s4], $0x80, s30, s4, $0xb8;
	[tilespmem:$0x1C400] =	vst v63  }
0x7b: {  	_ =	swait.ge @p2 [sflag:s11], $0x4000  }
0x7c: {  	s8 =	sadd.s32 @!p2 $0x80, s7;
	[sflag:s11] =	ssyncset.done @p2 $0x0  }
0x7d: {  	s4 =	simm.s32 @!p2 $0x0;
	s9 =	simm.s32 @!p2 $0x3;
	[sflag:s11] =	ssyncadd.s32 @p2 $0xFFFFC000  }
0x7e: {  	[tilespmem:s4], [sflag:$0x1] =	stream.linear.gather @!p2 [hbm4b:s8+s4], $0x100, $0x38;
	[tilespmem:$0x1C400] =	vst v63  }
0x7f: {  	s30 =	smov.u32 s16;
	_ =	swait.ge @!p2 [sflag:s9], $0x100  }
0x80: {  	s16 =	simm.s32 @!p2 $0x200;
	s11 =	simm.s32 @!p2 $0x8;
	[sflag:s9] =	ssyncset.done @!p2 $0x0  }
0x81: {  	s8 =	simm.s32 @!p2 $0x400;
	[sflag:s9] =	ssyncadd.s32 @!p2 $0xFFFFFF00;
	s9 =	simm.s32 @!p2 $0x80  }
0x82: {  	[tilespmem:s8], [sflag:$0x5] =	stream.indirect.gather @!p2 [hbm4b:s10+s9], $0x80, s16, s9, $0xb8;
	[tilespmem:$0x1C400] =	vst v63  }
0x83: {  	_ =	swait.ge @!p2 [sflag:s11], $0x4000  }
0x84: {  	[sflag:s11] =	ssyncset.done @!p2 $0x0  }
0x85: {  	s7 =	sadd.s32 @!p2 $0xA0, s7;
	s8 =	simm.s32 @!p2 $0x100;
	[sflag:s11] =	ssyncadd.s32 @!p2 $0xFFFFC000  }
0x86: {  	[tilespmem:s8], [sflag:$0x2] =	stream.linear.gather @!p2 [hbm4b:s7+s4], $0x100, $0x38;
	[tilespmem:$0x1C400] =	vst v63  }
0x87: {  	_ =	swait.ge [sflag:s26], $0x100  }
0x88: {  	[sflag:s26] =	ssyncset.done $0x0  }
0x89: {  	[sflag:s26] =	ssyncadd.s32 $0xFFFFFF00  }
0x8a: {  	[tilespmem:s22], [sflag:$0x6] =	stream.indirect.gather [hbm4b:s10+s19], $0x80, s17, s19, $0xb8;
	[tilespmem:$0x1C400] =	vst v63  }
0x8b: {  	s2 =	sadd.s32 $0x80, s2;
	_ =	swait.ge [sflag:s23], $0x4000  }
0x8c: {  	p1 =	sne.s32 s2, $0xA00;
	[sflag:s23] =	ssyncset.done $0x0  }
.Ltmp0:
0x8d: {  	s16 =	rddreg [dreg:$0x5];
	[sflag:s23] =	ssyncadd.s32 $0xFFFFC000;
	(pc) =	sbr.rel @p1 .LBB2_2-.Ltmp0, $4  }
0x8e: {  	[spmem:s1] =	stream.indirect.scatter.add.f32 [tilespmem:s20], [sflag:$0x7], $0x80, s16, s19, $0xb8;
	[tilespmem:$0x1C400] =	vst v63  }
0x8f: {  	_ =	swait.ge [sflag:s24], $0x4000  }
0x90: {  	[sflag:s24] =	ssyncset.done $0x0  }
0x91: {  	s16 =	rddreg [dreg:$0x6];
	[sflag:s24] =	ssyncadd.s32 $0xFFFFC000  }
0x92: {  	[spmem:s1] =	stream.indirect.scatter.add.f32 [tilespmem:s22], [sflag:$0x8], $0x80, s16, s19, $0xb8;
	[tilespmem:$0x1C400] =	vst v63  }
0x93: {  	s2 =	simm.s32 @!p0 $0x7  }
0x94: {  	_ =	swait.ge @!p0 [sflag:s2], $0x4000  }
0x95: {  	[sflag:s2] =	ssyncset.done @!p0 $0x0  }
0x96: {  	s4 =	simm.s32 @!p0 $0x200;
	[sflag:s2] =	ssyncadd.s32 @!p0 $0xFFFFC000;
	s2 =	simm.s32 @!p0 $0x0  }
0x97: {  	[tilespmem:s4], [sflag:$0x3] =	stream.linear.gather @!p0 [hbm4b:s0+s2], $0x100, $0x38;
	[tilespmem:$0x1C400] =	vst v63  }
0x98: {  	_ =	swait.ge [sflag:s18], $0x100  }
0x99: {  	[sflag:s18] =	ssyncset.done $0x0  }
0x9a: {  	s0 =	simm.s32 @!p0 $0x8;
	[sflag:s18] =	ssyncadd.s32 $0xFFFFFF00  }
0x9b: {  	[tilespmem:s20], [sflag:$0x5] =	stream.indirect.gather [hbm4b:s10+s19], $0x80, s3, s19, $0xb8;
	[tilespmem:$0x1C400] =	vst v63  }
0x9c: {  	_ =	swait.ge @!p0 [sflag:s0], $0x4000  }
0x9d: {  	[sflag:s0] =	ssyncset.done @!p0 $0x0  }
0x9e: {  	[sflag:s0] =	ssyncadd.s32 @!p0 $0xFFFFC000;
	s0 =	simm.s32 @!p0 $0x300  }
0x9f: {  	[tilespmem:s0], [sflag:$0x4] =	stream.linear.gather @!p0 [hbm4b:s31+s2], $0x100, $0x38;
	[tilespmem:$0x1C400] =	vst v63  }
0xa0: {  	_ =	swait.ge [sflag:s21], $0x100  }
0xa1: {  	[sflag:s21] =	ssyncset.done $0x0  }
0xa2: {  	[sflag:s21] =	ssyncadd.s32 $0xFFFFFF00  }
0xa3: {  	[tilespmem:s22], [sflag:$0x6] =	stream.indirect.gather [hbm4b:s10+s19], $0x80, s15, s19, $0xb8;
	[tilespmem:$0x1C400] =	vst v63  }
0xa4: {  	_ =	swait.ge [sflag:s23], $0x4000  }
0xa5: {  	[sflag:s23] =	ssyncset.done $0x0  }
0xa6: {  	[sflag:s23] =	ssyncadd.s32 $0xFFFFC000  }
0xa7: {  	[spmem:s1] =	stream.indirect.scatter.add.f32 [tilespmem:s20], [sflag:$0x7], $0x80, s19, s19, $0xb8;
	[tilespmem:$0x1C400] =	vst v63  }
0xa8: {  	_ =	swait.ge [sflag:s24], $0x4000  }
0xa9: {  	[sflag:s24] =	ssyncset.done $0x0  }
0xaa: {  	s11 =	rddreg [dreg:$0x4];
	[sflag:s24] =	ssyncadd.s32 $0xFFFFC000  }
0xab: {  	[spmem:s1] =	stream.indirect.scatter.add.f32 [tilespmem:s22], [sflag:$0x8], $0x80, s11, s19, $0xb8;
	[tilespmem:$0x1C400] =	vst v63  }
0xac: {  	_ =	swait.ge [sflag:s25], $0x4000  }
0xad: {  	p0 =	seq.s32 s30, $0x980;
	[sflag:s25] =	ssyncset.done $0x0  }
0xae: {  	s0 =	simm.s32 @p0 $0x3;
	[sflag:s25] =	ssyncadd.s32 $0xFFFFC000  }
0xaf: {  	_ =	swait.ge @p0 [sflag:s0], $0x100  }
0xb0: {  	s2 =	simm.s32 @p0 $0x400;
	s4 =	simm.s32 @p0 $0x8;
	[sflag:s0] =	ssyncset.done @p0 $0x0  }
0xb1: {  	s7 =	simm.s32 @p0 $0x200;
	[sflag:s0] =	ssyncadd.s32 @p0 $0xFFFFFF00;
	s0 =	simm.s32 @p0 $0x80  }
0xb2: {  	[tilespmem:s2], [sflag:$0x5] =	stream.indirect.gather @p0 [hbm4b:s10+s0], $0x80, s7, s0, $0xb8;
	[tilespmem:$0x1C400] =	vst v63  }
0xb3: {  	_ =	swait.ge @p0 [sflag:s4], $0x4000  }
0xb4: {  	s0 =	sadd.s32 @!p0 s30, s5;
	s7 =	simm.s32 @!p0 $0x3;
	[sflag:s4] =	ssyncset.done @p0 $0x0  }
0xb5: {  	s2 =	sadd.s32 @!p0 $0x80, s0;
	[sflag:s4] =	ssyncadd.s32 @p0 $0xFFFFC000;
	s4 =	simm.s32 @!p0 $0x0  }
0xb6: {  	[tilespmem:s4], [sflag:$0x1] =	stream.linear.gather @!p0 [hbm4b:s2+s4], $0x100, $0x38;
	[tilespmem:$0x1C400] =	vst v63  }
0xb7: {  	_ =	swait.ge @!p0 [sflag:s7], $0x100  }
0xb8: {  	s8 =	simm.s32 @!p0 $0x200;
	[sflag:s7] =	ssyncset.done @!p0 $0x0  }
0xb9: {  	s2 =	simm.s32 @!p0 $0x400;
	[sflag:s7] =	ssyncadd.s32 @!p0 $0xFFFFFF00;
	s7 =	simm.s32 @!p0 $0x80  }
0xba: {  	[tilespmem:s2], [sflag:$0x5] =	stream.indirect.gather @!p0 [hbm4b:s10+s7], $0x80, s8, s7, $0xb8;
	[tilespmem:$0x1C400] =	vst v63  }
0xbb: {  	s2 =	simm.s32 @!p0 $0x8  }
0xbc: {  	_ =	swait.ge @!p0 [sflag:s2], $0x4000  }
0xbd: {  	[sflag:s2] =	ssyncset.done @!p0 $0x0  }
0xbe: {  	s0 =	sadd.s32 @!p0 $0xA0, s0;
	[sflag:s2] =	ssyncadd.s32 @!p0 $0xFFFFC000;
	s2 =	simm.s32 @!p0 $0x100  }
0xbf: {  	[tilespmem:s2], [sflag:$0x2] =	stream.linear.gather @!p0 [hbm4b:s0+s4], $0x100, $0x38;
	[tilespmem:$0x1C400] =	vst v63  }
0xc0: {  	_ =	swait.ge [sflag:s26], $0x100  }
0xc1: {  	[sflag:s26] =	ssyncset.done $0x0  }
0xc2: {  	[sflag:s26] =	ssyncadd.s32 $0xFFFFFF00  }
0xc3: {  	[tilespmem:s22], [sflag:$0x6] =	stream.indirect.gather [hbm4b:s10+s19], $0x80, s17, s19, $0xb8;
	[tilespmem:$0x1C400] =	vst v63  }
0xc4: {  	_ =	swait.ge [sflag:s23], $0x4000  }
0xc5: {  	[sflag:s23] =	ssyncset.done $0x0  }
0xc6: {  	s16 =	rddreg [dreg:$0x5];
	[sflag:s23] =	ssyncadd.s32 $0xFFFFC000  }
0xc7: {  	[spmem:s1] =	stream.indirect.scatter.add.f32 [tilespmem:s20], [sflag:$0x7], $0x80, s16, s19, $0xb8;
	[tilespmem:$0x1C400] =	vst v63  }
0xc8: {  	_ =	swait.ge [sflag:s24], $0x4000  }
0xc9: {  	[sflag:s24] =	ssyncset.done $0x0  }
0xca: {  	s30 =	rddreg [dreg:$0x6];
	[sflag:s24] =	ssyncadd.s32 $0xFFFFC000  }
0xcb: {  	[spmem:s1] =	stream.indirect.scatter.add.f32 [tilespmem:s22], [sflag:$0x8], $0x80, s30, s19, $0xb8;
	[tilespmem:$0x1C400] =	vst v63  }
0xcc: {  	_ =	swait.ge [sflag:s25], $0x4000  }
0xcd: {  	[sflag:s25] =	ssyncset.done $0x0  }
0xce: {  	[sflag:s25] =	ssyncadd.s32 $0xFFFFC000  }
0xcf: {  	_ =	swait.ge [sflag:s28], $0x4000  }
0xd0: {  	[sflag:s28] =	ssyncset.done $0x0  }
0xd1: {  	s29 =	sadd.s32 $0x1, s29;
	[sflag:s28] =	ssyncadd.s32 $0xFFFFC000  }
0xd2: {  	p0 =	sne.s32 s29, s12;
	[bflag:$0x0] =	sbarrier.arrive $0xFFFF  }
.Ltmp1:
0xd3: {  	s31 =	rddreg [dreg:$0xb];
	(pc) =	sbr.rel @p0 .LBB2_1-.Ltmp1, $4  }
0xd4: {  	[hbm:s31], [sflag:s6] =	dma.local [spmem:s13], $0x2800  }
0xd5: {  	_ =	swait.ge [sflag:s14], $0x2800  }
0xd6: {  	[sflag:s14] =	ssyncset.done $0x0  }
0xd7: {  	[sflag:s14] =	ssyncadd.s32 $0xFFFFD800  }
0xd8: {  	_ =	sfence.sel $0x180000  }
0xd9: {  	[bflag:$0x0] =	sbarrier.arrive $0xFFFF  }
0xda: {  	_ =	strace $0x9000004A  }
0xdb: {  	s0 =	stileid.u32;
	[bflag:$0x2] =	sbarrier.arrive $0xFFFF  }
0xdc: {  	p0 =	sne.s32 s0, $0x0;
	s0 =	rddreg [dreg:$0x3]  }
0xdd: {  	s0 =	sadd.s32 @!p0 $0x100000, s0  }
0xde: {  	[sflag:s0] =	ssyncadd.tile.s32 @!p0 $0x1;
	_ =	shalt  }
.Lfunc_end2:
_tile_overlayer_lowered:
.L_overlay_start_2:
0xdf: {  	(tag) =	ssettag $0x2  }
0xe0: {  	s0 =	rddreg [dreg:$0x0];
	s2 =	stileid.u32  }
0xe1: {  	s1 =	rddreg [dreg:$0x1];
	p0 =	sne.s32 s2, $0x0  }
0xe2: {  	s3 =	rddreg [dreg:$0x2];
	[bflag:$0x3] =	sbarrier.arrive $0xFFFF;
	s2 =	simm.s32 @!p0 $0x1C09  }
0xe3: {  	[timem:s3], [sflag:s2] =	dma.local @!p0 [hbm:s0], s1  }
0xe4: {  	s0 =	simm.s32 @!p0 $0x9  }
0xe5: {  	_ =	swait.ge @!p0 [sflag:s0], s1  }
0xe6: {  	s1 =	ssub.s32 @!p0 $0x0, s1;
	[sflag:s0] =	ssyncset.done @!p0 $0x0  }
0xe7: {  	[sflag:s0] =	ssyncadd.s32 @!p0 s1  }
0xe8: {  	[bflag:$0x3] =	sbarrier.arrive $0xFFFF  }
0xe9: {  	_ =	shalt  }

</sc_bundles>
